<compile_context>
chip_gen: v7x
topology: tpu7x:2x2x1
jax: 0.10.2.dev20260603
libtpu: 0.0.44.dev20260713+nightly
codegen_flags: <defaults>
</compile_context>

<pallas_src>
import functools

import jax
import jax.numpy as jnp
from jax import lax
from jax.experimental import pallas as pl
from jax.experimental.pallas import tpu as pltpu
from jax.experimental.pallas import tpu_sc as plsc

VOCAB = 32
NPOS = 13
NFPOS = 5
DIM = 128
S, B = 200, 1024
PAD = 1

NC, NS, L = 2, 16, 16
NW = NC * NS
TOTAL = S * B
PER_W = TOTAL // NW
CHUNK = 128
NCHUNK = PER_W // CHUNK
CTAB = VOCAB * NPOS * NFPOS
CTAB_PAD = 2176
ROWS_PER_TILE = CTAB_PAD // NS


def _build_ctab_body(et_ref, pt_ref, ft_ref, out_ref):
    r = lax.broadcasted_iota(jnp.int32, (CTAB_PAD, 1), 0)
    d = r // (NPOS * NFPOS)
    p = (r // NFPOS) % NPOS
    f = r % NFPOS
    cd = lax.broadcasted_iota(jnp.int32, (1, VOCAB), 1)
    cp = lax.broadcasted_iota(jnp.int32, (1, NPOS), 1)
    cf = lax.broadcasted_iota(jnp.int32, (1, NFPOS), 1)
    ohd = ((d == cd) & (d != PAD)).astype(jnp.float32)
    ohp = ((p == cp) & (p != PAD)).astype(jnp.float32)
    ohf = ((f == cf) & (f != PAD)).astype(jnp.float32)
    out_ref[...] = (
        jnp.dot(ohd, et_ref[...], preferred_element_type=jnp.float32)
        + jnp.dot(ohp, pt_ref[...], preferred_element_type=jnp.float32)
        + jnp.dot(ohf, ft_ref[...], preferred_element_type=jnp.float32)
    )


def _build_ctab(et, pt, ft):
    return pl.pallas_call(
        _build_ctab_body,
        out_shape=jax.ShapeDtypeStruct((CTAB_PAD, DIM), jnp.float32),
    )(et, pt, ft)


_MESH = plsc.VectorSubcoreMesh(
    core_axis_name="c", subcore_axis_name="s", num_cores=NC, num_subcores=NS
)


@functools.partial(
    pl.kernel,
    out_type=jax.ShapeDtypeStruct((TOTAL, DIM), jnp.float32),
    mesh=_MESH,
    scratch_types=[
        pltpu.VMEM((PER_W,), jnp.int32),
        pltpu.VMEM((PER_W,), jnp.int32),
        pltpu.VMEM((PER_W,), jnp.int32),
        pltpu.VMEM((NCHUNK, CHUNK), jnp.int32),
        pltpu.VMEM((CHUNK, DIM), jnp.float32),
        pltpu.VMEM((CHUNK, DIM), jnp.float32),
        pltpu.VMEM((CHUNK, DIM), jnp.float32),
        pltpu.VMEM((CHUNK, DIM), jnp.float32),
        pltpu.VMEM_SHARED((CTAB_PAD, DIM), jnp.float32),
        pltpu.SemaphoreType.DMA,
        pltpu.SemaphoreType.DMA,
        pltpu.SemaphoreType.DMA,
        pltpu.SemaphoreType.DMA,
        pltpu.SemaphoreType.DMA,
        pltpu.SemaphoreType.DMA,
        pltpu.SemaphoreType.DMA,
        pltpu.SemaphoreType.DMA,
        pltpu.SemaphoreType.DMA,
    ],
)
def _sc_embed(d_hbm, p_hbm, f_hbm, ctab_hbm, out_hbm,
              d_v, p_v, f_v, idx_v, r0, r1, r2, r3, ctab_sh,
              ps, gs0, gs1, gs2, gs3, ss0, ss1, ss2, ss3):
    sid = lax.axis_index("s")
    wid = sid * NC + lax.axis_index("c")
    base = wid * PER_W
    srow = sid * ROWS_PER_TILE
    stage_cp = pltpu.async_copy(
        ctab_hbm.at[pl.ds(srow, ROWS_PER_TILE)],
        ctab_sh.at[pl.ds(srow, ROWS_PER_TILE)], ps)
    d_cp = pltpu.async_copy(d_hbm.at[pl.ds(base, PER_W)], d_v, ps)
    p_cp = pltpu.async_copy(p_hbm.at[pl.ds(base, PER_W)], p_v, ps)
    f_cp = pltpu.async_copy(f_hbm.at[pl.ds(base, PER_W)], f_v, ps)
    d_cp.wait()
    p_cp.wait()
    f_cp.wait()

    def compute_idx(j):
        for k in range(CHUNK // L):
            off = j * CHUNK + k * L
            d16 = d_v[pl.ds(off, L)]
            p16 = p_v[pl.ds(off, L)]
            f16 = f_v[pl.ds(off, L)]
            idx_v[j, pl.ds(k * L, L)] = d16 * (NPOS * NFPOS) + p16 * NFPOS + f16

    for j in range(6):
        compute_idx(j)
    stage_cp.wait()
    plsc.subcore_barrier()

    bufs = (r0, r1, r2, r3)
    gsems = (gs0, gs1, gs2, gs3)
    ssems = (ss0, ss1, ss2, ss3)

    def g_start(c, b):
        pltpu.async_copy(ctab_sh.at[idx_v.at[c]], bufs[b], gsems[b])

    def g_wait(b):
        pltpu.make_async_copy(ctab_sh.at[idx_v.at[0]], bufs[b], gsems[b]).wait()

    def s_start(c, b):
        pltpu.async_copy(bufs[b], out_hbm.at[pl.ds(base + c * CHUNK, CHUNK)],
                         ssems[b])

    def s_wait(b):
        pltpu.make_async_copy(bufs[b], out_hbm.at[pl.ds(base, CHUNK)],
                              ssems[b]).wait()

    g_start(0, 0)
    g_start(1, 1)
    g_start(2, 2)
    g_wait(0)
    s_start(0, 0)
    g_start(3, 3)
    g_wait(1)
    s_start(1, 1)
    s_wait(0)
    g_start(4, 0)
    g_wait(2)
    s_start(2, 2)
    s_wait(1)
    g_start(5, 1)
    g_wait(3)
    s_start(3, 3)

    def pipelined(t, carry):
        c = 4 * t
        for k in range(4):
            bl = (k + 2) % 4
            compute_idx(c + k + 2)
            s_wait(bl)
            g_start(c + k + 2, bl)
            g_wait(k)
            s_start(c + k, k)
        return carry

    lax.fori_loop(1, NCHUNK // 4, pipelined, 0)

    g_wait(0)
    s_start(NCHUNK - 2, 0)
    g_wait(1)
    s_start(NCHUNK - 1, 1)
    s_wait(2)
    s_wait(3)
    s_wait(0)
    s_wait(1)


def kernel(batch_datasets, batch_positionals, batch_float_positionals,
           emb_table, pos_table, fpos_table):
    ctab = _build_ctab(emb_table, pos_table, fpos_table)
    d = batch_datasets.reshape(-1)
    p = batch_positionals.reshape(-1)
    f = batch_float_positionals.reshape(-1)
    out = _sc_embed(d, p, f, ctab)
    return out.reshape(S, B, DIM)

# --- scband reference (transcript-rebuilt; emitter-appended) ---
"""Pipeline reference for scband-flat-embedder-41369124995904 (READ-ONLY COPY).

The authoritative reference and input builder live on the scoring server;
editing this copy changes nothing except your own understanding.
"""

import jax, jax.numpy as jnp
import numpy as np

VOCAB = 32   # len(word2id): digit-level float tokenizer vocab
NPOS = 13    # positional embedding table size
NFPOS = 5    # float-positional embedding table size
DIM = 128    # embedding dim
S, B = 200, 1024  # [max_seq_len, batch] layout as produced by FlatEmbedder.batch()
PAD = 1


def setup_inputs(seed: int = 0) -> dict:
    key = jax.random.key(seed)
    k1, k2, k3, k4, k5, k6 = jax.random.split(key, 6)
    batch_datasets = jax.random.randint(k1, (S, B), 0, VOCAB, dtype=jnp.int32)
    batch_positionals = jax.random.randint(k2, (S, B), 0, NPOS, dtype=jnp.int32)
    batch_float_positionals = jax.random.randint(k3, (S, B), 0, NFPOS, dtype=jnp.int32)
    emb_table = jax.random.normal(k4, (VOCAB, DIM), dtype=jnp.float32)
    pos_table = jax.random.normal(k5, (NPOS, DIM), dtype=jnp.float32)
    fpos_table = jax.random.normal(k6, (NFPOS, DIM), dtype=jnp.float32)
    return {
        "batch_datasets": batch_datasets,
        "batch_positionals": batch_positionals,
        "batch_float_positionals": batch_float_positionals,
        "emb_table": emb_table,
        "pos_table": pos_table,
        "fpos_table": fpos_table,
    }


def reference(batch_datasets, batch_positionals, batch_float_positionals, emb_table, pos_table, fpos_table):
    # Faithful translation of FlatEmbedder.embed():
    # three nn.Embedding lookups (each with padding_idx=1 -> zero row) summed.
    et = emb_table.at[PAD].set(0.0)
    pt = pos_table.at[PAD].set(0.0)
    ft = fpos_table.at[PAD].set(0.0)
    out = (jnp.take(et, batch_datasets, axis=0)
           + jnp.take(pt, batch_positionals, axis=0)
           + jnp.take(ft, batch_float_positionals, axis=0))
    return out

if __name__ == "__main__":
    import jax
    _d = setup_inputs()
    print(jax.jit(kernel)(*tuple(_d.values())))

</pallas_src>

<mosaic_0001>
#map = affine_map<(d0, d1) -> (0)>
#map1 = affine_map<(d0, d1) -> (0, 0)>
module attributes {stable_mosaic.version = 14 : i64} {
  func.func @_sc_embed(%arg0: i32, %arg1: i32, %arg2: memref<204800xi32, #tpu.memory_space<hbm>>, %arg3: memref<204800xi32, #tpu.memory_space<hbm>>, %arg4: memref<204800xi32, #tpu.memory_space<hbm>>, %arg5: memref<2176x128xf32, #tpu.memory_space<hbm>>, %arg6: memref<204800x128xf32, #tpu.memory_space<hbm>>, %arg7: memref<6400xi32, #tpu.memory_space<vmem>>, %arg8: memref<6400xi32, #tpu.memory_space<vmem>>, %arg9: memref<6400xi32, #tpu.memory_space<vmem>>, %arg10: memref<50x128xi32, #tpu.memory_space<vmem>>, %arg11: memref<128x128xf32, #tpu.memory_space<vmem>>, %arg12: memref<128x128xf32, #tpu.memory_space<vmem>>, %arg13: memref<128x128xf32, #tpu.memory_space<vmem>>, %arg14: memref<128x128xf32, #tpu.memory_space<vmem>>, %arg15: memref<2176x128xf32, #tpu.memory_space<vmem_shared>>, %arg16: memref<!tpu.dma_semaphore, #tpu.memory_space<semaphore_mem>>, %arg17: memref<!tpu.dma_semaphore, #tpu.memory_space<semaphore_mem>>, %arg18: memref<!tpu.dma_semaphore, #tpu.memory_space<semaphore_mem>>, %arg19: memref<!tpu.dma_semaphore, #tpu.memory_space<semaphore_mem>>, %arg20: memref<!tpu.dma_semaphore, #tpu.memory_space<semaphore_mem>>, %arg21: memref<!tpu.dma_semaphore, #tpu.memory_space<semaphore_mem>>, %arg22: memref<!tpu.dma_semaphore, #tpu.memory_space<semaphore_mem>>, %arg23: memref<!tpu.dma_semaphore, #tpu.memory_space<semaphore_mem>>, %arg24: memref<!tpu.dma_semaphore, #tpu.memory_space<semaphore_mem>>) attributes {dimension_semantics = [#tpu.dimension_semantics<core_parallel>, #tpu.dimension_semantics<subcore_parallel>], iteration_bounds = array<i64: 2, 16>, scalar_prefetch = 0 : i64, scratch_operands = 18 : i64, tpu.core_type = #tpu.core_type<sc_vector_subcore>, window_params = [{transform_indices = #map}, {transform_indices = #map}, {transform_indices = #map}, {transform_indices = #map1}, {transform_indices = #map1}]} {
    %mul3A = arith.constant 2 : i32
    %mul3A_0 = arith.muli %arg1, %mul3A : i32
    %add3A = arith.addi %mul3A_0, %arg0 : i32
    %mul3A_1 = arith.constant 6400 : i32
    %mul3A_2 = arith.muli %add3A, %mul3A_1 : i32
    %mul3A_3 = arith.constant 136 : i32
    %mul3A_4 = arith.muli %arg1, %mul3A_3 : i32
    %dma_start3A = arith.constant 0 : i32
    %dma_start3A_5 = tpu.memref_slice %arg15[%mul3A_4, %dma_start3A] : memref<2176x128xf32, #tpu.memory_space<vmem_shared>> -> memref<136x128xf32, #tpu.memory_space<vmem_shared>>
    %dma_start3A_6 = arith.constant 0 : i32
    %dma_start3A_7 = tpu.memref_slice %arg5[%mul3A_4, %dma_start3A_6] : memref<2176x128xf32, #tpu.memory_space<hbm>> -> memref<136x128xf32, #tpu.memory_space<hbm>>
    tpu.enqueue_dma source(%dma_start3A_7 : memref<136x128xf32, #tpu.memory_space<hbm>>) target(%dma_start3A_5 : memref<136x128xf32, #tpu.memory_space<vmem_shared>>) target_semaphore(%arg16 : memref<!tpu.dma_semaphore, #tpu.memory_space<semaphore_mem>>)
    %dma_start3A_8 = tpu.memref_slice %arg2[%mul3A_2] : memref<204800xi32, #tpu.memory_space<hbm>> -> memref<6400xi32, #tpu.memory_space<hbm>>
    %dma_start3A_9 = tpu.memref_slice %arg2[%mul3A_2] : memref<204800xi32, #tpu.memory_space<hbm>> -> memref<6400xi32, #tpu.memory_space<hbm>>
    tpu.enqueue_dma source(%dma_start3A_9 : memref<6400xi32, #tpu.memory_space<hbm>>) target(%arg7 : memref<6400xi32, #tpu.memory_space<vmem>>) target_semaphore(%arg16 : memref<!tpu.dma_semaphore, #tpu.memory_space<semaphore_mem>>)
    %dma_start3A_10 = tpu.memref_slice %arg3[%mul3A_2] : memref<204800xi32, #tpu.memory_space<hbm>> -> memref<6400xi32, #tpu.memory_space<hbm>>
    %dma_start3A_11 = tpu.memref_slice %arg3[%mul3A_2] : memref<204800xi32, #tpu.memory_space<hbm>> -> memref<6400xi32, #tpu.memory_space<hbm>>
    tpu.enqueue_dma source(%dma_start3A_11 : memref<6400xi32, #tpu.memory_space<hbm>>) target(%arg8 : memref<6400xi32, #tpu.memory_space<vmem>>) target_semaphore(%arg16 : memref<!tpu.dma_semaphore, #tpu.memory_space<semaphore_mem>>)
    %dma_start3A_12 = tpu.memref_slice %arg4[%mul3A_2] : memref<204800xi32, #tpu.memory_space<hbm>> -> memref<6400xi32, #tpu.memory_space<hbm>>
    %dma_start3A_13 = tpu.memref_slice %arg4[%mul3A_2] : memref<204800xi32, #tpu.memory_space<hbm>> -> memref<6400xi32, #tpu.memory_space<hbm>>
    tpu.enqueue_dma source(%dma_start3A_13 : memref<6400xi32, #tpu.memory_space<hbm>>) target(%arg9 : memref<6400xi32, #tpu.memory_space<vmem>>) target_semaphore(%arg16 : memref<!tpu.dma_semaphore, #tpu.memory_space<semaphore_mem>>)
    %dma_wait3A = tpu.memref_slice %arg2[%mul3A_2] : memref<204800xi32, #tpu.memory_space<hbm>> -> memref<6400xi32, #tpu.memory_space<hbm>>
    %dma_wait3A_14 = tpu.memref_slice %arg2[%mul3A_2] : memref<204800xi32, #tpu.memory_space<hbm>> -> memref<6400xi32, #tpu.memory_space<hbm>>
    tpu.wait_dma2 semaphore(%arg16 : memref<!tpu.dma_semaphore, #tpu.memory_space<semaphore_mem>>) src(%dma_wait3A_14 : memref<6400xi32, #tpu.memory_space<hbm>>) dst(%arg7 : memref<6400xi32, #tpu.memory_space<vmem>>)
    %dma_wait3A_15 = tpu.memref_slice %arg3[%mul3A_2] : memref<204800xi32, #tpu.memory_space<hbm>> -> memref<6400xi32, #tpu.memory_space<hbm>>
    %dma_wait3A_16 = tpu.memref_slice %arg3[%mul3A_2] : memref<204800xi32, #tpu.memory_space<hbm>> -> memref<6400xi32, #tpu.memory_space<hbm>>
    tpu.wait_dma2 semaphore(%arg16 : memref<!tpu.dma_semaphore, #tpu.memory_space<semaphore_mem>>) src(%dma_wait3A_16 : memref<6400xi32, #tpu.memory_space<hbm>>) dst(%arg8 : memref<6400xi32, #tpu.memory_space<vmem>>)
    %dma_wait3A_17 = tpu.memref_slice %arg4[%mul3A_2] : memref<204800xi32, #tpu.memory_space<hbm>> -> memref<6400xi32, #tpu.memory_space<hbm>>
    %dma_wait3A_18 = tpu.memref_slice %arg4[%mul3A_2] : memref<204800xi32, #tpu.memory_space<hbm>> -> memref<6400xi32, #tpu.memory_space<hbm>>
    tpu.wait_dma2 semaphore(%arg16 : memref<!tpu.dma_semaphore, #tpu.memory_space<semaphore_mem>>) src(%dma_wait3A_18 : memref<6400xi32, #tpu.memory_space<hbm>>) dst(%arg9 : memref<6400xi32, #tpu.memory_space<vmem>>)
    %get3A = arith.constant 0 : index
    %get3A_19 = tpu.vector_load %arg7[%get3A] {strides = array<i32>} : memref<6400xi32, #tpu.memory_space<vmem>>, vector<16xi32>,
    %get3A_20 = vector.shape_cast %get3A_19 : vector<16xi32> to vector<16xi32>
    %get3A_21 = arith.constant 0 : index
    %get3A_22 = tpu.vector_load %arg8[%get3A_21] {strides = array<i32>} : memref<6400xi32, #tpu.memory_space<vmem>>, vector<16xi32>,
    %get3A_23 = vector.shape_cast %get3A_22 : vector<16xi32> to vector<16xi32>
    %get3A_24 = arith.constant 0 : index
    %get3A_25 = tpu.vector_load %arg9[%get3A_24] {strides = array<i32>} : memref<6400xi32, #tpu.memory_space<vmem>>, vector<16xi32>,
    %get3A_26 = vector.shape_cast %get3A_25 : vector<16xi32> to vector<16xi32>
    %mul3A_27 = arith.constant 65 : i32
    %mul3A_28 = vector.broadcast %mul3A_27 : i32 to vector<16xi32>
    %mul3A_29 = arith.muli %get3A_20, %mul3A_28 : vector<16xi32>
    %mul3A_30 = arith.constant 5 : i32
    %mul3A_31 = vector.broadcast %mul3A_30 : i32 to vector<16xi32>
    %mul3A_32 = arith.muli %get3A_23, %mul3A_31 : vector<16xi32>
    %add3A_33 = arith.addi %mul3A_29, %mul3A_32 : vector<16xi32>
    %add3A_34 = arith.addi %add3A_33, %get3A_26 : vector<16xi32>
    %swap3A = arith.constant 0 : i32
    %swap3A_35 = arith.index_cast %swap3A : i32 to index
    %swap3A_36 = arith.constant 0 : index
    %swap3A_37 = tpu.vector_load %arg10[%swap3A_35, %swap3A_36] {strides = array<i32>} : memref<50x128xi32, #tpu.memory_space<vmem>>, vector<1x16xi32>,
    %swap3A_38 = vector.shape_cast %swap3A_37 : vector<1x16xi32> to vector<16xi32>
    %swap3A_39 = vector.shape_cast %add3A_34 : vector<16xi32> to vector<1x16xi32>
    tpu.vector_store %arg10[%swap3A_35, %swap3A_36], %swap3A_39 {strides = array<i32>} : memref<50x128xi32, #tpu.memory_space<vmem>>, vector<1x16xi32>,
    %get3A_40 = arith.constant 16 : index
    %get3A_41 = tpu.vector_load %arg7[%get3A_40] {strides = array<i32>} : memref<6400xi32, #tpu.memory_space<vmem>>, vector<16xi32>,
    %get3A_42 = vector.shape_cast %get3A_41 : vector<16xi32> to vector<16xi32>
    %get3A_43 = arith.constant 16 : index
    %get3A_44 = tpu.vector_load %arg8[%get3A_43] {strides = array<i32>} : memref<6400xi32, #tpu.memory_space<vmem>>, vector<16xi32>,
    %get3A_45 = vector.shape_cast %get3A_44 : vector<16xi32> to vector<16xi32>
    %get3A_46 = arith.constant 16 : index
    %get3A_47 = tpu.vector_load %arg9[%get3A_46] {strides = array<i32>} : memref<6400xi32, #tpu.memory_space<vmem>>, vector<16xi32>,
    %get3A_48 = vector.shape_cast %get3A_47 : vector<16xi32> to vector<16xi32>
    %mul3A_49 = arith.constant 65 : i32
    %mul3A_50 = vector.broadcast %mul3A_49 : i32 to vector<16xi32>
    %mul3A_51 = arith.muli %get3A_42, %mul3A_50 : vector<16xi32>
    %mul3A_52 = arith.constant 5 : i32
    %mul3A_53 = vector.broadcast %mul3A_52 : i32 to vector<16xi32>
    %mul3A_54 = arith.muli %get3A_45, %mul3A_53 : vector<16xi32>
    %add3A_55 = arith.addi %mul3A_51, %mul3A_54 : vector<16xi32>
    %add3A_56 = arith.addi %add3A_55, %get3A_48 : vector<16xi32>
    %swap3A_57 = arith.constant 0 : i32
    %swap3A_58 = arith.index_cast %swap3A_57 : i32 to index
    %swap3A_59 = arith.constant 16 : index
    %swap3A_60 = tpu.vector_load %arg10[%swap3A_58, %swap3A_59] {strides = array<i32>} : memref<50x128xi32, #tpu.memory_space<vmem>>, vector<1x16xi32>,
    %swap3A_61 = vector.shape_cast %swap3A_60 : vector<1x16xi32> to vector<16xi32>
    %swap3A_62 = vector.shape_cast %add3A_56 : vector<16xi32> to vector<1x16xi32>
    tpu.vector_store %arg10[%swap3A_58, %swap3A_59], %swap3A_62 {strides = array<i32>} : memref<50x128xi32, #tpu.memory_space<vmem>>, vector<1x16xi32>,
    %get3A_63 = arith.constant 32 : index
    %get3A_64 = tpu.vector_load %arg7[%get3A_63] {strides = array<i32>} : memref<6400xi32, #tpu.memory_space<vmem>>, vector<16xi32>,
    %get3A_65 = vector.shape_cast %get3A_64 : vector<16xi32> to vector<16xi32>
    %get3A_66 = arith.constant 32 : index
    %get3A_67 = tpu.vector_load %arg8[%get3A_66] {strides = array<i32>} : memref<6400xi32, #tpu.memory_space<vmem>>, vector<16xi32>,
    %get3A_68 = vector.shape_cast %get3A_67 : vector<16xi32> to vector<16xi32>
    %get3A_69 = arith.constant 32 : index
    %get3A_70 = tpu.vector_load %arg9[%get3A_69] {strides = array<i32>} : memref<6400xi32, #tpu.memory_space<vmem>>, vector<16xi32>,
    %get3A_71 = vector.shape_cast %get3A_70 : vector<16xi32> to vector<16xi32>
    %mul3A_72 = arith.constant 65 : i32
    %mul3A_73 = vector.broadcast %mul3A_72 : i32 to vector<16xi32>
    %mul3A_74 = arith.muli %get3A_65, %mul3A_73 : vector<16xi32>
    %mul3A_75 = arith.constant 5 : i32
    %mul3A_76 = vector.broadcast %mul3A_75 : i32 to vector<16xi32>
    %mul3A_77 = arith.muli %get3A_68, %mul3A_76 : vector<16xi32>
    %add3A_78 = arith.addi %mul3A_74, %mul3A_77 : vector<16xi32>
    %add3A_79 = arith.addi %add3A_78, %get3A_71 : vector<16xi32>
    %swap3A_80 = arith.constant 0 : i32
    %swap3A_81 = arith.index_cast %swap3A_80 : i32 to index
    %swap3A_82 = arith.constant 32 : index
    %swap3A_83 = tpu.vector_load %arg10[%swap3A_81, %swap3A_82] {strides = array<i32>} : memref<50x128xi32, #tpu.memory_space<vmem>>, vector<1x16xi32>,
    %swap3A_84 = vector.shape_cast %swap3A_83 : vector<1x16xi32> to vector<16xi32>
    %swap3A_85 = vector.shape_cast %add3A_79 : vector<16xi32> to vector<1x16xi32>
    tpu.vector_store %arg10[%swap3A_81, %swap3A_82], %swap3A_85 {strides = array<i32>} : memref<50x128xi32, #tpu.memory_space<vmem>>, vector<1x16xi32>,
    %get3A_86 = arith.constant 48 : index
    %get3A_87 = tpu.vector_load %arg7[%get3A_86] {strides = array<i32>} : memref<6400xi32, #tpu.memory_space<vmem>>, vector<16xi32>,
    %get3A_88 = vector.shape_cast %get3A_87 : vector<16xi32> to vector<16xi32>
    %get3A_89 = arith.constant 48 : index
    %get3A_90 = tpu.vector_load %arg8[%get3A_89] {strides = array<i32>} : memref<6400xi32, #tpu.memory_space<vmem>>, vector<16xi32>,
    %get3A_91 = vector.shape_cast %get3A_90 : vector<16xi32> to vector<16xi32>
    %get3A_92 = arith.constant 48 : index
    %get3A_93 = tpu.vector_load %arg9[%get3A_92] {strides = array<i32>} : memref<6400xi32, #tpu.memory_space<vmem>>, vector<16xi32>,
    %get3A_94 = vector.shape_cast %get3A_93 : vector<16xi32> to vector<16xi32>
    %mul3A_95 = arith.constant 65 : i32
    %mul3A_96 = vector.broadcast %mul3A_95 : i32 to vector<16xi32>
    %mul3A_97 = arith.muli %get3A_88, %mul3A_96 : vector<16xi32>
    %mul3A_98 = arith.constant 5 : i32
    %mul3A_99 = vector.broadcast %mul3A_98 : i32 to vector<16xi32>
    %mul3A_100 = arith.muli %get3A_91, %mul3A_99 : vector<16xi32>
    %add3A_101 = arith.addi %mul3A_97, %mul3A_100 : vector<16xi32>
    %add3A_102 = arith.addi %add3A_101, %get3A_94 : vector<16xi32>
    %swap3A_103 = arith.constant 0 : i32
    %swap3A_104 = arith.index_cast %swap3A_103 : i32 to index
    %swap3A_105 = arith.constant 48 : index
    %swap3A_106 = tpu.vector_load %arg10[%swap3A_104, %swap3A_105] {strides = array<i32>} : memref<50x128xi32, #tpu.memory_space<vmem>>, vector<1x16xi32>,
    %swap3A_107 = vector.shape_cast %swap3A_106 : vector<1x16xi32> to vector<16xi32>
    %swap3A_108 = vector.shape_cast %add3A_102 : vector<16xi32> to vector<1x16xi32>
    tpu.vector_store %arg10[%swap3A_104, %swap3A_105], %swap3A_108 {strides = array<i32>} : memref<50x128xi32, #tpu.memory_space<vmem>>, vector<1x16xi32>,
    %get3A_109 = arith.constant 64 : index
    %get3A_110 = tpu.vector_load %arg7[%get3A_109] {strides = array<i32>} : memref<6400xi32, #tpu.memory_space<vmem>>, vector<16xi32>,
    %get3A_111 = vector.shape_cast %get3A_110 : vector<16xi32> to vector<16xi32>
    %get3A_112 = arith.constant 64 : index
    %get3A_113 = tpu.vector_load %arg8[%get3A_112] {strides = array<i32>} : memref<6400xi32, #tpu.memory_space<vmem>>, vector<16xi32>,
    %get3A_114 = vector.shape_cast %get3A_113 : vector<16xi32> to vector<16xi32>
    %get3A_115 = arith.constant 64 : index
    %get3A_116 = tpu.vector_load %arg9[%get3A_115] {strides = array<i32>} : memref<6400xi32, #tpu.memory_space<vmem>>, vector<16xi32>,
    %get3A_117 = vector.shape_cast %get3A_116 : vector<16xi32> to vector<16xi32>
    %mul3A_118 = arith.constant 65 : i32
    %mul3A_119 = vector.broadcast %mul3A_118 : i32 to vector<16xi32>
    %mul3A_120 = arith.muli %get3A_111, %mul3A_119 : vector<16xi32>
    %mul3A_121 = arith.constant 5 : i32
    %mul3A_122 = vector.broadcast %mul3A_121 : i32 to vector<16xi32>
    %mul3A_123 = arith.muli %get3A_114, %mul3A_122 : vector<16xi32>
    %add3A_124 = arith.addi %mul3A_120, %mul3A_123 : vector<16xi32>
    %add3A_125 = arith.addi %add3A_124, %get3A_117 : vector<16xi32>
    %swap3A_126 = arith.constant 0 : i32
    %swap3A_127 = arith.index_cast %swap3A_126 : i32 to index
    %swap3A_128 = arith.constant 64 : index
    %swap3A_129 = tpu.vector_load %arg10[%swap3A_127, %swap3A_128] {strides = array<i32>} : memref<50x128xi32, #tpu.memory_space<vmem>>, vector<1x16xi32>,
    %swap3A_130 = vector.shape_cast %swap3A_129 : vector<1x16xi32> to vector<16xi32>
    %swap3A_131 = vector.shape_cast %add3A_125 : vector<16xi32> to vector<1x16xi32>
    tpu.vector_store %arg10[%swap3A_127, %swap3A_128], %swap3A_131 {strides = array<i32>} : memref<50x128xi32, #tpu.memory_space<vmem>>, vector<1x16xi32>,
    %get3A_132 = arith.constant 80 : index
    %get3A_133 = tpu.vector_load %arg7[%get3A_132] {strides = array<i32>} : memref<6400xi32, #tpu.memory_space<vmem>>, vector<16xi32>,
    %get3A_134 = vector.shape_cast %get3A_133 : vector<16xi32> to vector<16xi32>
    %get3A_135 = arith.constant 80 : index
    %get3A_136 = tpu.vector_load %arg8[%get3A_135] {strides = array<i32>} : memref<6400xi32, #tpu.memory_space<vmem>>, vector<16xi32>,
    %get3A_137 = vector.shape_cast %get3A_136 : vector<16xi32> to vector<16xi32>
    %get3A_138 = arith.constant 80 : index
    %get3A_139 = tpu.vector_load %arg9[%get3A_138] {strides = array<i32>} : memref<6400xi32, #tpu.memory_space<vmem>>, vector<16xi32>,
    %get3A_140 = vector.shape_cast %get3A_139 : vector<16xi32> to vector<16xi32>
    %mul3A_141 = arith.constant 65 : i32
    %mul3A_142 = vector.broadcast %mul3A_141 : i32 to vector<16xi32>
    %mul3A_143 = arith.muli %get3A_134, %mul3A_142 : vector<16xi32>
    %mul3A_144 = arith.constant 5 : i32
    %mul3A_145 = vector.broadcast %mul3A_144 : i32 to vector<16xi32>
    %mul3A_146 = arith.muli %get3A_137, %mul3A_145 : vector<16xi32>
    %add3A_147 = arith.addi %mul3A_143, %mul3A_146 : vector<16xi32>
    %add3A_148 = arith.addi %add3A_147, %get3A_140 : vector<16xi32>
    %swap3A_149 = arith.constant 0 : i32
    %swap3A_150 = arith.index_cast %swap3A_149 : i32 to index
    %swap3A_151 = arith.constant 80 : index
    %swap3A_152 = tpu.vector_load %arg10[%swap3A_150, %swap3A_151] {strides = array<i32>} : memref<50x128xi32, #tpu.memory_space<vmem>>, vector<1x16xi32>,
    %swap3A_153 = vector.shape_cast %swap3A_152 : vector<1x16xi32> to vector<16xi32>
    %swap3A_154 = vector.shape_cast %add3A_148 : vector<16xi32> to vector<1x16xi32>
    tpu.vector_store %arg10[%swap3A_150, %swap3A_151], %swap3A_154 {strides = array<i32>} : memref<50x128xi32, #tpu.memory_space<vmem>>, vector<1x16xi32>,
    %get3A_155 = arith.constant 96 : index
    %get3A_156 = tpu.vector_load %arg7[%get3A_155] {strides = array<i32>} : memref<6400xi32, #tpu.memory_space<vmem>>, vector<16xi32>,
    %get3A_157 = vector.shape_cast %get3A_156 : vector<16xi32> to vector<16xi32>
    %get3A_158 = arith.constant 96 : index
    %get3A_159 = tpu.vector_load %arg8[%get3A_158] {strides = array<i32>} : memref<6400xi32, #tpu.memory_space<vmem>>, vector<16xi32>,
    %get3A_160 = vector.shape_cast %get3A_159 : vector<16xi32> to vector<16xi32>
    %get3A_161 = arith.constant 96 : index
    %get3A_162 = tpu.vector_load %arg9[%get3A_161] {strides = array<i32>} : memref<6400xi32, #tpu.memory_space<vmem>>, vector<16xi32>,
    %get3A_163 = vector.shape_cast %get3A_162 : vector<16xi32> to vector<16xi32>
    %mul3A_164 = arith.constant 65 : i32
    %mul3A_165 = vector.broadcast %mul3A_164 : i32 to vector<16xi32>
    %mul3A_166 = arith.muli %get3A_157, %mul3A_165 : vector<16xi32>
    %mul3A_167 = arith.constant 5 : i32
    %mul3A_168 = vector.broadcast %mul3A_167 : i32 to vector<16xi32>
    %mul3A_169 = arith.muli %get3A_160, %mul3A_168 : vector<16xi32>
    %add3A_170 = arith.addi %mul3A_166, %mul3A_169 : vector<16xi32>
    %add3A_171 = arith.addi %add3A_170, %get3A_163 : vector<16xi32>
    %swap3A_172 = arith.constant 0 : i32
    %swap3A_173 = arith.index_cast %swap3A_172 : i32 to index
    %swap3A_174 = arith.constant 96 : index
    %swap3A_175 = tpu.vector_load %arg10[%swap3A_173, %swap3A_174] {strides = array<i32>} : memref<50x128xi32, #tpu.memory_space<vmem>>, vector<1x16xi32>,
    %swap3A_176 = vector.shape_cast %swap3A_175 : vector<1x16xi32> to vector<16xi32>
    %swap3A_177 = vector.shape_cast %add3A_171 : vector<16xi32> to vector<1x16xi32>
    tpu.vector_store %arg10[%swap3A_173, %swap3A_174], %swap3A_177 {strides = array<i32>} : memref<50x128xi32, #tpu.memory_space<vmem>>, vector<1x16xi32>,
    %get3A_178 = arith.constant 112 : index
    %get3A_179 = tpu.vector_load %arg7[%get3A_178] {strides = array<i32>} : memref<6400xi32, #tpu.memory_space<vmem>>, vector<16xi32>,
    %get3A_180 = vector.shape_cast %get3A_179 : vector<16xi32> to vector<16xi32>
    %get3A_181 = arith.constant 112 : index
    %get3A_182 = tpu.vector_load %arg8[%get3A_181] {strides = array<i32>} : memref<6400xi32, #tpu.memory_space<vmem>>, vector<16xi32>,
    %get3A_183 = vector.shape_cast %get3A_182 : vector<16xi32> to vector<16xi32>
    %get3A_184 = arith.constant 112 : index
    %get3A_185 = tpu.vector_load %arg9[%get3A_184] {strides = array<i32>} : memref<6400xi32, #tpu.memory_space<vmem>>, vector<16xi32>,
    %get3A_186 = vector.shape_cast %get3A_185 : vector<16xi32> to vector<16xi32>
    %mul3A_187 = arith.constant 65 : i32
    %mul3A_188 = vector.broadcast %mul3A_187 : i32 to vector<16xi32>
    %mul3A_189 = arith.muli %get3A_180, %mul3A_188 : vector<16xi32>
    %mul3A_190 = arith.constant 5 : i32
    %mul3A_191 = vector.broadcast %mul3A_190 : i32 to vector<16xi32>
    %mul3A_192 = arith.muli %get3A_183, %mul3A_191 : vector<16xi32>
    %add3A_193 = arith.addi %mul3A_189, %mul3A_192 : vector<16xi32>
    %add3A_194 = arith.addi %add3A_193, %get3A_186 : vector<16xi32>
    %swap3A_195 = arith.constant 0 : i32
    %swap3A_196 = arith.index_cast %swap3A_195 : i32 to index
    %swap3A_197 = arith.constant 112 : index
    %swap3A_198 = tpu.vector_load %arg10[%swap3A_196, %swap3A_197] {strides = array<i32>} : memref<50x128xi32, #tpu.memory_space<vmem>>, vector<1x16xi32>,
    %swap3A_199 = vector.shape_cast %swap3A_198 : vector<1x16xi32> to vector<16xi32>
    %swap3A_200 = vector.shape_cast %add3A_194 : vector<16xi32> to vector<1x16xi32>
    tpu.vector_store %arg10[%swap3A_196, %swap3A_197], %swap3A_200 {strides = array<i32>} : memref<50x128xi32, #tpu.memory_space<vmem>>, vector<1x16xi32>,
    %get3A_201 = arith.constant 128 : index
    %get3A_202 = tpu.vector_load %arg7[%get3A_201] {strides = array<i32>} : memref<6400xi32, #tpu.memory_space<vmem>>, vector<16xi32>,
    %get3A_203 = vector.shape_cast %get3A_202 : vector<16xi32> to vector<16xi32>
    %get3A_204 = arith.constant 128 : index
    %get3A_205 = tpu.vector_load %arg8[%get3A_204] {strides = array<i32>} : memref<6400xi32, #tpu.memory_space<vmem>>, vector<16xi32>,
    %get3A_206 = vector.shape_cast %get3A_205 : vector<16xi32> to vector<16xi32>
    %get3A_207 = arith.constant 128 : index
    %get3A_208 = tpu.vector_load %arg9[%get3A_207] {strides = array<i32>} : memref<6400xi32, #tpu.memory_space<vmem>>, vector<16xi32>,
    %get3A_209 = vector.shape_cast %get3A_208 : vector<16xi32> to vector<16xi32>
    %mul3A_210 = arith.constant 65 : i32
    %mul3A_211 = vector.broadcast %mul3A_210 : i32 to vector<16xi32>
    %mul3A_212 = arith.muli %get3A_203, %mul3A_211 : vector<16xi32>
    %mul3A_213 = arith.constant 5 : i32
    %mul3A_214 = vector.broadcast %mul3A_213 : i32 to vector<16xi32>
    %mul3A_215 = arith.muli %get3A_206, %mul3A_214 : vector<16xi32>
    %add3A_216 = arith.addi %mul3A_212, %mul3A_215 : vector<16xi32>
    %add3A_217 = arith.addi %add3A_216, %get3A_209 : vector<16xi32>
    %swap3A_218 = arith.constant 1 : i32
    %swap3A_219 = arith.index_cast %swap3A_218 : i32 to index
    %swap3A_220 = arith.constant 0 : index
    %swap3A_221 = tpu.vector_load %arg10[%swap3A_219, %swap3A_220] {strides = array<i32>} : memref<50x128xi32, #tpu.memory_space<vmem>>, vector<1x16xi32>,
    %swap3A_222 = vector.shape_cast %swap3A_221 : vector<1x16xi32> to vector<16xi32>
    %swap3A_223 = vector.shape_cast %add3A_217 : vector<16xi32> to vector<1x16xi32>
    tpu.vector_store %arg10[%swap3A_219, %swap3A_220], %swap3A_223 {strides = array<i32>} : memref<50x128xi32, #tpu.memory_space<vmem>>, vector<1x16xi32>,
    %get3A_224 = arith.constant 144 : index
    %get3A_225 = tpu.vector_load %arg7[%get3A_224] {strides = array<i32>} : memref<6400xi32, #tpu.memory_space<vmem>>, vector<16xi32>,
    %get3A_226 = vector.shape_cast %get3A_225 : vector<16xi32> to vector<16xi32>
    %get3A_227 = arith.constant 144 : index
    %get3A_228 = tpu.vector_load %arg8[%get3A_227] {strides = array<i32>} : memref<6400xi32, #tpu.memory_space<vmem>>, vector<16xi32>,
    %get3A_229 = vector.shape_cast %get3A_228 : vector<16xi32> to vector<16xi32>
    %get3A_230 = arith.constant 144 : index
    %get3A_231 = tpu.vector_load %arg9[%get3A_230] {strides = array<i32>} : memref<6400xi32, #tpu.memory_space<vmem>>, vector<16xi32>,
    %get3A_232 = vector.shape_cast %get3A_231 : vector<16xi32> to vector<16xi32>
    %mul3A_233 = arith.constant 65 : i32
    %mul3A_234 = vector.broadcast %mul3A_233 : i32 to vector<16xi32>
    %mul3A_235 = arith.muli %get3A_226, %mul3A_234 : vector<16xi32>
    %mul3A_236 = arith.constant 5 : i32
    %mul3A_237 = vector.broadcast %mul3A_236 : i32 to vector<16xi32>
    %mul3A_238 = arith.muli %get3A_229, %mul3A_237 : vector<16xi32>
    %add3A_239 = arith.addi %mul3A_235, %mul3A_238 : vector<16xi32>
    %add3A_240 = arith.addi %add3A_239, %get3A_232 : vector<16xi32>
    %swap3A_241 = arith.constant 1 : i32
    %swap3A_242 = arith.index_cast %swap3A_241 : i32 to index
    %swap3A_243 = arith.constant 16 : index
    %swap3A_244 = tpu.vector_load %arg10[%swap3A_242, %swap3A_243] {strides = array<i32>} : memref<50x128xi32, #tpu.memory_space<vmem>>, vector<1x16xi32>,
    %swap3A_245 = vector.shape_cast %swap3A_244 : vector<1x16xi32> to vector<16xi32>
    %swap3A_246 = vector.shape_cast %add3A_240 : vector<16xi32> to vector<1x16xi32>
    tpu.vector_store %arg10[%swap3A_242, %swap3A_243], %swap3A_246 {strides = array<i32>} : memref<50x128xi32, #tpu.memory_space<vmem>>, vector<1x16xi32>,
    %get3A_247 = arith.constant 160 : index
    %get3A_248 = tpu.vector_load %arg7[%get3A_247] {strides = array<i32>} : memref<6400xi32, #tpu.memory_space<vmem>>, vector<16xi32>,
    %get3A_249 = vector.shape_cast %get3A_248 : vector<16xi32> to vector<16xi32>
    %get3A_250 = arith.constant 160 : index
    %get3A_251 = tpu.vector_load %arg8[%get3A_250] {strides = array<i32>} : memref<6400xi32, #tpu.memory_space<vmem>>, vector<16xi32>,
    %get3A_252 = vector.shape_cast %get3A_251 : vector<16xi32> to vector<16xi32>
    %get3A_253 = arith.constant 160 : index
    %get3A_254 = tpu.vector_load %arg9[%get3A_253] {strides = array<i32>} : memref<6400xi32, #tpu.memory_space<vmem>>, vector<16xi32>,
    %get3A_255 = vector.shape_cast %get3A_254 : vector<16xi32> to vector<16xi32>
    %mul3A_256 = arith.constant 65 : i32
    %mul3A_257 = vector.broadcast %mul3A_256 : i32 to vector<16xi32>
    %mul3A_258 = arith.muli %get3A_249, %mul3A_257 : vector<16xi32>
    %mul3A_259 = arith.constant 5 : i32
    %mul3A_260 = vector.broadcast %mul3A_259 : i32 to vector<16xi32>
    %mul3A_261 = arith.muli %get3A_252, %mul3A_260 : vector<16xi32>
    %add3A_262 = arith.addi %mul3A_258, %mul3A_261 : vector<16xi32>
    %add3A_263 = arith.addi %add3A_262, %get3A_255 : vector<16xi32>
    %swap3A_264 = arith.constant 1 : i32
    %swap3A_265 = arith.index_cast %swap3A_264 : i32 to index
    %swap3A_266 = arith.constant 32 : index
    %swap3A_267 = tpu.vector_load %arg10[%swap3A_265, %swap3A_266] {strides = array<i32>} : memref<50x128xi32, #tpu.memory_space<vmem>>, vector<1x16xi32>,
    %swap3A_268 = vector.shape_cast %swap3A_267 : vector<1x16xi32> to vector<16xi32>
    %swap3A_269 = vector.shape_cast %add3A_263 : vector<16xi32> to vector<1x16xi32>
    tpu.vector_store %arg10[%swap3A_265, %swap3A_266], %swap3A_269 {strides = array<i32>} : memref<50x128xi32, #tpu.memory_space<vmem>>, vector<1x16xi32>,
    %get3A_270 = arith.constant 176 : index
    %get3A_271 = tpu.vector_load %arg7[%get3A_270] {strides = array<i32>} : memref<6400xi32, #tpu.memory_space<vmem>>, vector<16xi32>,
    %get3A_272 = vector.shape_cast %get3A_271 : vector<16xi32> to vector<16xi32>
    %get3A_273 = arith.constant 176 : index
    %get3A_274 = tpu.vector_load %arg8[%get3A_273] {strides = array<i32>} : memref<6400xi32, #tpu.memory_space<vmem>>, vector<16xi32>,
    %get3A_275 = vector.shape_cast %get3A_274 : vector<16xi32> to vector<16xi32>
    %get3A_276 = arith.constant 176 : index
    %get3A_277 = tpu.vector_load %arg9[%get3A_276] {strides = array<i32>} : memref<6400xi32, #tpu.memory_space<vmem>>, vector<16xi32>,
    %get3A_278 = vector.shape_cast %get3A_277 : vector<16xi32> to vector<16xi32>
    %mul3A_279 = arith.constant 65 : i32
    %mul3A_280 = vector.broadcast %mul3A_279 : i32 to vector<16xi32>
    %mul3A_281 = arith.muli %get3A_272, %mul3A_280 : vector<16xi32>
    %mul3A_282 = arith.constant 5 : i32
    %mul3A_283 = vector.broadcast %mul3A_282 : i32 to vector<16xi32>
    %mul3A_284 = arith.muli %get3A_275, %mul3A_283 : vector<16xi32>
    %add3A_285 = arith.addi %mul3A_281, %mul3A_284 : vector<16xi32>
    %add3A_286 = arith.addi %add3A_285, %get3A_278 : vector<16xi32>
    %swap3A_287 = arith.constant 1 : i32
    %swap3A_288 = arith.index_cast %swap3A_287 : i32 to index
    %swap3A_289 = arith.constant 48 : index
    %swap3A_290 = tpu.vector_load %arg10[%swap3A_288, %swap3A_289] {strides = array<i32>} : memref<50x128xi32, #tpu.memory_space<vmem>>, vector<1x16xi32>,
    %swap3A_291 = vector.shape_cast %swap3A_290 : vector<1x16xi32> to vector<16xi32>
    %swap3A_292 = vector.shape_cast %add3A_286 : vector<16xi32> to vector<1x16xi32>
    tpu.vector_store %arg10[%swap3A_288, %swap3A_289], %swap3A_292 {strides = array<i32>} : memref<50x128xi32, #tpu.memory_space<vmem>>, vector<1x16xi32>,
    %get3A_293 = arith.constant 192 : index
    %get3A_294 = tpu.vector_load %arg7[%get3A_293] {strides = array<i32>} : memref<6400xi32, #tpu.memory_space<vmem>>, vector<16xi32>,
    %get3A_295 = vector.shape_cast %get3A_294 : vector<16xi32> to vector<16xi32>
    %get3A_296 = arith.constant 192 : index
    %get3A_297 = tpu.vector_load %arg8[%get3A_296] {strides = array<i32>} : memref<6400xi32, #tpu.memory_space<vmem>>, vector<16xi32>,
    %get3A_298 = vector.shape_cast %get3A_297 : vector<16xi32> to vector<16xi32>
    %get3A_299 = arith.constant 192 : index
    %get3A_300 = tpu.vector_load %arg9[%get3A_299] {strides = array<i32>} : memref<6400xi32, #tpu.memory_space<vmem>>, vector<16xi32>,
    %get3A_301 = vector.shape_cast %get3A_300 : vector<16xi32> to vector<16xi32>
    %mul3A_302 = arith.constant 65 : i32
    %mul3A_303 = vector.broadcast %mul3A_302 : i32 to vector<16xi32>
    %mul3A_304 = arith.muli %get3A_295, %mul3A_303 : vector<16xi32>
    %mul3A_305 = arith.constant 5 : i32
    %mul3A_306 = vector.broadcast %mul3A_305 : i32 to vector<16xi32>
    %mul3A_307 = arith.muli %get3A_298, %mul3A_306 : vector<16xi32>
    %add3A_308 = arith.addi %mul3A_304, %mul3A_307 : vector<16xi32>
    %add3A_309 = arith.addi %add3A_308, %get3A_301 : vector<16xi32>
    %swap3A_310 = arith.constant 1 : i32
    %swap3A_311 = arith.index_cast %swap3A_310 : i32 to index
    %swap3A_312 = arith.constant 64 : index
    %swap3A_313 = tpu.vector_load %arg10[%swap3A_311, %swap3A_312] {strides = array<i32>} : memref<50x128xi32, #tpu.memory_space<vmem>>, vector<1x16xi32>,
    %swap3A_314 = vector.shape_cast %swap3A_313 : vector<1x16xi32> to vector<16xi32>
    %swap3A_315 = vector.shape_cast %add3A_309 : vector<16xi32> to vector<1x16xi32>
    tpu.vector_store %arg10[%swap3A_311, %swap3A_312], %swap3A_315 {strides = array<i32>} : memref<50x128xi32, #tpu.memory_space<vmem>>, vector<1x16xi32>,
    %get3A_316 = arith.constant 208 : index
    %get3A_317 = tpu.vector_load %arg7[%get3A_316] {strides = array<i32>} : memref<6400xi32, #tpu.memory_space<vmem>>, vector<16xi32>,
    %get3A_318 = vector.shape_cast %get3A_317 : vector<16xi32> to vector<16xi32>
    %get3A_319 = arith.constant 208 : index
    %get3A_320 = tpu.vector_load %arg8[%get3A_319] {strides = array<i32>} : memref<6400xi32, #tpu.memory_space<vmem>>, vector<16xi32>,
    %get3A_321 = vector.shape_cast %get3A_320 : vector<16xi32> to vector<16xi32>
    %get3A_322 = arith.constant 208 : index
    %get3A_323 = tpu.vector_load %arg9[%get3A_322] {strides = array<i32>} : memref<6400xi32, #tpu.memory_space<vmem>>, vector<16xi32>,
    %get3A_324 = vector.shape_cast %get3A_323 : vector<16xi32> to vector<16xi32>
    %mul3A_325 = arith.constant 65 : i32
    %mul3A_326 = vector.broadcast %mul3A_325 : i32 to vector<16xi32>
    %mul3A_327 = arith.muli %get3A_318, %mul3A_326 : vector<16xi32>
    %mul3A_328 = arith.constant 5 : i32
    %mul3A_329 = vector.broadcast %mul3A_328 : i32 to vector<16xi32>
    %mul3A_330 = arith.muli %get3A_321, %mul3A_329 : vector<16xi32>
    %add3A_331 = arith.addi %mul3A_327, %mul3A_330 : vector<16xi32>
    %add3A_332 = arith.addi %add3A_331, %get3A_324 : vector<16xi32>
    %swap3A_333 = arith.constant 1 : i32
    %swap3A_334 = arith.index_cast %swap3A_333 : i32 to index
    %swap3A_335 = arith.constant 80 : index
    %swap3A_336 = tpu.vector_load %arg10[%swap3A_334, %swap3A_335] {strides = array<i32>} : memref<50x128xi32, #tpu.memory_space<vmem>>, vector<1x16xi32>,
    %swap3A_337 = vector.shape_cast %swap3A_336 : vector<1x16xi32> to vector<16xi32>
    %swap3A_338 = vector.shape_cast %add3A_332 : vector<16xi32> to vector<1x16xi32>
    tpu.vector_store %arg10[%swap3A_334, %swap3A_335], %swap3A_338 {strides = array<i32>} : memref<50x128xi32, #tpu.memory_space<vmem>>, vector<1x16xi32>,
    %get3A_339 = arith.constant 224 : index
    %get3A_340 = tpu.vector_load %arg7[%get3A_339] {strides = array<i32>} : memref<6400xi32, #tpu.memory_space<vmem>>, vector<16xi32>,
    %get3A_341 = vector.shape_cast %get3A_340 : vector<16xi32> to vector<16xi32>
    %get3A_342 = arith.constant 224 : index
    %get3A_343 = tpu.vector_load %arg8[%get3A_342] {strides = array<i32>} : memref<6400xi32, #tpu.memory_space<vmem>>, vector<16xi32>,
    %get3A_344 = vector.shape_cast %get3A_343 : vector<16xi32> to vector<16xi32>
    %get3A_345 = arith.constant 224 : index
    %get3A_346 = tpu.vector_load %arg9[%get3A_345] {strides = array<i32>} : memref<6400xi32, #tpu.memory_space<vmem>>, vector<16xi32>,
    %get3A_347 = vector.shape_cast %get3A_346 : vector<16xi32> to vector<16xi32>
    %mul3A_348 = arith.constant 65 : i32
    %mul3A_349 = vector.broadcast %mul3A_348 : i32 to vector<16xi32>
    %mul3A_350 = arith.muli %get3A_341, %mul3A_349 : vector<16xi32>
    %mul3A_351 = arith.constant 5 : i32
    %mul3A_352 = vector.broadcast %mul3A_351 : i32 to vector<16xi32>
    %mul3A_353 = arith.muli %get3A_344, %mul3A_352 : vector<16xi32>
    %add3A_354 = arith.addi %mul3A_350, %mul3A_353 : vector<16xi32>
    %add3A_355 = arith.addi %add3A_354, %get3A_347 : vector<16xi32>
    %swap3A_356 = arith.constant 1 : i32
    %swap3A_357 = arith.index_cast %swap3A_356 : i32 to index
    %swap3A_358 = arith.constant 96 : index
    %swap3A_359 = tpu.vector_load %arg10[%swap3A_357, %swap3A_358] {strides = array<i32>} : memref<50x128xi32, #tpu.memory_space<vmem>>, vector<1x16xi32>,
    %swap3A_360 = vector.shape_cast %swap3A_359 : vector<1x16xi32> to vector<16xi32>
    %swap3A_361 = vector.shape_cast %add3A_355 : vector<16xi32> to vector<1x16xi32>
    tpu.vector_store %arg10[%swap3A_357, %swap3A_358], %swap3A_361 {strides = array<i32>} : memref<50x128xi32, #tpu.memory_space<vmem>>, vector<1x16xi32>,
    %get3A_362 = arith.constant 240 : index
    %get3A_363 = tpu.vector_load %arg7[%get3A_362] {strides = array<i32>} : memref<6400xi32, #tpu.memory_space<vmem>>, vector<16xi32>,
    %get3A_364 = vector.shape_cast %get3A_363 : vector<16xi32> to vector<16xi32>
    %get3A_365 = arith.constant 240 : index
    %get3A_366 = tpu.vector_load %arg8[%get3A_365] {strides = array<i32>} : memref<6400xi32, #tpu.memory_space<vmem>>, vector<16xi32>,
    %get3A_367 = vector.shape_cast %get3A_366 : vector<16xi32> to vector<16xi32>
    %get3A_368 = arith.constant 240 : index
    %get3A_369 = tpu.vector_load %arg9[%get3A_368] {strides = array<i32>} : memref<6400xi32, #tpu.memory_space<vmem>>, vector<16xi32>,
    %get3A_370 = vector.shape_cast %get3A_369 : vector<16xi32> to vector<16xi32>
    %mul3A_371 = arith.constant 65 : i32
    %mul3A_372 = vector.broadcast %mul3A_371 : i32 to vector<16xi32>
    %mul3A_373 = arith.muli %get3A_364, %mul3A_372 : vector<16xi32>
    %mul3A_374 = arith.constant 5 : i32
    %mul3A_375 = vector.broadcast %mul3A_374 : i32 to vector<16xi32>
    %mul3A_376 = arith.muli %get3A_367, %mul3A_375 : vector<16xi32>
    %add3A_377 = arith.addi %mul3A_373, %mul3A_376 : vector<16xi32>
    %add3A_378 = arith.addi %add3A_377, %get3A_370 : vector<16xi32>
    %swap3A_379 = arith.constant 1 : i32
    %swap3A_380 = arith.index_cast %swap3A_379 : i32 to index
    %swap3A_381 = arith.constant 112 : index
    %swap3A_382 = tpu.vector_load %arg10[%swap3A_380, %swap3A_381] {strides = array<i32>} : memref<50x128xi32, #tpu.memory_space<vmem>>, vector<1x16xi32>,
    %swap3A_383 = vector.shape_cast %swap3A_382 : vector<1x16xi32> to vector<16xi32>
    %swap3A_384 = vector.shape_cast %add3A_378 : vector<16xi32> to vector<1x16xi32>
    tpu.vector_store %arg10[%swap3A_380, %swap3A_381], %swap3A_384 {strides = array<i32>} : memref<50x128xi32, #tpu.memory_space<vmem>>, vector<1x16xi32>,
    %get3A_385 = arith.constant 256 : index
    %get3A_386 = tpu.vector_load %arg7[%get3A_385] {strides = array<i32>} : memref<6400xi32, #tpu.memory_space<vmem>>, vector<16xi32>,
    %get3A_387 = vector.shape_cast %get3A_386 : vector<16xi32> to vector<16xi32>
    %get3A_388 = arith.constant 256 : index
    %get3A_389 = tpu.vector_load %arg8[%get3A_388] {strides = array<i32>} : memref<6400xi32, #tpu.memory_space<vmem>>, vector<16xi32>,
    %get3A_390 = vector.shape_cast %get3A_389 : vector<16xi32> to vector<16xi32>
    %get3A_391 = arith.constant 256 : index
    %get3A_392 = tpu.vector_load %arg9[%get3A_391] {strides = array<i32>} : memref<6400xi32, #tpu.memory_space<vmem>>, vector<16xi32>,
    %get3A_393 = vector.shape_cast %get3A_392 : vector<16xi32> to vector<16xi32>
    %mul3A_394 = arith.constant 65 : i32
    %mul3A_395 = vector.broadcast %mul3A_394 : i32 to vector<16xi32>
    %mul3A_396 = arith.muli %get3A_387, %mul3A_395 : vector<16xi32>
    %mul3A_397 = arith.constant 5 : i32
    %mul3A_398 = vector.broadcast %mul3A_397 : i32 to vector<16xi32>
    %mul3A_399 = arith.muli %get3A_390, %mul3A_398 : vector<16xi32>
    %add3A_400 = arith.addi %mul3A_396, %mul3A_399 : vector<16xi32>
    %add3A_401 = arith.addi %add3A_400, %get3A_393 : vector<16xi32>
    %swap3A_402 = arith.constant 2 : i32
    %swap3A_403 = arith.index_cast %swap3A_402 : i32 to index
    %swap3A_404 = arith.constant 0 : index
    %swap3A_405 = tpu.vector_load %arg10[%swap3A_403, %swap3A_404] {strides = array<i32>} : memref<50x128xi32, #tpu.memory_space<vmem>>, vector<1x16xi32>,
    %swap3A_406 = vector.shape_cast %swap3A_405 : vector<1x16xi32> to vector<16xi32>
    %swap3A_407 = vector.shape_cast %add3A_401 : vector<16xi32> to vector<1x16xi32>
    tpu.vector_store %arg10[%swap3A_403, %swap3A_404], %swap3A_407 {strides = array<i32>} : memref<50x128xi32, #tpu.memory_space<vmem>>, vector<1x16xi32>,
    %get3A_408 = arith.constant 272 : index
    %get3A_409 = tpu.vector_load %arg7[%get3A_408] {strides = array<i32>} : memref<6400xi32, #tpu.memory_space<vmem>>, vector<16xi32>,
    %get3A_410 = vector.shape_cast %get3A_409 : vector<16xi32> to vector<16xi32>
    %get3A_411 = arith.constant 272 : index
    %get3A_412 = tpu.vector_load %arg8[%get3A_411] {strides = array<i32>} : memref<6400xi32, #tpu.memory_space<vmem>>, vector<16xi32>,
    %get3A_413 = vector.shape_cast %get3A_412 : vector<16xi32> to vector<16xi32>
    %get3A_414 = arith.constant 272 : index
    %get3A_415 = tpu.vector_load %arg9[%get3A_414] {strides = array<i32>} : memref<6400xi32, #tpu.memory_space<vmem>>, vector<16xi32>,
    %get3A_416 = vector.shape_cast %get3A_415 : vector<16xi32> to vector<16xi32>
    %mul3A_417 = arith.constant 65 : i32
    %mul3A_418 = vector.broadcast %mul3A_417 : i32 to vector<16xi32>
    %mul3A_419 = arith.muli %get3A_410, %mul3A_418 : vector<16xi32>
    %mul3A_420 = arith.constant 5 : i32
    %mul3A_421 = vector.broadcast %mul3A_420 : i32 to vector<16xi32>
    %mul3A_422 = arith.muli %get3A_413, %mul3A_421 : vector<16xi32>
    %add3A_423 = arith.addi %mul3A_419, %mul3A_422 : vector<16xi32>
    %add3A_424 = arith.addi %add3A_423, %get3A_416 : vector<16xi32>
    %swap3A_425 = arith.constant 2 : i32
    %swap3A_426 = arith.index_cast %swap3A_425 : i32 to index
    %swap3A_427 = arith.constant 16 : index
    %swap3A_428 = tpu.vector_load %arg10[%swap3A_426, %swap3A_427] {strides = array<i32>} : memref<50x128xi32, #tpu.memory_space<vmem>>, vector<1x16xi32>,
    %swap3A_429 = vector.shape_cast %swap3A_428 : vector<1x16xi32> to vector<16xi32>
    %swap3A_430 = vector.shape_cast %add3A_424 : vector<16xi32> to vector<1x16xi32>
    tpu.vector_store %arg10[%swap3A_426, %swap3A_427], %swap3A_430 {strides = array<i32>} : memref<50x128xi32, #tpu.memory_space<vmem>>, vector<1x16xi32>,
    %get3A_431 = arith.constant 288 : index
    %get3A_432 = tpu.vector_load %arg7[%get3A_431] {strides = array<i32>} : memref<6400xi32, #tpu.memory_space<vmem>>, vector<16xi32>,
    %get3A_433 = vector.shape_cast %get3A_432 : vector<16xi32> to vector<16xi32>
    %get3A_434 = arith.constant 288 : index
    %get3A_435 = tpu.vector_load %arg8[%get3A_434] {strides = array<i32>} : memref<6400xi32, #tpu.memory_space<vmem>>, vector<16xi32>,
    %get3A_436 = vector.shape_cast %get3A_435 : vector<16xi32> to vector<16xi32>
    %get3A_437 = arith.constant 288 : index
    %get3A_438 = tpu.vector_load %arg9[%get3A_437] {strides = array<i32>} : memref<6400xi32, #tpu.memory_space<vmem>>, vector<16xi32>,
    %get3A_439 = vector.shape_cast %get3A_438 : vector<16xi32> to vector<16xi32>
    %mul3A_440 = arith.constant 65 : i32
    %mul3A_441 = vector.broadcast %mul3A_440 : i32 to vector<16xi32>
    %mul3A_442 = arith.muli %get3A_433, %mul3A_441 : vector<16xi32>
    %mul3A_443 = arith.constant 5 : i32
    %mul3A_444 = vector.broadcast %mul3A_443 : i32 to vector<16xi32>
    %mul3A_445 = arith.muli %get3A_436, %mul3A_444 : vector<16xi32>
    %add3A_446 = arith.addi %mul3A_442, %mul3A_445 : vector<16xi32>
    %add3A_447 = arith.addi %add3A_446, %get3A_439 : vector<16xi32>
    %swap3A_448 = arith.constant 2 : i32
    %swap3A_449 = arith.index_cast %swap3A_448 : i32 to index
    %swap3A_450 = arith.constant 32 : index
    %swap3A_451 = tpu.vector_load %arg10[%swap3A_449, %swap3A_450] {strides = array<i32>} : memref<50x128xi32, #tpu.memory_space<vmem>>, vector<1x16xi32>,
    %swap3A_452 = vector.shape_cast %swap3A_451 : vector<1x16xi32> to vector<16xi32>
    %swap3A_453 = vector.shape_cast %add3A_447 : vector<16xi32> to vector<1x16xi32>
    tpu.vector_store %arg10[%swap3A_449, %swap3A_450], %swap3A_453 {strides = array<i32>} : memref<50x128xi32, #tpu.memory_space<vmem>>, vector<1x16xi32>,
    %get3A_454 = arith.constant 304 : index
    %get3A_455 = tpu.vector_load %arg7[%get3A_454] {strides = array<i32>} : memref<6400xi32, #tpu.memory_space<vmem>>, vector<16xi32>,
    %get3A_456 = vector.shape_cast %get3A_455 : vector<16xi32> to vector<16xi32>
    %get3A_457 = arith.constant 304 : index
    %get3A_458 = tpu.vector_load %arg8[%get3A_457] {strides = array<i32>} : memref<6400xi32, #tpu.memory_space<vmem>>, vector<16xi32>,
    %get3A_459 = vector.shape_cast %get3A_458 : vector<16xi32> to vector<16xi32>
    %get3A_460 = arith.constant 304 : index
    %get3A_461 = tpu.vector_load %arg9[%get3A_460] {strides = array<i32>} : memref<6400xi32, #tpu.memory_space<vmem>>, vector<16xi32>,
    %get3A_462 = vector.shape_cast %get3A_461 : vector<16xi32> to vector<16xi32>
    %mul3A_463 = arith.constant 65 : i32
    %mul3A_464 = vector.broadcast %mul3A_463 : i32 to vector<16xi32>
    %mul3A_465 = arith.muli %get3A_456, %mul3A_464 : vector<16xi32>
    %mul3A_466 = arith.constant 5 : i32
    %mul3A_467 = vector.broadcast %mul3A_466 : i32 to vector<16xi32>
    %mul3A_468 = arith.muli %get3A_459, %mul3A_467 : vector<16xi32>
    %add3A_469 = arith.addi %mul3A_465, %mul3A_468 : vector<16xi32>
    %add3A_470 = arith.addi %add3A_469, %get3A_462 : vector<16xi32>
    %swap3A_471 = arith.constant 2 : i32
    %swap3A_472 = arith.index_cast %swap3A_471 : i32 to index
    %swap3A_473 = arith.constant 48 : index
    %swap3A_474 = tpu.vector_load %arg10[%swap3A_472, %swap3A_473] {strides = array<i32>} : memref<50x128xi32, #tpu.memory_space<vmem>>, vector<1x16xi32>,
    %swap3A_475 = vector.shape_cast %swap3A_474 : vector<1x16xi32> to vector<16xi32>
    %swap3A_476 = vector.shape_cast %add3A_470 : vector<16xi32> to vector<1x16xi32>
    tpu.vector_store %arg10[%swap3A_472, %swap3A_473], %swap3A_476 {strides = array<i32>} : memref<50x128xi32, #tpu.memory_space<vmem>>, vector<1x16xi32>,
    %get3A_477 = arith.constant 320 : index
    %get3A_478 = tpu.vector_load %arg7[%get3A_477] {strides = array<i32>} : memref<6400xi32, #tpu.memory_space<vmem>>, vector<16xi32>,
    %get3A_479 = vector.shape_cast %get3A_478 : vector<16xi32> to vector<16xi32>
    %get3A_480 = arith.constant 320 : index
    %get3A_481 = tpu.vector_load %arg8[%get3A_480] {strides = array<i32>} : memref<6400xi32, #tpu.memory_space<vmem>>, vector<16xi32>,
    %get3A_482 = vector.shape_cast %get3A_481 : vector<16xi32> to vector<16xi32>
    %get3A_483 = arith.constant 320 : index
    %get3A_484 = tpu.vector_load %arg9[%get3A_483] {strides = array<i32>} : memref<6400xi32, #tpu.memory_space<vmem>>, vector<16xi32>,
    %get3A_485 = vector.shape_cast %get3A_484 : vector<16xi32> to vector<16xi32>
    %mul3A_486 = arith.constant 65 : i32
    %mul3A_487 = vector.broadcast %mul3A_486 : i32 to vector<16xi32>
    %mul3A_488 = arith.muli %get3A_479, %mul3A_487 : vector<16xi32>
    %mul3A_489 = arith.constant 5 : i32
    %mul3A_490 = vector.broadcast %mul3A_489 : i32 to vector<16xi32>
    %mul3A_491 = arith.muli %get3A_482, %mul3A_490 : vector<16xi32>
    %add3A_492 = arith.addi %mul3A_488, %mul3A_491 : vector<16xi32>
    %add3A_493 = arith.addi %add3A_492, %get3A_485 : vector<16xi32>
    %swap3A_494 = arith.constant 2 : i32
    %swap3A_495 = arith.index_cast %swap3A_494 : i32 to index
    %swap3A_496 = arith.constant 64 : index
    %swap3A_497 = tpu.vector_load %arg10[%swap3A_495, %swap3A_496] {strides = array<i32>} : memref<50x128xi32, #tpu.memory_space<vmem>>, vector<1x16xi32>,
    %swap3A_498 = vector.shape_cast %swap3A_497 : vector<1x16xi32> to vector<16xi32>
    %swap3A_499 = vector.shape_cast %add3A_493 : vector<16xi32> to vector<1x16xi32>
    tpu.vector_store %arg10[%swap3A_495, %swap3A_496], %swap3A_499 {strides = array<i32>} : memref<50x128xi32, #tpu.memory_space<vmem>>, vector<1x16xi32>,
    %get3A_500 = arith.constant 336 : index
    %get3A_501 = tpu.vector_load %arg7[%get3A_500] {strides = array<i32>} : memref<6400xi32, #tpu.memory_space<vmem>>, vector<16xi32>,
    %get3A_502 = vector.shape_cast %get3A_501 : vector<16xi32> to vector<16xi32>
    %get3A_503 = arith.constant 336 : index
    %get3A_504 = tpu.vector_load %arg8[%get3A_503] {strides = array<i32>} : memref<6400xi32, #tpu.memory_space<vmem>>, vector<16xi32>,
    %get3A_505 = vector.shape_cast %get3A_504 : vector<16xi32> to vector<16xi32>
    %get3A_506 = arith.constant 336 : index
    %get3A_507 = tpu.vector_load %arg9[%get3A_506] {strides = array<i32>} : memref<6400xi32, #tpu.memory_space<vmem>>, vector<16xi32>,
    %get3A_508 = vector.shape_cast %get3A_507 : vector<16xi32> to vector<16xi32>
    %mul3A_509 = arith.constant 65 : i32
    %mul3A_510 = vector.broadcast %mul3A_509 : i32 to vector<16xi32>
    %mul3A_511 = arith.muli %get3A_502, %mul3A_510 : vector<16xi32>
    %mul3A_512 = arith.constant 5 : i32
    %mul3A_513 = vector.broadcast %mul3A_512 : i32 to vector<16xi32>
    %mul3A_514 = arith.muli %get3A_505, %mul3A_513 : vector<16xi32>
    %add3A_515 = arith.addi %mul3A_511, %mul3A_514 : vector<16xi32>
    %add3A_516 = arith.addi %add3A_515, %get3A_508 : vector<16xi32>
    %swap3A_517 = arith.constant 2 : i32
    %swap3A_518 = arith.index_cast %swap3A_517 : i32 to index
    %swap3A_519 = arith.constant 80 : index
    %swap3A_520 = tpu.vector_load %arg10[%swap3A_518, %swap3A_519] {strides = array<i32>} : memref<50x128xi32, #tpu.memory_space<vmem>>, vector<1x16xi32>,
    %swap3A_521 = vector.shape_cast %swap3A_520 : vector<1x16xi32> to vector<16xi32>
    %swap3A_522 = vector.shape_cast %add3A_516 : vector<16xi32> to vector<1x16xi32>
    tpu.vector_store %arg10[%swap3A_518, %swap3A_519], %swap3A_522 {strides = array<i32>} : memref<50x128xi32, #tpu.memory_space<vmem>>, vector<1x16xi32>,
    %get3A_523 = arith.constant 352 : index
    %get3A_524 = tpu.vector_load %arg7[%get3A_523] {strides = array<i32>} : memref<6400xi32, #tpu.memory_space<vmem>>, vector<16xi32>,
    %get3A_525 = vector.shape_cast %get3A_524 : vector<16xi32> to vector<16xi32>
    %get3A_526 = arith.constant 352 : index
    %get3A_527 = tpu.vector_load %arg8[%get3A_526] {strides = array<i32>} : memref<6400xi32, #tpu.memory_space<vmem>>, vector<16xi32>,
    %get3A_528 = vector.shape_cast %get3A_527 : vector<16xi32> to vector<16xi32>
    %get3A_529 = arith.constant 352 : index
    %get3A_530 = tpu.vector_load %arg9[%get3A_529] {strides = array<i32>} : memref<6400xi32, #tpu.memory_space<vmem>>, vector<16xi32>,
    %get3A_531 = vector.shape_cast %get3A_530 : vector<16xi32> to vector<16xi32>
    %mul3A_532 = arith.constant 65 : i32
    %mul3A_533 = vector.broadcast %mul3A_532 : i32 to vector<16xi32>
    %mul3A_534 = arith.muli %get3A_525, %mul3A_533 : vector<16xi32>
    %mul3A_535 = arith.constant 5 : i32
    %mul3A_536 = vector.broadcast %mul3A_535 : i32 to vector<16xi32>
    %mul3A_537 = arith.muli %get3A_528, %mul3A_536 : vector<16xi32>
    %add3A_538 = arith.addi %mul3A_534, %mul3A_537 : vector<16xi32>
    %add3A_539 = arith.addi %add3A_538, %get3A_531 : vector<16xi32>
    %swap3A_540 = arith.constant 2 : i32
    %swap3A_541 = arith.index_cast %swap3A_540 : i32 to index
    %swap3A_542 = arith.constant 96 : index
    %swap3A_543 = tpu.vector_load %arg10[%swap3A_541, %swap3A_542] {strides = array<i32>} : memref<50x128xi32, #tpu.memory_space<vmem>>, vector<1x16xi32>,
    %swap3A_544 = vector.shape_cast %swap3A_543 : vector<1x16xi32> to vector<16xi32>
    %swap3A_545 = vector.shape_cast %add3A_539 : vector<16xi32> to vector<1x16xi32>
    tpu.vector_store %arg10[%swap3A_541, %swap3A_542], %swap3A_545 {strides = array<i32>} : memref<50x128xi32, #tpu.memory_space<vmem>>, vector<1x16xi32>,
    %get3A_546 = arith.constant 368 : index
    %get3A_547 = tpu.vector_load %arg7[%get3A_546] {strides = array<i32>} : memref<6400xi32, #tpu.memory_space<vmem>>, vector<16xi32>,
    %get3A_548 = vector.shape_cast %get3A_547 : vector<16xi32> to vector<16xi32>
    %get3A_549 = arith.constant 368 : index
    %get3A_550 = tpu.vector_load %arg8[%get3A_549] {strides = array<i32>} : memref<6400xi32, #tpu.memory_space<vmem>>, vector<16xi32>,
    %get3A_551 = vector.shape_cast %get3A_550 : vector<16xi32> to vector<16xi32>
    %get3A_552 = arith.constant 368 : index
    %get3A_553 = tpu.vector_load %arg9[%get3A_552] {strides = array<i32>} : memref<6400xi32, #tpu.memory_space<vmem>>, vector<16xi32>,
    %get3A_554 = vector.shape_cast %get3A_553 : vector<16xi32> to vector<16xi32>
    %mul3A_555 = arith.constant 65 : i32
    %mul3A_556 = vector.broadcast %mul3A_555 : i32 to vector<16xi32>
    %mul3A_557 = arith.muli %get3A_548, %mul3A_556 : vector<16xi32>
    %mul3A_558 = arith.constant 5 : i32
    %mul3A_559 = vector.broadcast %mul3A_558 : i32 to vector<16xi32>
    %mul3A_560 = arith.muli %get3A_551, %mul3A_559 : vector<16xi32>
    %add3A_561 = arith.addi %mul3A_557, %mul3A_560 : vector<16xi32>
    %add3A_562 = arith.addi %add3A_561, %get3A_554 : vector<16xi32>
    %swap3A_563 = arith.constant 2 : i32
    %swap3A_564 = arith.index_cast %swap3A_563 : i32 to index
    %swap3A_565 = arith.constant 112 : index
    %swap3A_566 = tpu.vector_load %arg10[%swap3A_564, %swap3A_565] {strides = array<i32>} : memref<50x128xi32, #tpu.memory_space<vmem>>, vector<1x16xi32>,
    %swap3A_567 = vector.shape_cast %swap3A_566 : vector<1x16xi32> to vector<16xi32>
    %swap3A_568 = vector.shape_cast %add3A_562 : vector<16xi32> to vector<1x16xi32>
    tpu.vector_store %arg10[%swap3A_564, %swap3A_565], %swap3A_568 {strides = array<i32>} : memref<50x128xi32, #tpu.memory_space<vmem>>, vector<1x16xi32>,
    %get3A_569 = arith.constant 384 : index
    %get3A_570 = tpu.vector_load %arg7[%get3A_569] {strides = array<i32>} : memref<6400xi32, #tpu.memory_space<vmem>>, vector<16xi32>,
    %get3A_571 = vector.shape_cast %get3A_570 : vector<16xi32> to vector<16xi32>
    %get3A_572 = arith.constant 384 : index
    %get3A_573 = tpu.vector_load %arg8[%get3A_572] {strides = array<i32>} : memref<6400xi32, #tpu.memory_space<vmem>>, vector<16xi32>,
    %get3A_574 = vector.shape_cast %get3A_573 : vector<16xi32> to vector<16xi32>
    %get3A_575 = arith.constant 384 : index
    %get3A_576 = tpu.vector_load %arg9[%get3A_575] {strides = array<i32>} : memref<6400xi32, #tpu.memory_space<vmem>>, vector<16xi32>,
    %get3A_577 = vector.shape_cast %get3A_576 : vector<16xi32> to vector<16xi32>
    %mul3A_578 = arith.constant 65 : i32
    %mul3A_579 = vector.broadcast %mul3A_578 : i32 to vector<16xi32>
    %mul3A_580 = arith.muli %get3A_571, %mul3A_579 : vector<16xi32>
    %mul3A_581 = arith.constant 5 : i32
    %mul3A_582 = vector.broadcast %mul3A_581 : i32 to vector<16xi32>
    %mul3A_583 = arith.muli %get3A_574, %mul3A_582 : vector<16xi32>
    %add3A_584 = arith.addi %mul3A_580, %mul3A_583 : vector<16xi32>
    %add3A_585 = arith.addi %add3A_584, %get3A_577 : vector<16xi32>
    %swap3A_586 = arith.constant 3 : i32
    %swap3A_587 = arith.index_cast %swap3A_586 : i32 to index
    %swap3A_588 = arith.constant 0 : index
    %swap3A_589 = tpu.vector_load %arg10[%swap3A_587, %swap3A_588] {strides = array<i32>} : memref<50x128xi32, #tpu.memory_space<vmem>>, vector<1x16xi32>,
    %swap3A_590 = vector.shape_cast %swap3A_589 : vector<1x16xi32> to vector<16xi32>
    %swap3A_591 = vector.shape_cast %add3A_585 : vector<16xi32> to vector<1x16xi32>
    tpu.vector_store %arg10[%swap3A_587, %swap3A_588], %swap3A_591 {strides = array<i32>} : memref<50x128xi32, #tpu.memory_space<vmem>>, vector<1x16xi32>,
    %get3A_592 = arith.constant 400 : index
    %get3A_593 = tpu.vector_load %arg7[%get3A_592] {strides = array<i32>} : memref<6400xi32, #tpu.memory_space<vmem>>, vector<16xi32>,
    %get3A_594 = vector.shape_cast %get3A_593 : vector<16xi32> to vector<16xi32>
    %get3A_595 = arith.constant 400 : index
    %get3A_596 = tpu.vector_load %arg8[%get3A_595] {strides = array<i32>} : memref<6400xi32, #tpu.memory_space<vmem>>, vector<16xi32>,
    %get3A_597 = vector.shape_cast %get3A_596 : vector<16xi32> to vector<16xi32>
    %get3A_598 = arith.constant 400 : index
    %get3A_599 = tpu.vector_load %arg9[%get3A_598] {strides = array<i32>} : memref<6400xi32, #tpu.memory_space<vmem>>, vector<16xi32>,
    %get3A_600 = vector.shape_cast %get3A_599 : vector<16xi32> to vector<16xi32>
    %mul3A_601 = arith.constant 65 : i32
    %mul3A_602 = vector.broadcast %mul3A_601 : i32 to vector<16xi32>
    %mul3A_603 = arith.muli %get3A_594, %mul3A_602 : vector<16xi32>
    %mul3A_604 = arith.constant 5 : i32
    %mul3A_605 = vector.broadcast %mul3A_604 : i32 to vector<16xi32>
    %mul3A_606 = arith.muli %get3A_597, %mul3A_605 : vector<16xi32>
    %add3A_607 = arith.addi %mul3A_603, %mul3A_606 : vector<16xi32>
    %add3A_608 = arith.addi %add3A_607, %get3A_600 : vector<16xi32>
    %swap3A_609 = arith.constant 3 : i32
    %swap3A_610 = arith.index_cast %swap3A_609 : i32 to index
    %swap3A_611 = arith.constant 16 : index
    %swap3A_612 = tpu.vector_load %arg10[%swap3A_610, %swap3A_611] {strides = array<i32>} : memref<50x128xi32, #tpu.memory_space<vmem>>, vector<1x16xi32>,
    %swap3A_613 = vector.shape_cast %swap3A_612 : vector<1x16xi32> to vector<16xi32>
    %swap3A_614 = vector.shape_cast %add3A_608 : vector<16xi32> to vector<1x16xi32>
    tpu.vector_store %arg10[%swap3A_610, %swap3A_611], %swap3A_614 {strides = array<i32>} : memref<50x128xi32, #tpu.memory_space<vmem>>, vector<1x16xi32>,
    %get3A_615 = arith.constant 416 : index
    %get3A_616 = tpu.vector_load %arg7[%get3A_615] {strides = array<i32>} : memref<6400xi32, #tpu.memory_space<vmem>>, vector<16xi32>,
    %get3A_617 = vector.shape_cast %get3A_616 : vector<16xi32> to vector<16xi32>
    %get3A_618 = arith.constant 416 : index
    %get3A_619 = tpu.vector_load %arg8[%get3A_618] {strides = array<i32>} : memref<6400xi32, #tpu.memory_space<vmem>>, vector<16xi32>,
    %get3A_620 = vector.shape_cast %get3A_619 : vector<16xi32> to vector<16xi32>
    %get3A_621 = arith.constant 416 : index
    %get3A_622 = tpu.vector_load %arg9[%get3A_621] {strides = array<i32>} : memref<6400xi32, #tpu.memory_space<vmem>>, vector<16xi32>,
    %get3A_623 = vector.shape_cast %get3A_622 : vector<16xi32> to vector<16xi32>
    %mul3A_624 = arith.constant 65 : i32
    %mul3A_625 = vector.broadcast %mul3A_624 : i32 to vector<16xi32>
    %mul3A_626 = arith.muli %get3A_617, %mul3A_625 : vector<16xi32>
    %mul3A_627 = arith.constant 5 : i32
    %mul3A_628 = vector.broadcast %mul3A_627 : i32 to vector<16xi32>
    %mul3A_629 = arith.muli %get3A_620, %mul3A_628 : vector<16xi32>
    %add3A_630 = arith.addi %mul3A_626, %mul3A_629 : vector<16xi32>
    %add3A_631 = arith.addi %add3A_630, %get3A_623 : vector<16xi32>
    %swap3A_632 = arith.constant 3 : i32
    %swap3A_633 = arith.index_cast %swap3A_632 : i32 to index
    %swap3A_634 = arith.constant 32 : index
    %swap3A_635 = tpu.vector_load %arg10[%swap3A_633, %swap3A_634] {strides = array<i32>} : memref<50x128xi32, #tpu.memory_space<vmem>>, vector<1x16xi32>,
    %swap3A_636 = vector.shape_cast %swap3A_635 : vector<1x16xi32> to vector<16xi32>
    %swap3A_637 = vector.shape_cast %add3A_631 : vector<16xi32> to vector<1x16xi32>
    tpu.vector_store %arg10[%swap3A_633, %swap3A_634], %swap3A_637 {strides = array<i32>} : memref<50x128xi32, #tpu.memory_space<vmem>>, vector<1x16xi32>,
    %get3A_638 = arith.constant 432 : index
    %get3A_639 = tpu.vector_load %arg7[%get3A_638] {strides = array<i32>} : memref<6400xi32, #tpu.memory_space<vmem>>, vector<16xi32>,
    %get3A_640 = vector.shape_cast %get3A_639 : vector<16xi32> to vector<16xi32>
    %get3A_641 = arith.constant 432 : index
    %get3A_642 = tpu.vector_load %arg8[%get3A_641] {strides = array<i32>} : memref<6400xi32, #tpu.memory_space<vmem>>, vector<16xi32>,
    %get3A_643 = vector.shape_cast %get3A_642 : vector<16xi32> to vector<16xi32>
    %get3A_644 = arith.constant 432 : index
    %get3A_645 = tpu.vector_load %arg9[%get3A_644] {strides = array<i32>} : memref<6400xi32, #tpu.memory_space<vmem>>, vector<16xi32>,
    %get3A_646 = vector.shape_cast %get3A_645 : vector<16xi32> to vector<16xi32>
    %mul3A_647 = arith.constant 65 : i32
    %mul3A_648 = vector.broadcast %mul3A_647 : i32 to vector<16xi32>
    %mul3A_649 = arith.muli %get3A_640, %mul3A_648 : vector<16xi32>
    %mul3A_650 = arith.constant 5 : i32
    %mul3A_651 = vector.broadcast %mul3A_650 : i32 to vector<16xi32>
    %mul3A_652 = arith.muli %get3A_643, %mul3A_651 : vector<16xi32>
    %add3A_653 = arith.addi %mul3A_649, %mul3A_652 : vector<16xi32>
    %add3A_654 = arith.addi %add3A_653, %get3A_646 : vector<16xi32>
    %swap3A_655 = arith.constant 3 : i32
    %swap3A_656 = arith.index_cast %swap3A_655 : i32 to index
    %swap3A_657 = arith.constant 48 : index
    %swap3A_658 = tpu.vector_load %arg10[%swap3A_656, %swap3A_657] {strides = array<i32>} : memref<50x128xi32, #tpu.memory_space<vmem>>, vector<1x16xi32>,
    %swap3A_659 = vector.shape_cast %swap3A_658 : vector<1x16xi32> to vector<16xi32>
    %swap3A_660 = vector.shape_cast %add3A_654 : vector<16xi32> to vector<1x16xi32>
    tpu.vector_store %arg10[%swap3A_656, %swap3A_657], %swap3A_660 {strides = array<i32>} : memref<50x128xi32, #tpu.memory_space<vmem>>, vector<1x16xi32>,
    %get3A_661 = arith.constant 448 : index
    %get3A_662 = tpu.vector_load %arg7[%get3A_661] {strides = array<i32>} : memref<6400xi32, #tpu.memory_space<vmem>>, vector<16xi32>,
    %get3A_663 = vector.shape_cast %get3A_662 : vector<16xi32> to vector<16xi32>
    %get3A_664 = arith.constant 448 : index
    %get3A_665 = tpu.vector_load %arg8[%get3A_664] {strides = array<i32>} : memref<6400xi32, #tpu.memory_space<vmem>>, vector<16xi32>,
    %get3A_666 = vector.shape_cast %get3A_665 : vector<16xi32> to vector<16xi32>
    %get3A_667 = arith.constant 448 : index
    %get3A_668 = tpu.vector_load %arg9[%get3A_667] {strides = array<i32>} : memref<6400xi32, #tpu.memory_space<vmem>>, vector<16xi32>,
    %get3A_669 = vector.shape_cast %get3A_668 : vector<16xi32> to vector<16xi32>
    %mul3A_670 = arith.constant 65 : i32
    %mul3A_671 = vector.broadcast %mul3A_670 : i32 to vector<16xi32>
    %mul3A_672 = arith.muli %get3A_663, %mul3A_671 : vector<16xi32>
    %mul3A_673 = arith.constant 5 : i32
    %mul3A_674 = vector.broadcast %mul3A_673 : i32 to vector<16xi32>
    %mul3A_675 = arith.muli %get3A_666, %mul3A_674 : vector<16xi32>
    %add3A_676 = arith.addi %mul3A_672, %mul3A_675 : vector<16xi32>
    %add3A_677 = arith.addi %add3A_676, %get3A_669 : vector<16xi32>
    %swap3A_678 = arith.constant 3 : i32
    %swap3A_679 = arith.index_cast %swap3A_678 : i32 to index
    %swap3A_680 = arith.constant 64 : index
    %swap3A_681 = tpu.vector_load %arg10[%swap3A_679, %swap3A_680] {strides = array<i32>} : memref<50x128xi32, #tpu.memory_space<vmem>>, vector<1x16xi32>,
    %swap3A_682 = vector.shape_cast %swap3A_681 : vector<1x16xi32> to vector<16xi32>
    %swap3A_683 = vector.shape_cast %add3A_677 : vector<16xi32> to vector<1x16xi32>
    tpu.vector_store %arg10[%swap3A_679, %swap3A_680], %swap3A_683 {strides = array<i32>} : memref<50x128xi32, #tpu.memory_space<vmem>>, vector<1x16xi32>,
    %get3A_684 = arith.constant 464 : index
    %get3A_685 = tpu.vector_load %arg7[%get3A_684] {strides = array<i32>} : memref<6400xi32, #tpu.memory_space<vmem>>, vector<16xi32>,
    %get3A_686 = vector.shape_cast %get3A_685 : vector<16xi32> to vector<16xi32>
    %get3A_687 = arith.constant 464 : index
    %get3A_688 = tpu.vector_load %arg8[%get3A_687] {strides = array<i32>} : memref<6400xi32, #tpu.memory_space<vmem>>, vector<16xi32>,
    %get3A_689 = vector.shape_cast %get3A_688 : vector<16xi32> to vector<16xi32>
    %get3A_690 = arith.constant 464 : index
    %get3A_691 = tpu.vector_load %arg9[%get3A_690] {strides = array<i32>} : memref<6400xi32, #tpu.memory_space<vmem>>, vector<16xi32>,
    %get3A_692 = vector.shape_cast %get3A_691 : vector<16xi32> to vector<16xi32>
    %mul3A_693 = arith.constant 65 : i32
    %mul3A_694 = vector.broadcast %mul3A_693 : i32 to vector<16xi32>
    %mul3A_695 = arith.muli %get3A_686, %mul3A_694 : vector<16xi32>
    %mul3A_696 = arith.constant 5 : i32
    %mul3A_697 = vector.broadcast %mul3A_696 : i32 to vector<16xi32>
    %mul3A_698 = arith.muli %get3A_689, %mul3A_697 : vector<16xi32>
    %add3A_699 = arith.addi %mul3A_695, %mul3A_698 : vector<16xi32>
    %add3A_700 = arith.addi %add3A_699, %get3A_692 : vector<16xi32>
    %swap3A_701 = arith.constant 3 : i32
    %swap3A_702 = arith.index_cast %swap3A_701 : i32 to index
    %swap3A_703 = arith.constant 80 : index
    %swap3A_704 = tpu.vector_load %arg10[%swap3A_702, %swap3A_703] {strides = array<i32>} : memref<50x128xi32, #tpu.memory_space<vmem>>, vector<1x16xi32>,
    %swap3A_705 = vector.shape_cast %swap3A_704 : vector<1x16xi32> to vector<16xi32>
    %swap3A_706 = vector.shape_cast %add3A_700 : vector<16xi32> to vector<1x16xi32>
    tpu.vector_store %arg10[%swap3A_702, %swap3A_703], %swap3A_706 {strides = array<i32>} : memref<50x128xi32, #tpu.memory_space<vmem>>, vector<1x16xi32>,
    %get3A_707 = arith.constant 480 : index
    %get3A_708 = tpu.vector_load %arg7[%get3A_707] {strides = array<i32>} : memref<6400xi32, #tpu.memory_space<vmem>>, vector<16xi32>,
    %get3A_709 = vector.shape_cast %get3A_708 : vector<16xi32> to vector<16xi32>
    %get3A_710 = arith.constant 480 : index
    %get3A_711 = tpu.vector_load %arg8[%get3A_710] {strides = array<i32>} : memref<6400xi32, #tpu.memory_space<vmem>>, vector<16xi32>,
    %get3A_712 = vector.shape_cast %get3A_711 : vector<16xi32> to vector<16xi32>
    %get3A_713 = arith.constant 480 : index
    %get3A_714 = tpu.vector_load %arg9[%get3A_713] {strides = array<i32>} : memref<6400xi32, #tpu.memory_space<vmem>>, vector<16xi32>,
    %get3A_715 = vector.shape_cast %get3A_714 : vector<16xi32> to vector<16xi32>
    %mul3A_716 = arith.constant 65 : i32
    %mul3A_717 = vector.broadcast %mul3A_716 : i32 to vector<16xi32>
    %mul3A_718 = arith.muli %get3A_709, %mul3A_717 : vector<16xi32>
    %mul3A_719 = arith.constant 5 : i32
    %mul3A_720 = vector.broadcast %mul3A_719 : i32 to vector<16xi32>
    %mul3A_721 = arith.muli %get3A_712, %mul3A_720 : vector<16xi32>
    %add3A_722 = arith.addi %mul3A_718, %mul3A_721 : vector<16xi32>
    %add3A_723 = arith.addi %add3A_722, %get3A_715 : vector<16xi32>
    %swap3A_724 = arith.constant 3 : i32
    %swap3A_725 = arith.index_cast %swap3A_724 : i32 to index
    %swap3A_726 = arith.constant 96 : index
    %swap3A_727 = tpu.vector_load %arg10[%swap3A_725, %swap3A_726] {strides = array<i32>} : memref<50x128xi32, #tpu.memory_space<vmem>>, vector<1x16xi32>,
    %swap3A_728 = vector.shape_cast %swap3A_727 : vector<1x16xi32> to vector<16xi32>
    %swap3A_729 = vector.shape_cast %add3A_723 : vector<16xi32> to vector<1x16xi32>
    tpu.vector_store %arg10[%swap3A_725, %swap3A_726], %swap3A_729 {strides = array<i32>} : memref<50x128xi32, #tpu.memory_space<vmem>>, vector<1x16xi32>,
    %get3A_730 = arith.constant 496 : index
    %get3A_731 = tpu.vector_load %arg7[%get3A_730] {strides = array<i32>} : memref<6400xi32, #tpu.memory_space<vmem>>, vector<16xi32>,
    %get3A_732 = vector.shape_cast %get3A_731 : vector<16xi32> to vector<16xi32>
    %get3A_733 = arith.constant 496 : index
    %get3A_734 = tpu.vector_load %arg8[%get3A_733] {strides = array<i32>} : memref<6400xi32, #tpu.memory_space<vmem>>, vector<16xi32>,
    %get3A_735 = vector.shape_cast %get3A_734 : vector<16xi32> to vector<16xi32>
    %get3A_736 = arith.constant 496 : index
    %get3A_737 = tpu.vector_load %arg9[%get3A_736] {strides = array<i32>} : memref<6400xi32, #tpu.memory_space<vmem>>, vector<16xi32>,
    %get3A_738 = vector.shape_cast %get3A_737 : vector<16xi32> to vector<16xi32>
    %mul3A_739 = arith.constant 65 : i32
    %mul3A_740 = vector.broadcast %mul3A_739 : i32 to vector<16xi32>
    %mul3A_741 = arith.muli %get3A_732, %mul3A_740 : vector<16xi32>
    %mul3A_742 = arith.constant 5 : i32
    %mul3A_743 = vector.broadcast %mul3A_742 : i32 to vector<16xi32>
    %mul3A_744 = arith.muli %get3A_735, %mul3A_743 : vector<16xi32>
    %add3A_745 = arith.addi %mul3A_741, %mul3A_744 : vector<16xi32>
    %add3A_746 = arith.addi %add3A_745, %get3A_738 : vector<16xi32>
    %swap3A_747 = arith.constant 3 : i32
    %swap3A_748 = arith.index_cast %swap3A_747 : i32 to index
    %swap3A_749 = arith.constant 112 : index
    %swap3A_750 = tpu.vector_load %arg10[%swap3A_748, %swap3A_749] {strides = array<i32>} : memref<50x128xi32, #tpu.memory_space<vmem>>, vector<1x16xi32>,
    %swap3A_751 = vector.shape_cast %swap3A_750 : vector<1x16xi32> to vector<16xi32>
    %swap3A_752 = vector.shape_cast %add3A_746 : vector<16xi32> to vector<1x16xi32>
    tpu.vector_store %arg10[%swap3A_748, %swap3A_749], %swap3A_752 {strides = array<i32>} : memref<50x128xi32, #tpu.memory_space<vmem>>, vector<1x16xi32>,
    %get3A_753 = arith.constant 512 : index
    %get3A_754 = tpu.vector_load %arg7[%get3A_753] {strides = array<i32>} : memref<6400xi32, #tpu.memory_space<vmem>>, vector<16xi32>,
    %get3A_755 = vector.shape_cast %get3A_754 : vector<16xi32> to vector<16xi32>
    %get3A_756 = arith.constant 512 : index
    %get3A_757 = tpu.vector_load %arg8[%get3A_756] {strides = array<i32>} : memref<6400xi32, #tpu.memory_space<vmem>>, vector<16xi32>,
    %get3A_758 = vector.shape_cast %get3A_757 : vector<16xi32> to vector<16xi32>
    %get3A_759 = arith.constant 512 : index
    %get3A_760 = tpu.vector_load %arg9[%get3A_759] {strides = array<i32>} : memref<6400xi32, #tpu.memory_space<vmem>>, vector<16xi32>,
    %get3A_761 = vector.shape_cast %get3A_760 : vector<16xi32> to vector<16xi32>
    %mul3A_762 = arith.constant 65 : i32
    %mul3A_763 = vector.broadcast %mul3A_762 : i32 to vector<16xi32>
    %mul3A_764 = arith.muli %get3A_755, %mul3A_763 : vector<16xi32>
    %mul3A_765 = arith.constant 5 : i32
    %mul3A_766 = vector.broadcast %mul3A_765 : i32 to vector<16xi32>
    %mul3A_767 = arith.muli %get3A_758, %mul3A_766 : vector<16xi32>
    %add3A_768 = arith.addi %mul3A_764, %mul3A_767 : vector<16xi32>
    %add3A_769 = arith.addi %add3A_768, %get3A_761 : vector<16xi32>
    %swap3A_770 = arith.constant 4 : i32
    %swap3A_771 = arith.index_cast %swap3A_770 : i32 to index
    %swap3A_772 = arith.constant 0 : index
    %swap3A_773 = tpu.vector_load %arg10[%swap3A_771, %swap3A_772] {strides = array<i32>} : memref<50x128xi32, #tpu.memory_space<vmem>>, vector<1x16xi32>,
    %swap3A_774 = vector.shape_cast %swap3A_773 : vector<1x16xi32> to vector<16xi32>
    %swap3A_775 = vector.shape_cast %add3A_769 : vector<16xi32> to vector<1x16xi32>
    tpu.vector_store %arg10[%swap3A_771, %swap3A_772], %swap3A_775 {strides = array<i32>} : memref<50x128xi32, #tpu.memory_space<vmem>>, vector<1x16xi32>,
    %get3A_776 = arith.constant 528 : index
    %get3A_777 = tpu.vector_load %arg7[%get3A_776] {strides = array<i32>} : memref<6400xi32, #tpu.memory_space<vmem>>, vector<16xi32>,
    %get3A_778 = vector.shape_cast %get3A_777 : vector<16xi32> to vector<16xi32>
    %get3A_779 = arith.constant 528 : index
    %get3A_780 = tpu.vector_load %arg8[%get3A_779] {strides = array<i32>} : memref<6400xi32, #tpu.memory_space<vmem>>, vector<16xi32>,
    %get3A_781 = vector.shape_cast %get3A_780 : vector<16xi32> to vector<16xi32>
    %get3A_782 = arith.constant 528 : index
    %get3A_783 = tpu.vector_load %arg9[%get3A_782] {strides = array<i32>} : memref<6400xi32, #tpu.memory_space<vmem>>, vector<16xi32>,
    %get3A_784 = vector.shape_cast %get3A_783 : vector<16xi32> to vector<16xi32>
    %mul3A_785 = arith.constant 65 : i32
    %mul3A_786 = vector.broadcast %mul3A_785 : i32 to vector<16xi32>
    %mul3A_787 = arith.muli %get3A_778, %mul3A_786 : vector<16xi32>
    %mul3A_788 = arith.constant 5 : i32
    %mul3A_789 = vector.broadcast %mul3A_788 : i32 to vector<16xi32>
    %mul3A_790 = arith.muli %get3A_781, %mul3A_789 : vector<16xi32>
    %add3A_791 = arith.addi %mul3A_787, %mul3A_790 : vector<16xi32>
    %add3A_792 = arith.addi %add3A_791, %get3A_784 : vector<16xi32>
    %swap3A_793 = arith.constant 4 : i32
    %swap3A_794 = arith.index_cast %swap3A_793 : i32 to index
    %swap3A_795 = arith.constant 16 : index
    %swap3A_796 = tpu.vector_load %arg10[%swap3A_794, %swap3A_795] {strides = array<i32>} : memref<50x128xi32, #tpu.memory_space<vmem>>, vector<1x16xi32>,
    %swap3A_797 = vector.shape_cast %swap3A_796 : vector<1x16xi32> to vector<16xi32>
    %swap3A_798 = vector.shape_cast %add3A_792 : vector<16xi32> to vector<1x16xi32>
    tpu.vector_store %arg10[%swap3A_794, %swap3A_795], %swap3A_798 {strides = array<i32>} : memref<50x128xi32, #tpu.memory_space<vmem>>, vector<1x16xi32>,
    %get3A_799 = arith.constant 544 : index
    %get3A_800 = tpu.vector_load %arg7[%get3A_799] {strides = array<i32>} : memref<6400xi32, #tpu.memory_space<vmem>>, vector<16xi32>,
    %get3A_801 = vector.shape_cast %get3A_800 : vector<16xi32> to vector<16xi32>
    %get3A_802 = arith.constant 544 : index
    %get3A_803 = tpu.vector_load %arg8[%get3A_802] {strides = array<i32>} : memref<6400xi32, #tpu.memory_space<vmem>>, vector<16xi32>,
    %get3A_804 = vector.shape_cast %get3A_803 : vector<16xi32> to vector<16xi32>
    %get3A_805 = arith.constant 544 : index
    %get3A_806 = tpu.vector_load %arg9[%get3A_805] {strides = array<i32>} : memref<6400xi32, #tpu.memory_space<vmem>>, vector<16xi32>,
    %get3A_807 = vector.shape_cast %get3A_806 : vector<16xi32> to vector<16xi32>
    %mul3A_808 = arith.constant 65 : i32
    %mul3A_809 = vector.broadcast %mul3A_808 : i32 to vector<16xi32>
    %mul3A_810 = arith.muli %get3A_801, %mul3A_809 : vector<16xi32>
    %mul3A_811 = arith.constant 5 : i32
    %mul3A_812 = vector.broadcast %mul3A_811 : i32 to vector<16xi32>
    %mul3A_813 = arith.muli %get3A_804, %mul3A_812 : vector<16xi32>
    %add3A_814 = arith.addi %mul3A_810, %mul3A_813 : vector<16xi32>
    %add3A_815 = arith.addi %add3A_814, %get3A_807 : vector<16xi32>
    %swap3A_816 = arith.constant 4 : i32
    %swap3A_817 = arith.index_cast %swap3A_816 : i32 to index
    %swap3A_818 = arith.constant 32 : index
    %swap3A_819 = tpu.vector_load %arg10[%swap3A_817, %swap3A_818] {strides = array<i32>} : memref<50x128xi32, #tpu.memory_space<vmem>>, vector<1x16xi32>,
    %swap3A_820 = vector.shape_cast %swap3A_819 : vector<1x16xi32> to vector<16xi32>
    %swap3A_821 = vector.shape_cast %add3A_815 : vector<16xi32> to vector<1x16xi32>
    tpu.vector_store %arg10[%swap3A_817, %swap3A_818], %swap3A_821 {strides = array<i32>} : memref<50x128xi32, #tpu.memory_space<vmem>>, vector<1x16xi32>,
    %get3A_822 = arith.constant 560 : index
    %get3A_823 = tpu.vector_load %arg7[%get3A_822] {strides = array<i32>} : memref<6400xi32, #tpu.memory_space<vmem>>, vector<16xi32>,
    %get3A_824 = vector.shape_cast %get3A_823 : vector<16xi32> to vector<16xi32>
    %get3A_825 = arith.constant 560 : index
    %get3A_826 = tpu.vector_load %arg8[%get3A_825] {strides = array<i32>} : memref<6400xi32, #tpu.memory_space<vmem>>, vector<16xi32>,
    %get3A_827 = vector.shape_cast %get3A_826 : vector<16xi32> to vector<16xi32>
    %get3A_828 = arith.constant 560 : index
    %get3A_829 = tpu.vector_load %arg9[%get3A_828] {strides = array<i32>} : memref<6400xi32, #tpu.memory_space<vmem>>, vector<16xi32>,
    %get3A_830 = vector.shape_cast %get3A_829 : vector<16xi32> to vector<16xi32>
    %mul3A_831 = arith.constant 65 : i32
    %mul3A_832 = vector.broadcast %mul3A_831 : i32 to vector<16xi32>
    %mul3A_833 = arith.muli %get3A_824, %mul3A_832 : vector<16xi32>
    %mul3A_834 = arith.constant 5 : i32
    %mul3A_835 = vector.broadcast %mul3A_834 : i32 to vector<16xi32>
    %mul3A_836 = arith.muli %get3A_827, %mul3A_835 : vector<16xi32>
    %add3A_837 = arith.addi %mul3A_833, %mul3A_836 : vector<16xi32>
    %add3A_838 = arith.addi %add3A_837, %get3A_830 : vector<16xi32>
    %swap3A_839 = arith.constant 4 : i32
    %swap3A_840 = arith.index_cast %swap3A_839 : i32 to index
    %swap3A_841 = arith.constant 48 : index
    %swap3A_842 = tpu.vector_load %arg10[%swap3A_840, %swap3A_841] {strides = array<i32>} : memref<50x128xi32, #tpu.memory_space<vmem>>, vector<1x16xi32>,
    %swap3A_843 = vector.shape_cast %swap3A_842 : vector<1x16xi32> to vector<16xi32>
    %swap3A_844 = vector.shape_cast %add3A_838 : vector<16xi32> to vector<1x16xi32>
    tpu.vector_store %arg10[%swap3A_840, %swap3A_841], %swap3A_844 {strides = array<i32>} : memref<50x128xi32, #tpu.memory_space<vmem>>, vector<1x16xi32>,
    %get3A_845 = arith.constant 576 : index
    %get3A_846 = tpu.vector_load %arg7[%get3A_845] {strides = array<i32>} : memref<6400xi32, #tpu.memory_space<vmem>>, vector<16xi32>,
    %get3A_847 = vector.shape_cast %get3A_846 : vector<16xi32> to vector<16xi32>
    %get3A_848 = arith.constant 576 : index
    %get3A_849 = tpu.vector_load %arg8[%get3A_848] {strides = array<i32>} : memref<6400xi32, #tpu.memory_space<vmem>>, vector<16xi32>,
    %get3A_850 = vector.shape_cast %get3A_849 : vector<16xi32> to vector<16xi32>
    %get3A_851 = arith.constant 576 : index
    %get3A_852 = tpu.vector_load %arg9[%get3A_851] {strides = array<i32>} : memref<6400xi32, #tpu.memory_space<vmem>>, vector<16xi32>,
    %get3A_853 = vector.shape_cast %get3A_852 : vector<16xi32> to vector<16xi32>
    %mul3A_854 = arith.constant 65 : i32
    %mul3A_855 = vector.broadcast %mul3A_854 : i32 to vector<16xi32>
    %mul3A_856 = arith.muli %get3A_847, %mul3A_855 : vector<16xi32>
    %mul3A_857 = arith.constant 5 : i32
    %mul3A_858 = vector.broadcast %mul3A_857 : i32 to vector<16xi32>
    %mul3A_859 = arith.muli %get3A_850, %mul3A_858 : vector<16xi32>
    %add3A_860 = arith.addi %mul3A_856, %mul3A_859 : vector<16xi32>
    %add3A_861 = arith.addi %add3A_860, %get3A_853 : vector<16xi32>
    %swap3A_862 = arith.constant 4 : i32
    %swap3A_863 = arith.index_cast %swap3A_862 : i32 to index
    %swap3A_864 = arith.constant 64 : index
    %swap3A_865 = tpu.vector_load %arg10[%swap3A_863, %swap3A_864] {strides = array<i32>} : memref<50x128xi32, #tpu.memory_space<vmem>>, vector<1x16xi32>,
    %swap3A_866 = vector.shape_cast %swap3A_865 : vector<1x16xi32> to vector<16xi32>
    %swap3A_867 = vector.shape_cast %add3A_861 : vector<16xi32> to vector<1x16xi32>
    tpu.vector_store %arg10[%swap3A_863, %swap3A_864], %swap3A_867 {strides = array<i32>} : memref<50x128xi32, #tpu.memory_space<vmem>>, vector<1x16xi32>,
    %get3A_868 = arith.constant 592 : index
    %get3A_869 = tpu.vector_load %arg7[%get3A_868] {strides = array<i32>} : memref<6400xi32, #tpu.memory_space<vmem>>, vector<16xi32>,
    %get3A_870 = vector.shape_cast %get3A_869 : vector<16xi32> to vector<16xi32>
    %get3A_871 = arith.constant 592 : index
    %get3A_872 = tpu.vector_load %arg8[%get3A_871] {strides = array<i32>} : memref<6400xi32, #tpu.memory_space<vmem>>, vector<16xi32>,
    %get3A_873 = vector.shape_cast %get3A_872 : vector<16xi32> to vector<16xi32>
    %get3A_874 = arith.constant 592 : index
    %get3A_875 = tpu.vector_load %arg9[%get3A_874] {strides = array<i32>} : memref<6400xi32, #tpu.memory_space<vmem>>, vector<16xi32>,
    %get3A_876 = vector.shape_cast %get3A_875 : vector<16xi32> to vector<16xi32>
    %mul3A_877 = arith.constant 65 : i32
    %mul3A_878 = vector.broadcast %mul3A_877 : i32 to vector<16xi32>
    %mul3A_879 = arith.muli %get3A_870, %mul3A_878 : vector<16xi32>
    %mul3A_880 = arith.constant 5 : i32
    %mul3A_881 = vector.broadcast %mul3A_880 : i32 to vector<16xi32>
    %mul3A_882 = arith.muli %get3A_873, %mul3A_881 : vector<16xi32>
    %add3A_883 = arith.addi %mul3A_879, %mul3A_882 : vector<16xi32>
    %add3A_884 = arith.addi %add3A_883, %get3A_876 : vector<16xi32>
    %swap3A_885 = arith.constant 4 : i32
    %swap3A_886 = arith.index_cast %swap3A_885 : i32 to index
    %swap3A_887 = arith.constant 80 : index
    %swap3A_888 = tpu.vector_load %arg10[%swap3A_886, %swap3A_887] {strides = array<i32>} : memref<50x128xi32, #tpu.memory_space<vmem>>, vector<1x16xi32>,
    %swap3A_889 = vector.shape_cast %swap3A_888 : vector<1x16xi32> to vector<16xi32>
    %swap3A_890 = vector.shape_cast %add3A_884 : vector<16xi32> to vector<1x16xi32>
    tpu.vector_store %arg10[%swap3A_886, %swap3A_887], %swap3A_890 {strides = array<i32>} : memref<50x128xi32, #tpu.memory_space<vmem>>, vector<1x16xi32>,
    %get3A_891 = arith.constant 608 : index
    %get3A_892 = tpu.vector_load %arg7[%get3A_891] {strides = array<i32>} : memref<6400xi32, #tpu.memory_space<vmem>>, vector<16xi32>,
    %get3A_893 = vector.shape_cast %get3A_892 : vector<16xi32> to vector<16xi32>
    %get3A_894 = arith.constant 608 : index
    %get3A_895 = tpu.vector_load %arg8[%get3A_894] {strides = array<i32>} : memref<6400xi32, #tpu.memory_space<vmem>>, vector<16xi32>,
    %get3A_896 = vector.shape_cast %get3A_895 : vector<16xi32> to vector<16xi32>
    %get3A_897 = arith.constant 608 : index
    %get3A_898 = tpu.vector_load %arg9[%get3A_897] {strides = array<i32>} : memref<6400xi32, #tpu.memory_space<vmem>>, vector<16xi32>,
    %get3A_899 = vector.shape_cast %get3A_898 : vector<16xi32> to vector<16xi32>
    %mul3A_900 = arith.constant 65 : i32
    %mul3A_901 = vector.broadcast %mul3A_900 : i32 to vector<16xi32>
    %mul3A_902 = arith.muli %get3A_893, %mul3A_901 : vector<16xi32>
    %mul3A_903 = arith.constant 5 : i32
    %mul3A_904 = vector.broadcast %mul3A_903 : i32 to vector<16xi32>
    %mul3A_905 = arith.muli %get3A_896, %mul3A_904 : vector<16xi32>
    %add3A_906 = arith.addi %mul3A_902, %mul3A_905 : vector<16xi32>
    %add3A_907 = arith.addi %add3A_906, %get3A_899 : vector<16xi32>
    %swap3A_908 = arith.constant 4 : i32
    %swap3A_909 = arith.index_cast %swap3A_908 : i32 to index
    %swap3A_910 = arith.constant 96 : index
    %swap3A_911 = tpu.vector_load %arg10[%swap3A_909, %swap3A_910] {strides = array<i32>} : memref<50x128xi32, #tpu.memory_space<vmem>>, vector<1x16xi32>,
    %swap3A_912 = vector.shape_cast %swap3A_911 : vector<1x16xi32> to vector<16xi32>
    %swap3A_913 = vector.shape_cast %add3A_907 : vector<16xi32> to vector<1x16xi32>
    tpu.vector_store %arg10[%swap3A_909, %swap3A_910], %swap3A_913 {strides = array<i32>} : memref<50x128xi32, #tpu.memory_space<vmem>>, vector<1x16xi32>,
    %get3A_914 = arith.constant 624 : index
    %get3A_915 = tpu.vector_load %arg7[%get3A_914] {strides = array<i32>} : memref<6400xi32, #tpu.memory_space<vmem>>, vector<16xi32>,
    %get3A_916 = vector.shape_cast %get3A_915 : vector<16xi32> to vector<16xi32>
    %get3A_917 = arith.constant 624 : index
    %get3A_918 = tpu.vector_load %arg8[%get3A_917] {strides = array<i32>} : memref<6400xi32, #tpu.memory_space<vmem>>, vector<16xi32>,
    %get3A_919 = vector.shape_cast %get3A_918 : vector<16xi32> to vector<16xi32>
    %get3A_920 = arith.constant 624 : index
    %get3A_921 = tpu.vector_load %arg9[%get3A_920] {strides = array<i32>} : memref<6400xi32, #tpu.memory_space<vmem>>, vector<16xi32>,
    %get3A_922 = vector.shape_cast %get3A_921 : vector<16xi32> to vector<16xi32>
    %mul3A_923 = arith.constant 65 : i32
    %mul3A_924 = vector.broadcast %mul3A_923 : i32 to vector<16xi32>
    %mul3A_925 = arith.muli %get3A_916, %mul3A_924 : vector<16xi32>
    %mul3A_926 = arith.constant 5 : i32
    %mul3A_927 = vector.broadcast %mul3A_926 : i32 to vector<16xi32>
    %mul3A_928 = arith.muli %get3A_919, %mul3A_927 : vector<16xi32>
    %add3A_929 = arith.addi %mul3A_925, %mul3A_928 : vector<16xi32>
    %add3A_930 = arith.addi %add3A_929, %get3A_922 : vector<16xi32>
    %swap3A_931 = arith.constant 4 : i32
    %swap3A_932 = arith.index_cast %swap3A_931 : i32 to index
    %swap3A_933 = arith.constant 112 : index
    %swap3A_934 = tpu.vector_load %arg10[%swap3A_932, %swap3A_933] {strides = array<i32>} : memref<50x128xi32, #tpu.memory_space<vmem>>, vector<1x16xi32>,
    %swap3A_935 = vector.shape_cast %swap3A_934 : vector<1x16xi32> to vector<16xi32>
    %swap3A_936 = vector.shape_cast %add3A_930 : vector<16xi32> to vector<1x16xi32>
    tpu.vector_store %arg10[%swap3A_932, %swap3A_933], %swap3A_936 {strides = array<i32>} : memref<50x128xi32, #tpu.memory_space<vmem>>, vector<1x16xi32>,
    %get3A_937 = arith.constant 640 : index
    %get3A_938 = tpu.vector_load %arg7[%get3A_937] {strides = array<i32>} : memref<6400xi32, #tpu.memory_space<vmem>>, vector<16xi32>,
    %get3A_939 = vector.shape_cast %get3A_938 : vector<16xi32> to vector<16xi32>
    %get3A_940 = arith.constant 640 : index
    %get3A_941 = tpu.vector_load %arg8[%get3A_940] {strides = array<i32>} : memref<6400xi32, #tpu.memory_space<vmem>>, vector<16xi32>,
    %get3A_942 = vector.shape_cast %get3A_941 : vector<16xi32> to vector<16xi32>
    %get3A_943 = arith.constant 640 : index
    %get3A_944 = tpu.vector_load %arg9[%get3A_943] {strides = array<i32>} : memref<6400xi32, #tpu.memory_space<vmem>>, vector<16xi32>,
    %get3A_945 = vector.shape_cast %get3A_944 : vector<16xi32> to vector<16xi32>
    %mul3A_946 = arith.constant 65 : i32
    %mul3A_947 = vector.broadcast %mul3A_946 : i32 to vector<16xi32>
    %mul3A_948 = arith.muli %get3A_939, %mul3A_947 : vector<16xi32>
    %mul3A_949 = arith.constant 5 : i32
    %mul3A_950 = vector.broadcast %mul3A_949 : i32 to vector<16xi32>
    %mul3A_951 = arith.muli %get3A_942, %mul3A_950 : vector<16xi32>
    %add3A_952 = arith.addi %mul3A_948, %mul3A_951 : vector<16xi32>
    %add3A_953 = arith.addi %add3A_952, %get3A_945 : vector<16xi32>
    %swap3A_954 = arith.constant 5 : i32
    %swap3A_955 = arith.index_cast %swap3A_954 : i32 to index
    %swap3A_956 = arith.constant 0 : index
    %swap3A_957 = tpu.vector_load %arg10[%swap3A_955, %swap3A_956] {strides = array<i32>} : memref<50x128xi32, #tpu.memory_space<vmem>>, vector<1x16xi32>,
    %swap3A_958 = vector.shape_cast %swap3A_957 : vector<1x16xi32> to vector<16xi32>
    %swap3A_959 = vector.shape_cast %add3A_953 : vector<16xi32> to vector<1x16xi32>
    tpu.vector_store %arg10[%swap3A_955, %swap3A_956], %swap3A_959 {strides = array<i32>} : memref<50x128xi32, #tpu.memory_space<vmem>>, vector<1x16xi32>,
    %get3A_960 = arith.constant 656 : index
    %get3A_961 = tpu.vector_load %arg7[%get3A_960] {strides = array<i32>} : memref<6400xi32, #tpu.memory_space<vmem>>, vector<16xi32>,
    %get3A_962 = vector.shape_cast %get3A_961 : vector<16xi32> to vector<16xi32>
    %get3A_963 = arith.constant 656 : index
    %get3A_964 = tpu.vector_load %arg8[%get3A_963] {strides = array<i32>} : memref<6400xi32, #tpu.memory_space<vmem>>, vector<16xi32>,
    %get3A_965 = vector.shape_cast %get3A_964 : vector<16xi32> to vector<16xi32>
    %get3A_966 = arith.constant 656 : index
    %get3A_967 = tpu.vector_load %arg9[%get3A_966] {strides = array<i32>} : memref<6400xi32, #tpu.memory_space<vmem>>, vector<16xi32>,
    %get3A_968 = vector.shape_cast %get3A_967 : vector<16xi32> to vector<16xi32>
    %mul3A_969 = arith.constant 65 : i32
    %mul3A_970 = vector.broadcast %mul3A_969 : i32 to vector<16xi32>
    %mul3A_971 = arith.muli %get3A_962, %mul3A_970 : vector<16xi32>
    %mul3A_972 = arith.constant 5 : i32
    %mul3A_973 = vector.broadcast %mul3A_972 : i32 to vector<16xi32>
    %mul3A_974 = arith.muli %get3A_965, %mul3A_973 : vector<16xi32>
    %add3A_975 = arith.addi %mul3A_971, %mul3A_974 : vector<16xi32>
    %add3A_976 = arith.addi %add3A_975, %get3A_968 : vector<16xi32>
    %swap3A_977 = arith.constant 5 : i32
    %swap3A_978 = arith.index_cast %swap3A_977 : i32 to index
    %swap3A_979 = arith.constant 16 : index
    %swap3A_980 = tpu.vector_load %arg10[%swap3A_978, %swap3A_979] {strides = array<i32>} : memref<50x128xi32, #tpu.memory_space<vmem>>, vector<1x16xi32>,
    %swap3A_981 = vector.shape_cast %swap3A_980 : vector<1x16xi32> to vector<16xi32>
    %swap3A_982 = vector.shape_cast %add3A_976 : vector<16xi32> to vector<1x16xi32>
    tpu.vector_store %arg10[%swap3A_978, %swap3A_979], %swap3A_982 {strides = array<i32>} : memref<50x128xi32, #tpu.memory_space<vmem>>, vector<1x16xi32>,
    %get3A_983 = arith.constant 672 : index
    %get3A_984 = tpu.vector_load %arg7[%get3A_983] {strides = array<i32>} : memref<6400xi32, #tpu.memory_space<vmem>>, vector<16xi32>,
    %get3A_985 = vector.shape_cast %get3A_984 : vector<16xi32> to vector<16xi32>
    %get3A_986 = arith.constant 672 : index
    %get3A_987 = tpu.vector_load %arg8[%get3A_986] {strides = array<i32>} : memref<6400xi32, #tpu.memory_space<vmem>>, vector<16xi32>,
    %get3A_988 = vector.shape_cast %get3A_987 : vector<16xi32> to vector<16xi32>
    %get3A_989 = arith.constant 672 : index
    %get3A_990 = tpu.vector_load %arg9[%get3A_989] {strides = array<i32>} : memref<6400xi32, #tpu.memory_space<vmem>>, vector<16xi32>,
    %get3A_991 = vector.shape_cast %get3A_990 : vector<16xi32> to vector<16xi32>
    %mul3A_992 = arith.constant 65 : i32
    %mul3A_993 = vector.broadcast %mul3A_992 : i32 to vector<16xi32>
    %mul3A_994 = arith.muli %get3A_985, %mul3A_993 : vector<16xi32>
    %mul3A_995 = arith.constant 5 : i32
    %mul3A_996 = vector.broadcast %mul3A_995 : i32 to vector<16xi32>
    %mul3A_997 = arith.muli %get3A_988, %mul3A_996 : vector<16xi32>
    %add3A_998 = arith.addi %mul3A_994, %mul3A_997 : vector<16xi32>
    %add3A_999 = arith.addi %add3A_998, %get3A_991 : vector<16xi32>
    %swap3A_1000 = arith.constant 5 : i32
    %swap3A_1001 = arith.index_cast %swap3A_1000 : i32 to index
    %swap3A_1002 = arith.constant 32 : index
    %swap3A_1003 = tpu.vector_load %arg10[%swap3A_1001, %swap3A_1002] {strides = array<i32>} : memref<50x128xi32, #tpu.memory_space<vmem>>, vector<1x16xi32>,
    %swap3A_1004 = vector.shape_cast %swap3A_1003 : vector<1x16xi32> to vector<16xi32>
    %swap3A_1005 = vector.shape_cast %add3A_999 : vector<16xi32> to vector<1x16xi32>
    tpu.vector_store %arg10[%swap3A_1001, %swap3A_1002], %swap3A_1005 {strides = array<i32>} : memref<50x128xi32, #tpu.memory_space<vmem>>, vector<1x16xi32>,
    %get3A_1006 = arith.constant 688 : index
    %get3A_1007 = tpu.vector_load %arg7[%get3A_1006] {strides = array<i32>} : memref<6400xi32, #tpu.memory_space<vmem>>, vector<16xi32>,
    %get3A_1008 = vector.shape_cast %get3A_1007 : vector<16xi32> to vector<16xi32>
    %get3A_1009 = arith.constant 688 : index
    %get3A_1010 = tpu.vector_load %arg8[%get3A_1009] {strides = array<i32>} : memref<6400xi32, #tpu.memory_space<vmem>>, vector<16xi32>,
    %get3A_1011 = vector.shape_cast %get3A_1010 : vector<16xi32> to vector<16xi32>
    %get3A_1012 = arith.constant 688 : index
    %get3A_1013 = tpu.vector_load %arg9[%get3A_1012] {strides = array<i32>} : memref<6400xi32, #tpu.memory_space<vmem>>, vector<16xi32>,
    %get3A_1014 = vector.shape_cast %get3A_1013 : vector<16xi32> to vector<16xi32>
    %mul3A_1015 = arith.constant 65 : i32
    %mul3A_1016 = vector.broadcast %mul3A_1015 : i32 to vector<16xi32>
    %mul3A_1017 = arith.muli %get3A_1008, %mul3A_1016 : vector<16xi32>
    %mul3A_1018 = arith.constant 5 : i32
    %mul3A_1019 = vector.broadcast %mul3A_1018 : i32 to vector<16xi32>
    %mul3A_1020 = arith.muli %get3A_1011, %mul3A_1019 : vector<16xi32>
    %add3A_1021 = arith.addi %mul3A_1017, %mul3A_1020 : vector<16xi32>
    %add3A_1022 = arith.addi %add3A_1021, %get3A_1014 : vector<16xi32>
    %swap3A_1023 = arith.constant 5 : i32
    %swap3A_1024 = arith.index_cast %swap3A_1023 : i32 to index
    %swap3A_1025 = arith.constant 48 : index
    %swap3A_1026 = tpu.vector_load %arg10[%swap3A_1024, %swap3A_1025] {strides = array<i32>} : memref<50x128xi32, #tpu.memory_space<vmem>>, vector<1x16xi32>,
    %swap3A_1027 = vector.shape_cast %swap3A_1026 : vector<1x16xi32> to vector<16xi32>
    %swap3A_1028 = vector.shape_cast %add3A_1022 : vector<16xi32> to vector<1x16xi32>
    tpu.vector_store %arg10[%swap3A_1024, %swap3A_1025], %swap3A_1028 {strides = array<i32>} : memref<50x128xi32, #tpu.memory_space<vmem>>, vector<1x16xi32>,
    %get3A_1029 = arith.constant 704 : index
    %get3A_1030 = tpu.vector_load %arg7[%get3A_1029] {strides = array<i32>} : memref<6400xi32, #tpu.memory_space<vmem>>, vector<16xi32>,
    %get3A_1031 = vector.shape_cast %get3A_1030 : vector<16xi32> to vector<16xi32>
    %get3A_1032 = arith.constant 704 : index
    %get3A_1033 = tpu.vector_load %arg8[%get3A_1032] {strides = array<i32>} : memref<6400xi32, #tpu.memory_space<vmem>>, vector<16xi32>,
    %get3A_1034 = vector.shape_cast %get3A_1033 : vector<16xi32> to vector<16xi32>
    %get3A_1035 = arith.constant 704 : index
    %get3A_1036 = tpu.vector_load %arg9[%get3A_1035] {strides = array<i32>} : memref<6400xi32, #tpu.memory_space<vmem>>, vector<16xi32>,
    %get3A_1037 = vector.shape_cast %get3A_1036 : vector<16xi32> to vector<16xi32>
    %mul3A_1038 = arith.constant 65 : i32
    %mul3A_1039 = vector.broadcast %mul3A_1038 : i32 to vector<16xi32>
    %mul3A_1040 = arith.muli %get3A_1031, %mul3A_1039 : vector<16xi32>
    %mul3A_1041 = arith.constant 5 : i32
    %mul3A_1042 = vector.broadcast %mul3A_1041 : i32 to vector<16xi32>
    %mul3A_1043 = arith.muli %get3A_1034, %mul3A_1042 : vector<16xi32>
    %add3A_1044 = arith.addi %mul3A_1040, %mul3A_1043 : vector<16xi32>
    %add3A_1045 = arith.addi %add3A_1044, %get3A_1037 : vector<16xi32>
    %swap3A_1046 = arith.constant 5 : i32
    %swap3A_1047 = arith.index_cast %swap3A_1046 : i32 to index
    %swap3A_1048 = arith.constant 64 : index
    %swap3A_1049 = tpu.vector_load %arg10[%swap3A_1047, %swap3A_1048] {strides = array<i32>} : memref<50x128xi32, #tpu.memory_space<vmem>>, vector<1x16xi32>,
    %swap3A_1050 = vector.shape_cast %swap3A_1049 : vector<1x16xi32> to vector<16xi32>
    %swap3A_1051 = vector.shape_cast %add3A_1045 : vector<16xi32> to vector<1x16xi32>
    tpu.vector_store %arg10[%swap3A_1047, %swap3A_1048], %swap3A_1051 {strides = array<i32>} : memref<50x128xi32, #tpu.memory_space<vmem>>, vector<1x16xi32>,
    %get3A_1052 = arith.constant 720 : index
    %get3A_1053 = tpu.vector_load %arg7[%get3A_1052] {strides = array<i32>} : memref<6400xi32, #tpu.memory_space<vmem>>, vector<16xi32>,
    %get3A_1054 = vector.shape_cast %get3A_1053 : vector<16xi32> to vector<16xi32>
    %get3A_1055 = arith.constant 720 : index
    %get3A_1056 = tpu.vector_load %arg8[%get3A_1055] {strides = array<i32>} : memref<6400xi32, #tpu.memory_space<vmem>>, vector<16xi32>,
    %get3A_1057 = vector.shape_cast %get3A_1056 : vector<16xi32> to vector<16xi32>
    %get3A_1058 = arith.constant 720 : index
    %get3A_1059 = tpu.vector_load %arg9[%get3A_1058] {strides = array<i32>} : memref<6400xi32, #tpu.memory_space<vmem>>, vector<16xi32>,
    %get3A_1060 = vector.shape_cast %get3A_1059 : vector<16xi32> to vector<16xi32>
    %mul3A_1061 = arith.constant 65 : i32
    %mul3A_1062 = vector.broadcast %mul3A_1061 : i32 to vector<16xi32>
    %mul3A_1063 = arith.muli %get3A_1054, %mul3A_1062 : vector<16xi32>
    %mul3A_1064 = arith.constant 5 : i32
    %mul3A_1065 = vector.broadcast %mul3A_1064 : i32 to vector<16xi32>
    %mul3A_1066 = arith.muli %get3A_1057, %mul3A_1065 : vector<16xi32>
    %add3A_1067 = arith.addi %mul3A_1063, %mul3A_1066 : vector<16xi32>
    %add3A_1068 = arith.addi %add3A_1067, %get3A_1060 : vector<16xi32>
    %swap3A_1069 = arith.constant 5 : i32
    %swap3A_1070 = arith.index_cast %swap3A_1069 : i32 to index
    %swap3A_1071 = arith.constant 80 : index
    %swap3A_1072 = tpu.vector_load %arg10[%swap3A_1070, %swap3A_1071] {strides = array<i32>} : memref<50x128xi32, #tpu.memory_space<vmem>>, vector<1x16xi32>,
    %swap3A_1073 = vector.shape_cast %swap3A_1072 : vector<1x16xi32> to vector<16xi32>
    %swap3A_1074 = vector.shape_cast %add3A_1068 : vector<16xi32> to vector<1x16xi32>
    tpu.vector_store %arg10[%swap3A_1070, %swap3A_1071], %swap3A_1074 {strides = array<i32>} : memref<50x128xi32, #tpu.memory_space<vmem>>, vector<1x16xi32>,
    %get3A_1075 = arith.constant 736 : index
    %get3A_1076 = tpu.vector_load %arg7[%get3A_1075] {strides = array<i32>} : memref<6400xi32, #tpu.memory_space<vmem>>, vector<16xi32>,
    %get3A_1077 = vector.shape_cast %get3A_1076 : vector<16xi32> to vector<16xi32>
    %get3A_1078 = arith.constant 736 : index
    %get3A_1079 = tpu.vector_load %arg8[%get3A_1078] {strides = array<i32>} : memref<6400xi32, #tpu.memory_space<vmem>>, vector<16xi32>,
    %get3A_1080 = vector.shape_cast %get3A_1079 : vector<16xi32> to vector<16xi32>
    %get3A_1081 = arith.constant 736 : index
    %get3A_1082 = tpu.vector_load %arg9[%get3A_1081] {strides = array<i32>} : memref<6400xi32, #tpu.memory_space<vmem>>, vector<16xi32>,
    %get3A_1083 = vector.shape_cast %get3A_1082 : vector<16xi32> to vector<16xi32>
    %mul3A_1084 = arith.constant 65 : i32
    %mul3A_1085 = vector.broadcast %mul3A_1084 : i32 to vector<16xi32>
    %mul3A_1086 = arith.muli %get3A_1077, %mul3A_1085 : vector<16xi32>
    %mul3A_1087 = arith.constant 5 : i32
    %mul3A_1088 = vector.broadcast %mul3A_1087 : i32 to vector<16xi32>
    %mul3A_1089 = arith.muli %get3A_1080, %mul3A_1088 : vector<16xi32>
    %add3A_1090 = arith.addi %mul3A_1086, %mul3A_1089 : vector<16xi32>
    %add3A_1091 = arith.addi %add3A_1090, %get3A_1083 : vector<16xi32>
    %swap3A_1092 = arith.constant 5 : i32
    %swap3A_1093 = arith.index_cast %swap3A_1092 : i32 to index
    %swap3A_1094 = arith.constant 96 : index
    %swap3A_1095 = tpu.vector_load %arg10[%swap3A_1093, %swap3A_1094] {strides = array<i32>} : memref<50x128xi32, #tpu.memory_space<vmem>>, vector<1x16xi32>,
    %swap3A_1096 = vector.shape_cast %swap3A_1095 : vector<1x16xi32> to vector<16xi32>
    %swap3A_1097 = vector.shape_cast %add3A_1091 : vector<16xi32> to vector<1x16xi32>
    tpu.vector_store %arg10[%swap3A_1093, %swap3A_1094], %swap3A_1097 {strides = array<i32>} : memref<50x128xi32, #tpu.memory_space<vmem>>, vector<1x16xi32>,
    %get3A_1098 = arith.constant 752 : index
    %get3A_1099 = tpu.vector_load %arg7[%get3A_1098] {strides = array<i32>} : memref<6400xi32, #tpu.memory_space<vmem>>, vector<16xi32>,
    %get3A_1100 = vector.shape_cast %get3A_1099 : vector<16xi32> to vector<16xi32>
    %get3A_1101 = arith.constant 752 : index
    %get3A_1102 = tpu.vector_load %arg8[%get3A_1101] {strides = array<i32>} : memref<6400xi32, #tpu.memory_space<vmem>>, vector<16xi32>,
    %get3A_1103 = vector.shape_cast %get3A_1102 : vector<16xi32> to vector<16xi32>
    %get3A_1104 = arith.constant 752 : index
    %get3A_1105 = tpu.vector_load %arg9[%get3A_1104] {strides = array<i32>} : memref<6400xi32, #tpu.memory_space<vmem>>, vector<16xi32>,
    %get3A_1106 = vector.shape_cast %get3A_1105 : vector<16xi32> to vector<16xi32>
    %mul3A_1107 = arith.constant 65 : i32
    %mul3A_1108 = vector.broadcast %mul3A_1107 : i32 to vector<16xi32>
    %mul3A_1109 = arith.muli %get3A_1100, %mul3A_1108 : vector<16xi32>
    %mul3A_1110 = arith.constant 5 : i32
    %mul3A_1111 = vector.broadcast %mul3A_1110 : i32 to vector<16xi32>
    %mul3A_1112 = arith.muli %get3A_1103, %mul3A_1111 : vector<16xi32>
    %add3A_1113 = arith.addi %mul3A_1109, %mul3A_1112 : vector<16xi32>
    %add3A_1114 = arith.addi %add3A_1113, %get3A_1106 : vector<16xi32>
    %swap3A_1115 = arith.constant 5 : i32
    %swap3A_1116 = arith.index_cast %swap3A_1115 : i32 to index
    %swap3A_1117 = arith.constant 112 : index
    %swap3A_1118 = tpu.vector_load %arg10[%swap3A_1116, %swap3A_1117] {strides = array<i32>} : memref<50x128xi32, #tpu.memory_space<vmem>>, vector<1x16xi32>,
    %swap3A_1119 = vector.shape_cast %swap3A_1118 : vector<1x16xi32> to vector<16xi32>
    %swap3A_1120 = vector.shape_cast %add3A_1114 : vector<16xi32> to vector<1x16xi32>
    tpu.vector_store %arg10[%swap3A_1116, %swap3A_1117], %swap3A_1120 {strides = array<i32>} : memref<50x128xi32, #tpu.memory_space<vmem>>, vector<1x16xi32>,
    %dma_wait3A_1121 = arith.constant 0 : i32
    %dma_wait3A_1122 = tpu.memref_slice %arg15[%mul3A_4, %dma_wait3A_1121] : memref<2176x128xf32, #tpu.memory_space<vmem_shared>> -> memref<136x128xf32, #tpu.memory_space<vmem_shared>>
    %dma_wait3A_1123 = arith.constant 0 : i32
    %dma_wait3A_1124 = tpu.memref_slice %arg5[%mul3A_4, %dma_wait3A_1123] : memref<2176x128xf32, #tpu.memory_space<hbm>> -> memref<136x128xf32, #tpu.memory_space<hbm>>
    tpu.wait_dma2 semaphore(%arg16 : memref<!tpu.dma_semaphore, #tpu.memory_space<semaphore_mem>>) src(%dma_wait3A_1124 : memref<136x128xf32, #tpu.memory_space<hbm>>) dst(%dma_wait3A_1122 : memref<136x128xf32, #tpu.memory_space<vmem_shared>>)
    %barrier3A = arith.constant 0 : index
    tpu.barrier barrier_id(%barrier3A)
    %dma_start3A_1125 = arith.constant 0 : i32
    %dma_start3A_1126 = arith.constant 0 : i32
    %dma_start3A_1127 = tpu.memref_slice %arg10[%dma_start3A_1125, %dma_start3A_1126] : memref<50x128xi32, #tpu.memory_space<vmem>> -> memref<1x128xi32, #tpu.memory_space<vmem>>
    %dma_start3A_1128 = tpu.memref_squeeze %dma_start3A_1127 : memref<1x128xi32, #tpu.memory_space<vmem>> -> memref<128xi32, #tpu.memory_space<vmem>>
    %dma_start3A_1129 = arith.constant 0 : i32
    %dma_start3A_1130 = arith.constant 0 : i32
    %dma_start3A_1131 = tpu.memref_slice %arg15[%dma_start3A_1129, %dma_start3A_1130] : memref<2176x128xf32, #tpu.memory_space<vmem_shared>> -> memref<2176x128xf32, #tpu.memory_space<vmem_shared>>
    tpu.enqueue_indirect_dma source(%dma_start3A_1131 : memref<2176x128xf32, #tpu.memory_space<vmem_shared>>) target(%arg11 : memref<128x128xf32, #tpu.memory_space<vmem>>) offsets(%dma_start3A_1128 : memref<128xi32, #tpu.memory_space<vmem>>) semaphore(%arg17 : memref<!tpu.dma_semaphore, #tpu.memory_space<semaphore_mem>>)
    %dma_start3A_1132 = arith.constant 1 : i32
    %dma_start3A_1133 = arith.constant 0 : i32
    %dma_start3A_1134 = tpu.memref_slice %arg10[%dma_start3A_1132, %dma_start3A_1133] : memref<50x128xi32, #tpu.memory_space<vmem>> -> memref<1x128xi32, #tpu.memory_space<vmem>>
    %dma_start3A_1135 = tpu.memref_squeeze %dma_start3A_1134 : memref<1x128xi32, #tpu.memory_space<vmem>> -> memref<128xi32, #tpu.memory_space<vmem>>
    %dma_start3A_1136 = arith.constant 0 : i32
    %dma_start3A_1137 = arith.constant 0 : i32
    %dma_start3A_1138 = tpu.memref_slice %arg15[%dma_start3A_1136, %dma_start3A_1137] : memref<2176x128xf32, #tpu.memory_space<vmem_shared>> -> memref<2176x128xf32, #tpu.memory_space<vmem_shared>>
    tpu.enqueue_indirect_dma source(%dma_start3A_1138 : memref<2176x128xf32, #tpu.memory_space<vmem_shared>>) target(%arg12 : memref<128x128xf32, #tpu.memory_space<vmem>>) offsets(%dma_start3A_1135 : memref<128xi32, #tpu.memory_space<vmem>>) semaphore(%arg18 : memref<!tpu.dma_semaphore, #tpu.memory_space<semaphore_mem>>)
    %dma_start3A_1139 = arith.constant 2 : i32
    %dma_start3A_1140 = arith.constant 0 : i32
    %dma_start3A_1141 = tpu.memref_slice %arg10[%dma_start3A_1139, %dma_start3A_1140] : memref<50x128xi32, #tpu.memory_space<vmem>> -> memref<1x128xi32, #tpu.memory_space<vmem>>
    %dma_start3A_1142 = tpu.memref_squeeze %dma_start3A_1141 : memref<1x128xi32, #tpu.memory_space<vmem>> -> memref<128xi32, #tpu.memory_space<vmem>>
    %dma_start3A_1143 = arith.constant 0 : i32
    %dma_start3A_1144 = arith.constant 0 : i32
    %dma_start3A_1145 = tpu.memref_slice %arg15[%dma_start3A_1143, %dma_start3A_1144] : memref<2176x128xf32, #tpu.memory_space<vmem_shared>> -> memref<2176x128xf32, #tpu.memory_space<vmem_shared>>
    tpu.enqueue_indirect_dma source(%dma_start3A_1145 : memref<2176x128xf32, #tpu.memory_space<vmem_shared>>) target(%arg13 : memref<128x128xf32, #tpu.memory_space<vmem>>) offsets(%dma_start3A_1142 : memref<128xi32, #tpu.memory_space<vmem>>) semaphore(%arg19 : memref<!tpu.dma_semaphore, #tpu.memory_space<semaphore_mem>>)
    %dma_wait3A_1146 = arith.constant 0 : i32
    %dma_wait3A_1147 = arith.constant 0 : i32
    %dma_wait3A_1148 = tpu.memref_slice %arg10[%dma_wait3A_1146, %dma_wait3A_1147] : memref<50x128xi32, #tpu.memory_space<vmem>> -> memref<1x128xi32, #tpu.memory_space<vmem>>
    %dma_wait3A_1149 = tpu.memref_squeeze %dma_wait3A_1148 : memref<1x128xi32, #tpu.memory_space<vmem>> -> memref<128xi32, #tpu.memory_space<vmem>>
    %dma_wait3A_1150 = arith.constant 0 : i32
    %dma_wait3A_1151 = arith.constant 0 : i32
    %dma_wait3A_1152 = tpu.memref_slice %arg15[%dma_wait3A_1150, %dma_wait3A_1151] : memref<2176x128xf32, #tpu.memory_space<vmem_shared>> -> memref<2176x128xf32, #tpu.memory_space<vmem_shared>>
    tpu.wait_indirect_dma semaphore(%arg17 : memref<!tpu.dma_semaphore, #tpu.memory_space<semaphore_mem>>) src(%dma_wait3A_1152 : memref<2176x128xf32, #tpu.memory_space<vmem_shared>>) dst(%arg11 : memref<128x128xf32, #tpu.memory_space<vmem>>)
    %add3A_1153 = arith.constant 0 : i32
    %add3A_1154 = arith.addi %mul3A_2, %add3A_1153 : i32
    %dma_start3A_1155 = arith.constant 0 : i32
    %dma_start3A_1156 = tpu.memref_slice %arg6[%add3A_1154, %dma_start3A_1155] : memref<204800x128xf32, #tpu.memory_space<hbm>> -> memref<128x128xf32, #tpu.memory_space<hbm>>
    %dma_start3A_1157 = arith.constant 0 : i32
    %dma_start3A_1158 = tpu.memref_slice %arg6[%add3A_1154, %dma_start3A_1157] : memref<204800x128xf32, #tpu.memory_space<hbm>> -> memref<128x128xf32, #tpu.memory_space<hbm>>
    tpu.enqueue_dma source(%arg11 : memref<128x128xf32, #tpu.memory_space<vmem>>) target(%dma_start3A_1158 : memref<128x128xf32, #tpu.memory_space<hbm>>) target_semaphore(%arg21 : memref<!tpu.dma_semaphore, #tpu.memory_space<semaphore_mem>>)
    %dma_start3A_1159 = arith.constant 3 : i32
    %dma_start3A_1160 = arith.constant 0 : i32
    %dma_start3A_1161 = tpu.memref_slice %arg10[%dma_start3A_1159, %dma_start3A_1160] : memref<50x128xi32, #tpu.memory_space<vmem>> -> memref<1x128xi32, #tpu.memory_space<vmem>>
    %dma_start3A_1162 = tpu.memref_squeeze %dma_start3A_1161 : memref<1x128xi32, #tpu.memory_space<vmem>> -> memref<128xi32, #tpu.memory_space<vmem>>
    %dma_start3A_1163 = arith.constant 0 : i32
    %dma_start3A_1164 = arith.constant 0 : i32
    %dma_start3A_1165 = tpu.memref_slice %arg15[%dma_start3A_1163, %dma_start3A_1164] : memref<2176x128xf32, #tpu.memory_space<vmem_shared>> -> memref<2176x128xf32, #tpu.memory_space<vmem_shared>>
    tpu.enqueue_indirect_dma source(%dma_start3A_1165 : memref<2176x128xf32, #tpu.memory_space<vmem_shared>>) target(%arg14 : memref<128x128xf32, #tpu.memory_space<vmem>>) offsets(%dma_start3A_1162 : memref<128xi32, #tpu.memory_space<vmem>>) semaphore(%arg20 : memref<!tpu.dma_semaphore, #tpu.memory_space<semaphore_mem>>)
    %dma_wait3A_1166 = arith.constant 0 : i32
    %dma_wait3A_1167 = arith.constant 0 : i32
    %dma_wait3A_1168 = tpu.memref_slice %arg10[%dma_wait3A_1166, %dma_wait3A_1167] : memref<50x128xi32, #tpu.memory_space<vmem>> -> memref<1x128xi32, #tpu.memory_space<vmem>>
    %dma_wait3A_1169 = tpu.memref_squeeze %dma_wait3A_1168 : memref<1x128xi32, #tpu.memory_space<vmem>> -> memref<128xi32, #tpu.memory_space<vmem>>
    %dma_wait3A_1170 = arith.constant 0 : i32
    %dma_wait3A_1171 = arith.constant 0 : i32
    %dma_wait3A_1172 = tpu.memref_slice %arg15[%dma_wait3A_1170, %dma_wait3A_1171] : memref<2176x128xf32, #tpu.memory_space<vmem_shared>> -> memref<2176x128xf32, #tpu.memory_space<vmem_shared>>
    tpu.wait_indirect_dma semaphore(%arg18 : memref<!tpu.dma_semaphore, #tpu.memory_space<semaphore_mem>>) src(%dma_wait3A_1172 : memref<2176x128xf32, #tpu.memory_space<vmem_shared>>) dst(%arg12 : memref<128x128xf32, #tpu.memory_space<vmem>>)
    %add3A_1173 = arith.constant 128 : i32
    %add3A_1174 = arith.addi %mul3A_2, %add3A_1173 : i32
    %dma_start3A_1175 = arith.constant 0 : i32
    %dma_start3A_1176 = tpu.memref_slice %arg6[%add3A_1174, %dma_start3A_1175] : memref<204800x128xf32, #tpu.memory_space<hbm>> -> memref<128x128xf32, #tpu.memory_space<hbm>>
    %dma_start3A_1177 = arith.constant 0 : i32
    %dma_start3A_1178 = tpu.memref_slice %arg6[%add3A_1174, %dma_start3A_1177] : memref<204800x128xf32, #tpu.memory_space<hbm>> -> memref<128x128xf32, #tpu.memory_space<hbm>>
    tpu.enqueue_dma source(%arg12 : memref<128x128xf32, #tpu.memory_space<vmem>>) target(%dma_start3A_1178 : memref<128x128xf32, #tpu.memory_space<hbm>>) target_semaphore(%arg22 : memref<!tpu.dma_semaphore, #tpu.memory_space<semaphore_mem>>)
    %dma_wait3A_1179 = arith.constant 0 : i32
    %dma_wait3A_1180 = tpu.memref_slice %arg6[%mul3A_2, %dma_wait3A_1179] : memref<204800x128xf32, #tpu.memory_space<hbm>> -> memref<128x128xf32, #tpu.memory_space<hbm>>
    %dma_wait3A_1181 = arith.constant 0 : i32
    %dma_wait3A_1182 = tpu.memref_slice %arg6[%mul3A_2, %dma_wait3A_1181] : memref<204800x128xf32, #tpu.memory_space<hbm>> -> memref<128x128xf32, #tpu.memory_space<hbm>>
    tpu.wait_dma2 semaphore(%arg21 : memref<!tpu.dma_semaphore, #tpu.memory_space<semaphore_mem>>) src(%arg11 : memref<128x128xf32, #tpu.memory_space<vmem>>) dst(%dma_wait3A_1182 : memref<128x128xf32, #tpu.memory_space<hbm>>)
    %dma_start3A_1183 = arith.constant 4 : i32
    %dma_start3A_1184 = arith.constant 0 : i32
    %dma_start3A_1185 = tpu.memref_slice %arg10[%dma_start3A_1183, %dma_start3A_1184] : memref<50x128xi32, #tpu.memory_space<vmem>> -> memref<1x128xi32, #tpu.memory_space<vmem>>
    %dma_start3A_1186 = tpu.memref_squeeze %dma_start3A_1185 : memref<1x128xi32, #tpu.memory_space<vmem>> -> memref<128xi32, #tpu.memory_space<vmem>>
    %dma_start3A_1187 = arith.constant 0 : i32
    %dma_start3A_1188 = arith.constant 0 : i32
    %dma_start3A_1189 = tpu.memref_slice %arg15[%dma_start3A_1187, %dma_start3A_1188] : memref<2176x128xf32, #tpu.memory_space<vmem_shared>> -> memref<2176x128xf32, #tpu.memory_space<vmem_shared>>
    tpu.enqueue_indirect_dma source(%dma_start3A_1189 : memref<2176x128xf32, #tpu.memory_space<vmem_shared>>) target(%arg11 : memref<128x128xf32, #tpu.memory_space<vmem>>) offsets(%dma_start3A_1186 : memref<128xi32, #tpu.memory_space<vmem>>) semaphore(%arg17 : memref<!tpu.dma_semaphore, #tpu.memory_space<semaphore_mem>>)
    %dma_wait3A_1190 = arith.constant 0 : i32
    %dma_wait3A_1191 = arith.constant 0 : i32
    %dma_wait3A_1192 = tpu.memref_slice %arg10[%dma_wait3A_1190, %dma_wait3A_1191] : memref<50x128xi32, #tpu.memory_space<vmem>> -> memref<1x128xi32, #tpu.memory_space<vmem>>
    %dma_wait3A_1193 = tpu.memref_squeeze %dma_wait3A_1192 : memref<1x128xi32, #tpu.memory_space<vmem>> -> memref<128xi32, #tpu.memory_space<vmem>>
    %dma_wait3A_1194 = arith.constant 0 : i32
    %dma_wait3A_1195 = arith.constant 0 : i32
    %dma_wait3A_1196 = tpu.memref_slice %arg15[%dma_wait3A_1194, %dma_wait3A_1195] : memref<2176x128xf32, #tpu.memory_space<vmem_shared>> -> memref<2176x128xf32, #tpu.memory_space<vmem_shared>>
    tpu.wait_indirect_dma semaphore(%arg19 : memref<!tpu.dma_semaphore, #tpu.memory_space<semaphore_mem>>) src(%dma_wait3A_1196 : memref<2176x128xf32, #tpu.memory_space<vmem_shared>>) dst(%arg13 : memref<128x128xf32, #tpu.memory_space<vmem>>)
    %add3A_1197 = arith.constant 256 : i32
    %add3A_1198 = arith.addi %mul3A_2, %add3A_1197 : i32
    %dma_start3A_1199 = arith.constant 0 : i32
    %dma_start3A_1200 = tpu.memref_slice %arg6[%add3A_1198, %dma_start3A_1199] : memref<204800x128xf32, #tpu.memory_space<hbm>> -> memref<128x128xf32, #tpu.memory_space<hbm>>
    %dma_start3A_1201 = arith.constant 0 : i32
    %dma_start3A_1202 = tpu.memref_slice %arg6[%add3A_1198, %dma_start3A_1201] : memref<204800x128xf32, #tpu.memory_space<hbm>> -> memref<128x128xf32, #tpu.memory_space<hbm>>
    tpu.enqueue_dma source(%arg13 : memref<128x128xf32, #tpu.memory_space<vmem>>) target(%dma_start3A_1202 : memref<128x128xf32, #tpu.memory_space<hbm>>) target_semaphore(%arg23 : memref<!tpu.dma_semaphore, #tpu.memory_space<semaphore_mem>>)
    %dma_wait3A_1203 = arith.constant 0 : i32
    %dma_wait3A_1204 = tpu.memref_slice %arg6[%mul3A_2, %dma_wait3A_1203] : memref<204800x128xf32, #tpu.memory_space<hbm>> -> memref<128x128xf32, #tpu.memory_space<hbm>>
    %dma_wait3A_1205 = arith.constant 0 : i32
    %dma_wait3A_1206 = tpu.memref_slice %arg6[%mul3A_2, %dma_wait3A_1205] : memref<204800x128xf32, #tpu.memory_space<hbm>> -> memref<128x128xf32, #tpu.memory_space<hbm>>
    tpu.wait_dma2 semaphore(%arg22 : memref<!tpu.dma_semaphore, #tpu.memory_space<semaphore_mem>>) src(%arg12 : memref<128x128xf32, #tpu.memory_space<vmem>>) dst(%dma_wait3A_1206 : memref<128x128xf32, #tpu.memory_space<hbm>>)
    %dma_start3A_1207 = arith.constant 5 : i32
    %dma_start3A_1208 = arith.constant 0 : i32
    %dma_start3A_1209 = tpu.memref_slice %arg10[%dma_start3A_1207, %dma_start3A_1208] : memref<50x128xi32, #tpu.memory_space<vmem>> -> memref<1x128xi32, #tpu.memory_space<vmem>>
    %dma_start3A_1210 = tpu.memref_squeeze %dma_start3A_1209 : memref<1x128xi32, #tpu.memory_space<vmem>> -> memref<128xi32, #tpu.memory_space<vmem>>
    %dma_start3A_1211 = arith.constant 0 : i32
    %dma_start3A_1212 = arith.constant 0 : i32
    %dma_start3A_1213 = tpu.memref_slice %arg15[%dma_start3A_1211, %dma_start3A_1212] : memref<2176x128xf32, #tpu.memory_space<vmem_shared>> -> memref<2176x128xf32, #tpu.memory_space<vmem_shared>>
    tpu.enqueue_indirect_dma source(%dma_start3A_1213 : memref<2176x128xf32, #tpu.memory_space<vmem_shared>>) target(%arg12 : memref<128x128xf32, #tpu.memory_space<vmem>>) offsets(%dma_start3A_1210 : memref<128xi32, #tpu.memory_space<vmem>>) semaphore(%arg18 : memref<!tpu.dma_semaphore, #tpu.memory_space<semaphore_mem>>)
    %dma_wait3A_1214 = arith.constant 0 : i32
    %dma_wait3A_1215 = arith.constant 0 : i32
    %dma_wait3A_1216 = tpu.memref_slice %arg10[%dma_wait3A_1214, %dma_wait3A_1215] : memref<50x128xi32, #tpu.memory_space<vmem>> -> memref<1x128xi32, #tpu.memory_space<vmem>>
    %dma_wait3A_1217 = tpu.memref_squeeze %dma_wait3A_1216 : memref<1x128xi32, #tpu.memory_space<vmem>> -> memref<128xi32, #tpu.memory_space<vmem>>
    %dma_wait3A_1218 = arith.constant 0 : i32
    %dma_wait3A_1219 = arith.constant 0 : i32
    %dma_wait3A_1220 = tpu.memref_slice %arg15[%dma_wait3A_1218, %dma_wait3A_1219] : memref<2176x128xf32, #tpu.memory_space<vmem_shared>> -> memref<2176x128xf32, #tpu.memory_space<vmem_shared>>
    tpu.wait_indirect_dma semaphore(%arg20 : memref<!tpu.dma_semaphore, #tpu.memory_space<semaphore_mem>>) src(%dma_wait3A_1220 : memref<2176x128xf32, #tpu.memory_space<vmem_shared>>) dst(%arg14 : memref<128x128xf32, #tpu.memory_space<vmem>>)
    %add3A_1221 = arith.constant 384 : i32
    %add3A_1222 = arith.addi %mul3A_2, %add3A_1221 : i32
    %dma_start3A_1223 = arith.constant 0 : i32
    %dma_start3A_1224 = tpu.memref_slice %arg6[%add3A_1222, %dma_start3A_1223] : memref<204800x128xf32, #tpu.memory_space<hbm>> -> memref<128x128xf32, #tpu.memory_space<hbm>>
    %dma_start3A_1225 = arith.constant 0 : i32
    %dma_start3A_1226 = tpu.memref_slice %arg6[%add3A_1222, %dma_start3A_1225] : memref<204800x128xf32, #tpu.memory_space<hbm>> -> memref<128x128xf32, #tpu.memory_space<hbm>>
    tpu.enqueue_dma source(%arg14 : memref<128x128xf32, #tpu.memory_space<vmem>>) target(%dma_start3A_1226 : memref<128x128xf32, #tpu.memory_space<hbm>>) target_semaphore(%arg24 : memref<!tpu.dma_semaphore, #tpu.memory_space<semaphore_mem>>)
    %scan3A = arith.constant 0 : i32
    %scan3A_1227 = arith.constant 1 : i32
    %scan3A_1228 = arith.constant 11 : i32
    %scan3A_1229 = arith.addi %scan3A_1227, %scan3A_1228 : i32
    %scan3A_1230 = arith.constant 1 : i32
    scf.for %scan3A_1274 = %scan3A_1227 to %scan3A_1229 step %scan3A_1230  : i32 {
      %mul3A_1275 = arith.constant 4 : i32
      %mul3A_1276 = arith.muli %mul3A_1275, %scan3A_1274 : i32
      %add3A_1277 = arith.constant 0 : i32
      %add3A_1278 = arith.addi %mul3A_1276, %add3A_1277 : i32
      %add3A_1279 = arith.constant 2 : i32
      %add3A_1280 = arith.addi %add3A_1278, %add3A_1279 : i32
      %mul3A_1281 = arith.constant 128 : i32
      %mul3A_1282 = arith.muli %add3A_1280, %mul3A_1281 : i32
      %add3A_1283 = arith.constant 0 : i32
      %add3A_1284 = arith.addi %mul3A_1282, %add3A_1283 : i32
      %get3A_1285 = arith.index_cast %add3A_1284 : i32 to index
      %get3A_1286 = tpu.vector_load %arg7[%get3A_1285] {strides = array<i32>} : memref<6400xi32, #tpu.memory_space<vmem>>, vector<16xi32>,
      %get3A_1287 = vector.shape_cast %get3A_1286 : vector<16xi32> to vector<16xi32>
      %get3A_1288 = arith.index_cast %add3A_1284 : i32 to index
      %get3A_1289 = tpu.vector_load %arg8[%get3A_1288] {strides = array<i32>} : memref<6400xi32, #tpu.memory_space<vmem>>, vector<16xi32>,
      %get3A_1290 = vector.shape_cast %get3A_1289 : vector<16xi32> to vector<16xi32>
      %get3A_1291 = arith.index_cast %add3A_1284 : i32 to index
      %get3A_1292 = tpu.vector_load %arg9[%get3A_1291] {strides = array<i32>} : memref<6400xi32, #tpu.memory_space<vmem>>, vector<16xi32>,
      %get3A_1293 = vector.shape_cast %get3A_1292 : vector<16xi32> to vector<16xi32>
      %mul3A_1294 = arith.constant 65 : i32
      %mul3A_1295 = vector.broadcast %mul3A_1294 : i32 to vector<16xi32>
      %mul3A_1296 = arith.muli %get3A_1287, %mul3A_1295 : vector<16xi32>
      %mul3A_1297 = arith.constant 5 : i32
      %mul3A_1298 = vector.broadcast %mul3A_1297 : i32 to vector<16xi32>
      %mul3A_1299 = arith.muli %get3A_1290, %mul3A_1298 : vector<16xi32>
      %add3A_1300 = arith.addi %mul3A_1296, %mul3A_1299 : vector<16xi32>
      %add3A_1301 = arith.addi %add3A_1300, %get3A_1293 : vector<16xi32>
      %swap3A_1302 = arith.index_cast %add3A_1280 : i32 to index
      %swap3A_1303 = arith.constant 0 : index
      %swap3A_1304 = tpu.vector_load %arg10[%swap3A_1302, %swap3A_1303] {strides = array<i32>} : memref<50x128xi32, #tpu.memory_space<vmem>>, vector<1x16xi32>,
      %swap3A_1305 = vector.shape_cast %swap3A_1304 : vector<1x16xi32> to vector<16xi32>
      %swap3A_1306 = vector.shape_cast %add3A_1301 : vector<16xi32> to vector<1x16xi32>
      tpu.vector_store %arg10[%swap3A_1302, %swap3A_1303], %swap3A_1306 {strides = array<i32>} : memref<50x128xi32, #tpu.memory_space<vmem>>, vector<1x16xi32>,
      %mul3A_1307 = arith.constant 128 : i32
      %mul3A_1308 = arith.muli %add3A_1280, %mul3A_1307 : i32
      %add3A_1309 = arith.constant 16 : i32
      %add3A_1310 = arith.addi %mul3A_1308, %add3A_1309 : i32
      %get3A_1311 = arith.index_cast %add3A_1310 : i32 to index
      %get3A_1312 = tpu.vector_load %arg7[%get3A_1311] {strides = array<i32>} : memref<6400xi32, #tpu.memory_space<vmem>>, vector<16xi32>,
      %get3A_1313 = vector.shape_cast %get3A_1312 : vector<16xi32> to vector<16xi32>
      %get3A_1314 = arith.index_cast %add3A_1310 : i32 to index
      %get3A_1315 = tpu.vector_load %arg8[%get3A_1314] {strides = array<i32>} : memref<6400xi32, #tpu.memory_space<vmem>>, vector<16xi32>,
      %get3A_1316 = vector.shape_cast %get3A_1315 : vector<16xi32> to vector<16xi32>
      %get3A_1317 = arith.index_cast %add3A_1310 : i32 to index
      %get3A_1318 = tpu.vector_load %arg9[%get3A_1317] {strides = array<i32>} : memref<6400xi32, #tpu.memory_space<vmem>>, vector<16xi32>,
      %get3A_1319 = vector.shape_cast %get3A_1318 : vector<16xi32> to vector<16xi32>
      %mul3A_1320 = arith.constant 65 : i32
      %mul3A_1321 = vector.broadcast %mul3A_1320 : i32 to vector<16xi32>
      %mul3A_1322 = arith.muli %get3A_1313, %mul3A_1321 : vector<16xi32>
      %mul3A_1323 = arith.constant 5 : i32
      %mul3A_1324 = vector.broadcast %mul3A_1323 : i32 to vector<16xi32>
      %mul3A_1325 = arith.muli %get3A_1316, %mul3A_1324 : vector<16xi32>
      %add3A_1326 = arith.addi %mul3A_1322, %mul3A_1325 : vector<16xi32>
      %add3A_1327 = arith.addi %add3A_1326, %get3A_1319 : vector<16xi32>
      %swap3A_1328 = arith.index_cast %add3A_1280 : i32 to index
      %swap3A_1329 = arith.constant 16 : index
      %swap3A_1330 = tpu.vector_load %arg10[%swap3A_1328, %swap3A_1329] {strides = array<i32>} : memref<50x128xi32, #tpu.memory_space<vmem>>, vector<1x16xi32>,
      %swap3A_1331 = vector.shape_cast %swap3A_1330 : vector<1x16xi32> to vector<16xi32>
      %swap3A_1332 = vector.shape_cast %add3A_1327 : vector<16xi32> to vector<1x16xi32>
      tpu.vector_store %arg10[%swap3A_1328, %swap3A_1329], %swap3A_1332 {strides = array<i32>} : memref<50x128xi32, #tpu.memory_space<vmem>>, vector<1x16xi32>,
      %mul3A_1333 = arith.constant 128 : i32
      %mul3A_1334 = arith.muli %add3A_1280, %mul3A_1333 : i32
      %add3A_1335 = arith.constant 32 : i32
      %add3A_1336 = arith.addi %mul3A_1334, %add3A_1335 : i32
      %get3A_1337 = arith.index_cast %add3A_1336 : i32 to index
      %get3A_1338 = tpu.vector_load %arg7[%get3A_1337] {strides = array<i32>} : memref<6400xi32, #tpu.memory_space<vmem>>, vector<16xi32>,
      %get3A_1339 = vector.shape_cast %get3A_1338 : vector<16xi32> to vector<16xi32>
      %get3A_1340 = arith.index_cast %add3A_1336 : i32 to index
      %get3A_1341 = tpu.vector_load %arg8[%get3A_1340] {strides = array<i32>} : memref<6400xi32, #tpu.memory_space<vmem>>, vector<16xi32>,
      %get3A_1342 = vector.shape_cast %get3A_1341 : vector<16xi32> to vector<16xi32>
      %get3A_1343 = arith.index_cast %add3A_1336 : i32 to index
      %get3A_1344 = tpu.vector_load %arg9[%get3A_1343] {strides = array<i32>} : memref<6400xi32, #tpu.memory_space<vmem>>, vector<16xi32>,
      %get3A_1345 = vector.shape_cast %get3A_1344 : vector<16xi32> to vector<16xi32>
      %mul3A_1346 = arith.constant 65 : i32
      %mul3A_1347 = vector.broadcast %mul3A_1346 : i32 to vector<16xi32>
      %mul3A_1348 = arith.muli %get3A_1339, %mul3A_1347 : vector<16xi32>
      %mul3A_1349 = arith.constant 5 : i32
      %mul3A_1350 = vector.broadcast %mul3A_1349 : i32 to vector<16xi32>
      %mul3A_1351 = arith.muli %get3A_1342, %mul3A_1350 : vector<16xi32>
      %add3A_1352 = arith.addi %mul3A_1348, %mul3A_1351 : vector<16xi32>
      %add3A_1353 = arith.addi %add3A_1352, %get3A_1345 : vector<16xi32>
      %swap3A_1354 = arith.index_cast %add3A_1280 : i32 to index
      %swap3A_1355 = arith.constant 32 : index
      %swap3A_1356 = tpu.vector_load %arg10[%swap3A_1354, %swap3A_1355] {strides = array<i32>} : memref<50x128xi32, #tpu.memory_space<vmem>>, vector<1x16xi32>,
      %swap3A_1357 = vector.shape_cast %swap3A_1356 : vector<1x16xi32> to vector<16xi32>
      %swap3A_1358 = vector.shape_cast %add3A_1353 : vector<16xi32> to vector<1x16xi32>
      tpu.vector_store %arg10[%swap3A_1354, %swap3A_1355], %swap3A_1358 {strides = array<i32>} : memref<50x128xi32, #tpu.memory_space<vmem>>, vector<1x16xi32>,
      %mul3A_1359 = arith.constant 128 : i32
      %mul3A_1360 = arith.muli %add3A_1280, %mul3A_1359 : i32
      %add3A_1361 = arith.constant 48 : i32
      %add3A_1362 = arith.addi %mul3A_1360, %add3A_1361 : i32
      %get3A_1363 = arith.index_cast %add3A_1362 : i32 to index
      %get3A_1364 = tpu.vector_load %arg7[%get3A_1363] {strides = array<i32>} : memref<6400xi32, #tpu.memory_space<vmem>>, vector<16xi32>,
      %get3A_1365 = vector.shape_cast %get3A_1364 : vector<16xi32> to vector<16xi32>
      %get3A_1366 = arith.index_cast %add3A_1362 : i32 to index
      %get3A_1367 = tpu.vector_load %arg8[%get3A_1366] {strides = array<i32>} : memref<6400xi32, #tpu.memory_space<vmem>>, vector<16xi32>,
      %get3A_1368 = vector.shape_cast %get3A_1367 : vector<16xi32> to vector<16xi32>
      %get3A_1369 = arith.index_cast %add3A_1362 : i32 to index
      %get3A_1370 = tpu.vector_load %arg9[%get3A_1369] {strides = array<i32>} : memref<6400xi32, #tpu.memory_space<vmem>>, vector<16xi32>,
      %get3A_1371 = vector.shape_cast %get3A_1370 : vector<16xi32> to vector<16xi32>
      %mul3A_1372 = arith.constant 65 : i32
      %mul3A_1373 = vector.broadcast %mul3A_1372 : i32 to vector<16xi32>
      %mul3A_1374 = arith.muli %get3A_1365, %mul3A_1373 : vector<16xi32>
      %mul3A_1375 = arith.constant 5 : i32
      %mul3A_1376 = vector.broadcast %mul3A_1375 : i32 to vector<16xi32>
      %mul3A_1377 = arith.muli %get3A_1368, %mul3A_1376 : vector<16xi32>
      %add3A_1378 = arith.addi %mul3A_1374, %mul3A_1377 : vector<16xi32>
      %add3A_1379 = arith.addi %add3A_1378, %get3A_1371 : vector<16xi32>
      %swap3A_1380 = arith.index_cast %add3A_1280 : i32 to index
      %swap3A_1381 = arith.constant 48 : index
      %swap3A_1382 = tpu.vector_load %arg10[%swap3A_1380, %swap3A_1381] {strides = array<i32>} : memref<50x128xi32, #tpu.memory_space<vmem>>, vector<1x16xi32>,
      %swap3A_1383 = vector.shape_cast %swap3A_1382 : vector<1x16xi32> to vector<16xi32>
      %swap3A_1384 = vector.shape_cast %add3A_1379 : vector<16xi32> to vector<1x16xi32>
      tpu.vector_store %arg10[%swap3A_1380, %swap3A_1381], %swap3A_1384 {strides = array<i32>} : memref<50x128xi32, #tpu.memory_space<vmem>>, vector<1x16xi32>,
      %mul3A_1385 = arith.constant 128 : i32
      %mul3A_1386 = arith.muli %add3A_1280, %mul3A_1385 : i32
      %add3A_1387 = arith.constant 64 : i32
      %add3A_1388 = arith.addi %mul3A_1386, %add3A_1387 : i32
      %get3A_1389 = arith.index_cast %add3A_1388 : i32 to index
      %get3A_1390 = tpu.vector_load %arg7[%get3A_1389] {strides = array<i32>} : memref<6400xi32, #tpu.memory_space<vmem>>, vector<16xi32>,
      %get3A_1391 = vector.shape_cast %get3A_1390 : vector<16xi32> to vector<16xi32>
      %get3A_1392 = arith.index_cast %add3A_1388 : i32 to index
      %get3A_1393 = tpu.vector_load %arg8[%get3A_1392] {strides = array<i32>} : memref<6400xi32, #tpu.memory_space<vmem>>, vector<16xi32>,
      %get3A_1394 = vector.shape_cast %get3A_1393 : vector<16xi32> to vector<16xi32>
      %get3A_1395 = arith.index_cast %add3A_1388 : i32 to index
      %get3A_1396 = tpu.vector_load %arg9[%get3A_1395] {strides = array<i32>} : memref<6400xi32, #tpu.memory_space<vmem>>, vector<16xi32>,
      %get3A_1397 = vector.shape_cast %get3A_1396 : vector<16xi32> to vector<16xi32>
      %mul3A_1398 = arith.constant 65 : i32
      %mul3A_1399 = vector.broadcast %mul3A_1398 : i32 to vector<16xi32>
      %mul3A_1400 = arith.muli %get3A_1391, %mul3A_1399 : vector<16xi32>
      %mul3A_1401 = arith.constant 5 : i32
      %mul3A_1402 = vector.broadcast %mul3A_1401 : i32 to vector<16xi32>
      %mul3A_1403 = arith.muli %get3A_1394, %mul3A_1402 : vector<16xi32>
      %add3A_1404 = arith.addi %mul3A_1400, %mul3A_1403 : vector<16xi32>
      %add3A_1405 = arith.addi %add3A_1404, %get3A_1397 : vector<16xi32>
      %swap3A_1406 = arith.index_cast %add3A_1280 : i32 to index
      %swap3A_1407 = arith.constant 64 : index
      %swap3A_1408 = tpu.vector_load %arg10[%swap3A_1406, %swap3A_1407] {strides = array<i32>} : memref<50x128xi32, #tpu.memory_space<vmem>>, vector<1x16xi32>,
      %swap3A_1409 = vector.shape_cast %swap3A_1408 : vector<1x16xi32> to vector<16xi32>
      %swap3A_1410 = vector.shape_cast %add3A_1405 : vector<16xi32> to vector<1x16xi32>
      tpu.vector_store %arg10[%swap3A_1406, %swap3A_1407], %swap3A_1410 {strides = array<i32>} : memref<50x128xi32, #tpu.memory_space<vmem>>, vector<1x16xi32>,
      %mul3A_1411 = arith.constant 128 : i32
      %mul3A_1412 = arith.muli %add3A_1280, %mul3A_1411 : i32
      %add3A_1413 = arith.constant 80 : i32
      %add3A_1414 = arith.addi %mul3A_1412, %add3A_1413 : i32
      %get3A_1415 = arith.index_cast %add3A_1414 : i32 to index
      %get3A_1416 = tpu.vector_load %arg7[%get3A_1415] {strides = array<i32>} : memref<6400xi32, #tpu.memory_space<vmem>>, vector<16xi32>,
      %get3A_1417 = vector.shape_cast %get3A_1416 : vector<16xi32> to vector<16xi32>
      %get3A_1418 = arith.index_cast %add3A_1414 : i32 to index
      %get3A_1419 = tpu.vector_load %arg8[%get3A_1418] {strides = array<i32>} : memref<6400xi32, #tpu.memory_space<vmem>>, vector<16xi32>,
      %get3A_1420 = vector.shape_cast %get3A_1419 : vector<16xi32> to vector<16xi32>
      %get3A_1421 = arith.index_cast %add3A_1414 : i32 to index
      %get3A_1422 = tpu.vector_load %arg9[%get3A_1421] {strides = array<i32>} : memref<6400xi32, #tpu.memory_space<vmem>>, vector<16xi32>,
      %get3A_1423 = vector.shape_cast %get3A_1422 : vector<16xi32> to vector<16xi32>
      %mul3A_1424 = arith.constant 65 : i32
      %mul3A_1425 = vector.broadcast %mul3A_1424 : i32 to vector<16xi32>
      %mul3A_1426 = arith.muli %get3A_1417, %mul3A_1425 : vector<16xi32>
      %mul3A_1427 = arith.constant 5 : i32
      %mul3A_1428 = vector.broadcast %mul3A_1427 : i32 to vector<16xi32>
      %mul3A_1429 = arith.muli %get3A_1420, %mul3A_1428 : vector<16xi32>
      %add3A_1430 = arith.addi %mul3A_1426, %mul3A_1429 : vector<16xi32>
      %add3A_1431 = arith.addi %add3A_1430, %get3A_1423 : vector<16xi32>
      %swap3A_1432 = arith.index_cast %add3A_1280 : i32 to index
      %swap3A_1433 = arith.constant 80 : index
      %swap3A_1434 = tpu.vector_load %arg10[%swap3A_1432, %swap3A_1433] {strides = array<i32>} : memref<50x128xi32, #tpu.memory_space<vmem>>, vector<1x16xi32>,
      %swap3A_1435 = vector.shape_cast %swap3A_1434 : vector<1x16xi32> to vector<16xi32>
      %swap3A_1436 = vector.shape_cast %add3A_1431 : vector<16xi32> to vector<1x16xi32>
      tpu.vector_store %arg10[%swap3A_1432, %swap3A_1433], %swap3A_1436 {strides = array<i32>} : memref<50x128xi32, #tpu.memory_space<vmem>>, vector<1x16xi32>,
      %mul3A_1437 = arith.constant 128 : i32
      %mul3A_1438 = arith.muli %add3A_1280, %mul3A_1437 : i32
      %add3A_1439 = arith.constant 96 : i32
      %add3A_1440 = arith.addi %mul3A_1438, %add3A_1439 : i32
      %get3A_1441 = arith.index_cast %add3A_1440 : i32 to index
      %get3A_1442 = tpu.vector_load %arg7[%get3A_1441] {strides = array<i32>} : memref<6400xi32, #tpu.memory_space<vmem>>, vector<16xi32>,
      %get3A_1443 = vector.shape_cast %get3A_1442 : vector<16xi32> to vector<16xi32>
      %get3A_1444 = arith.index_cast %add3A_1440 : i32 to index
      %get3A_1445 = tpu.vector_load %arg8[%get3A_1444] {strides = array<i32>} : memref<6400xi32, #tpu.memory_space<vmem>>, vector<16xi32>,
      %get3A_1446 = vector.shape_cast %get3A_1445 : vector<16xi32> to vector<16xi32>
      %get3A_1447 = arith.index_cast %add3A_1440 : i32 to index
      %get3A_1448 = tpu.vector_load %arg9[%get3A_1447] {strides = array<i32>} : memref<6400xi32, #tpu.memory_space<vmem>>, vector<16xi32>,
      %get3A_1449 = vector.shape_cast %get3A_1448 : vector<16xi32> to vector<16xi32>
      %mul3A_1450 = arith.constant 65 : i32
      %mul3A_1451 = vector.broadcast %mul3A_1450 : i32 to vector<16xi32>
      %mul3A_1452 = arith.muli %get3A_1443, %mul3A_1451 : vector<16xi32>
      %mul3A_1453 = arith.constant 5 : i32
      %mul3A_1454 = vector.broadcast %mul3A_1453 : i32 to vector<16xi32>
      %mul3A_1455 = arith.muli %get3A_1446, %mul3A_1454 : vector<16xi32>
      %add3A_1456 = arith.addi %mul3A_1452, %mul3A_1455 : vector<16xi32>
      %add3A_1457 = arith.addi %add3A_1456, %get3A_1449 : vector<16xi32>
      %swap3A_1458 = arith.index_cast %add3A_1280 : i32 to index
      %swap3A_1459 = arith.constant 96 : index
      %swap3A_1460 = tpu.vector_load %arg10[%swap3A_1458, %swap3A_1459] {strides = array<i32>} : memref<50x128xi32, #tpu.memory_space<vmem>>, vector<1x16xi32>,
      %swap3A_1461 = vector.shape_cast %swap3A_1460 : vector<1x16xi32> to vector<16xi32>
      %swap3A_1462 = vector.shape_cast %add3A_1457 : vector<16xi32> to vector<1x16xi32>
      tpu.vector_store %arg10[%swap3A_1458, %swap3A_1459], %swap3A_1462 {strides = array<i32>} : memref<50x128xi32, #tpu.memory_space<vmem>>, vector<1x16xi32>,
      %mul3A_1463 = arith.constant 128 : i32
      %mul3A_1464 = arith.muli %add3A_1280, %mul3A_1463 : i32
      %add3A_1465 = arith.constant 112 : i32
      %add3A_1466 = arith.addi %mul3A_1464, %add3A_1465 : i32
      %get3A_1467 = arith.index_cast %add3A_1466 : i32 to index
      %get3A_1468 = tpu.vector_load %arg7[%get3A_1467] {strides = array<i32>} : memref<6400xi32, #tpu.memory_space<vmem>>, vector<16xi32>,
      %get3A_1469 = vector.shape_cast %get3A_1468 : vector<16xi32> to vector<16xi32>
      %get3A_1470 = arith.index_cast %add3A_1466 : i32 to index
      %get3A_1471 = tpu.vector_load %arg8[%get3A_1470] {strides = array<i32>} : memref<6400xi32, #tpu.memory_space<vmem>>, vector<16xi32>,
      %get3A_1472 = vector.shape_cast %get3A_1471 : vector<16xi32> to vector<16xi32>
      %get3A_1473 = arith.index_cast %add3A_1466 : i32 to index
      %get3A_1474 = tpu.vector_load %arg9[%get3A_1473] {strides = array<i32>} : memref<6400xi32, #tpu.memory_space<vmem>>, vector<16xi32>,
      %get3A_1475 = vector.shape_cast %get3A_1474 : vector<16xi32> to vector<16xi32>
      %mul3A_1476 = arith.constant 65 : i32
      %mul3A_1477 = vector.broadcast %mul3A_1476 : i32 to vector<16xi32>
      %mul3A_1478 = arith.muli %get3A_1469, %mul3A_1477 : vector<16xi32>
      %mul3A_1479 = arith.constant 5 : i32
      %mul3A_1480 = vector.broadcast %mul3A_1479 : i32 to vector<16xi32>
      %mul3A_1481 = arith.muli %get3A_1472, %mul3A_1480 : vector<16xi32>
      %add3A_1482 = arith.addi %mul3A_1478, %mul3A_1481 : vector<16xi32>
      %add3A_1483 = arith.addi %add3A_1482, %get3A_1475 : vector<16xi32>
      %swap3A_1484 = arith.index_cast %add3A_1280 : i32 to index
      %swap3A_1485 = arith.constant 112 : index
      %swap3A_1486 = tpu.vector_load %arg10[%swap3A_1484, %swap3A_1485] {strides = array<i32>} : memref<50x128xi32, #tpu.memory_space<vmem>>, vector<1x16xi32>,
      %swap3A_1487 = vector.shape_cast %swap3A_1486 : vector<1x16xi32> to vector<16xi32>
      %swap3A_1488 = vector.shape_cast %add3A_1483 : vector<16xi32> to vector<1x16xi32>
      tpu.vector_store %arg10[%swap3A_1484, %swap3A_1485], %swap3A_1488 {strides = array<i32>} : memref<50x128xi32, #tpu.memory_space<vmem>>, vector<1x16xi32>,
      %dma_wait3A_1489 = arith.constant 0 : i32
      %dma_wait3A_1490 = tpu.memref_slice %arg6[%mul3A_2, %dma_wait3A_1489] : memref<204800x128xf32, #tpu.memory_space<hbm>> -> memref<128x128xf32, #tpu.memory_space<hbm>>
      %dma_wait3A_1491 = arith.constant 0 : i32
      %dma_wait3A_1492 = tpu.memref_slice %arg6[%mul3A_2, %dma_wait3A_1491] : memref<204800x128xf32, #tpu.memory_space<hbm>> -> memref<128x128xf32, #tpu.memory_space<hbm>>
      tpu.wait_dma2 semaphore(%arg23 : memref<!tpu.dma_semaphore, #tpu.memory_space<semaphore_mem>>) src(%arg13 : memref<128x128xf32, #tpu.memory_space<vmem>>) dst(%dma_wait3A_1492 : memref<128x128xf32, #tpu.memory_space<hbm>>)
      %add3A_1493 = arith.constant 0 : i32
      %add3A_1494 = arith.addi %mul3A_1276, %add3A_1493 : i32
      %add3A_1495 = arith.constant 2 : i32
      %add3A_1496 = arith.addi %add3A_1494, %add3A_1495 : i32
      %dma_start3A_1497 = arith.constant 0 : i32
      %dma_start3A_1498 = tpu.memref_slice %arg10[%add3A_1496, %dma_start3A_1497] : memref<50x128xi32, #tpu.memory_space<vmem>> -> memref<1x128xi32, #tpu.memory_space<vmem>>
      %dma_start3A_1499 = tpu.memref_squeeze %dma_start3A_1498 : memref<1x128xi32, #tpu.memory_space<vmem>> -> memref<128xi32, #tpu.memory_space<vmem>>
      %dma_start3A_1500 = arith.constant 0 : i32
      %dma_start3A_1501 = arith.constant 0 : i32
      %dma_start3A_1502 = tpu.memref_slice %arg15[%dma_start3A_1500, %dma_start3A_1501] : memref<2176x128xf32, #tpu.memory_space<vmem_shared>> -> memref<2176x128xf32, #tpu.memory_space<vmem_shared>>
      tpu.enqueue_indirect_dma source(%dma_start3A_1502 : memref<2176x128xf32, #tpu.memory_space<vmem_shared>>) target(%arg13 : memref<128x128xf32, #tpu.memory_space<vmem>>) offsets(%dma_start3A_1499 : memref<128xi32, #tpu.memory_space<vmem>>) semaphore(%arg19 : memref<!tpu.dma_semaphore, #tpu.memory_space<semaphore_mem>>)
      %dma_wait3A_1503 = arith.constant 0 : i32
      %dma_wait3A_1504 = arith.constant 0 : i32
      %dma_wait3A_1505 = tpu.memref_slice %arg10[%dma_wait3A_1503, %dma_wait3A_1504] : memref<50x128xi32, #tpu.memory_space<vmem>> -> memref<1x128xi32, #tpu.memory_space<vmem>>
      %dma_wait3A_1506 = tpu.memref_squeeze %dma_wait3A_1505 : memref<1x128xi32, #tpu.memory_space<vmem>> -> memref<128xi32, #tpu.memory_space<vmem>>
      %dma_wait3A_1507 = arith.constant 0 : i32
      %dma_wait3A_1508 = arith.constant 0 : i32
      %dma_wait3A_1509 = tpu.memref_slice %arg15[%dma_wait3A_1507, %dma_wait3A_1508] : memref<2176x128xf32, #tpu.memory_space<vmem_shared>> -> memref<2176x128xf32, #tpu.memory_space<vmem_shared>>
      tpu.wait_indirect_dma semaphore(%arg17 : memref<!tpu.dma_semaphore, #tpu.memory_space<semaphore_mem>>) src(%dma_wait3A_1509 : memref<2176x128xf32, #tpu.memory_space<vmem_shared>>) dst(%arg11 : memref<128x128xf32, #tpu.memory_space<vmem>>)
      %add3A_1510 = arith.constant 0 : i32
      %add3A_1511 = arith.addi %mul3A_1276, %add3A_1510 : i32
      %mul3A_1512 = arith.constant 128 : i32
      %mul3A_1513 = arith.muli %add3A_1511, %mul3A_1512 : i32
      %add3A_1514 = arith.addi %mul3A_2, %mul3A_1513 : i32
      %dma_start3A_1515 = arith.constant 0 : i32
      %dma_start3A_1516 = tpu.memref_slice %arg6[%add3A_1514, %dma_start3A_1515] : memref<204800x128xf32, #tpu.memory_space<hbm>> -> memref<128x128xf32, #tpu.memory_space<hbm>>
      %dma_start3A_1517 = arith.constant 0 : i32
      %dma_start3A_1518 = tpu.memref_slice %arg6[%add3A_1514, %dma_start3A_1517] : memref<204800x128xf32, #tpu.memory_space<hbm>> -> memref<128x128xf32, #tpu.memory_space<hbm>>
      tpu.enqueue_dma source(%arg11 : memref<128x128xf32, #tpu.memory_space<vmem>>) target(%dma_start3A_1518 : memref<128x128xf32, #tpu.memory_space<hbm>>) target_semaphore(%arg21 : memref<!tpu.dma_semaphore, #tpu.memory_space<semaphore_mem>>)
      %add3A_1519 = arith.constant 1 : i32
      %add3A_1520 = arith.addi %mul3A_1276, %add3A_1519 : i32
      %add3A_1521 = arith.constant 2 : i32
      %add3A_1522 = arith.addi %add3A_1520, %add3A_1521 : i32
      %mul3A_1523 = arith.constant 128 : i32
      %mul3A_1524 = arith.muli %add3A_1522, %mul3A_1523 : i32
      %add3A_1525 = arith.constant 0 : i32
      %add3A_1526 = arith.addi %mul3A_1524, %add3A_1525 : i32
      %get3A_1527 = arith.index_cast %add3A_1526 : i32 to index
      %get3A_1528 = tpu.vector_load %arg7[%get3A_1527] {strides = array<i32>} : memref<6400xi32, #tpu.memory_space<vmem>>, vector<16xi32>,
      %get3A_1529 = vector.shape_cast %get3A_1528 : vector<16xi32> to vector<16xi32>
      %get3A_1530 = arith.index_cast %add3A_1526 : i32 to index
      %get3A_1531 = tpu.vector_load %arg8[%get3A_1530] {strides = array<i32>} : memref<6400xi32, #tpu.memory_space<vmem>>, vector<16xi32>,
      %get3A_1532 = vector.shape_cast %get3A_1531 : vector<16xi32> to vector<16xi32>
      %get3A_1533 = arith.index_cast %add3A_1526 : i32 to index
      %get3A_1534 = tpu.vector_load %arg9[%get3A_1533] {strides = array<i32>} : memref<6400xi32, #tpu.memory_space<vmem>>, vector<16xi32>,
      %get3A_1535 = vector.shape_cast %get3A_1534 : vector<16xi32> to vector<16xi32>
      %mul3A_1536 = arith.constant 65 : i32
      %mul3A_1537 = vector.broadcast %mul3A_1536 : i32 to vector<16xi32>
      %mul3A_1538 = arith.muli %get3A_1529, %mul3A_1537 : vector<16xi32>
      %mul3A_1539 = arith.constant 5 : i32
      %mul3A_1540 = vector.broadcast %mul3A_1539 : i32 to vector<16xi32>
      %mul3A_1541 = arith.muli %get3A_1532, %mul3A_1540 : vector<16xi32>
      %add3A_1542 = arith.addi %mul3A_1538, %mul3A_1541 : vector<16xi32>
      %add3A_1543 = arith.addi %add3A_1542, %get3A_1535 : vector<16xi32>
      %swap3A_1544 = arith.index_cast %add3A_1522 : i32 to index
      %swap3A_1545 = arith.constant 0 : index
      %swap3A_1546 = tpu.vector_load %arg10[%swap3A_1544, %swap3A_1545] {strides = array<i32>} : memref<50x128xi32, #tpu.memory_space<vmem>>, vector<1x16xi32>,
      %swap3A_1547 = vector.shape_cast %swap3A_1546 : vector<1x16xi32> to vector<16xi32>
      %swap3A_1548 = vector.shape_cast %add3A_1543 : vector<16xi32> to vector<1x16xi32>
      tpu.vector_store %arg10[%swap3A_1544, %swap3A_1545], %swap3A_1548 {strides = array<i32>} : memref<50x128xi32, #tpu.memory_space<vmem>>, vector<1x16xi32>,
      %mul3A_1549 = arith.constant 128 : i32
      %mul3A_1550 = arith.muli %add3A_1522, %mul3A_1549 : i32
      %add3A_1551 = arith.constant 16 : i32
      %add3A_1552 = arith.addi %mul3A_1550, %add3A_1551 : i32
      %get3A_1553 = arith.index_cast %add3A_1552 : i32 to index
      %get3A_1554 = tpu.vector_load %arg7[%get3A_1553] {strides = array<i32>} : memref<6400xi32, #tpu.memory_space<vmem>>, vector<16xi32>,
      %get3A_1555 = vector.shape_cast %get3A_1554 : vector<16xi32> to vector<16xi32>
      %get3A_1556 = arith.index_cast %add3A_1552 : i32 to index
      %get3A_1557 = tpu.vector_load %arg8[%get3A_1556] {strides = array<i32>} : memref<6400xi32, #tpu.memory_space<vmem>>, vector<16xi32>,
      %get3A_1558 = vector.shape_cast %get3A_1557 : vector<16xi32> to vector<16xi32>
      %get3A_1559 = arith.index_cast %add3A_1552 : i32 to index
      %get3A_1560 = tpu.vector_load %arg9[%get3A_1559] {strides = array<i32>} : memref<6400xi32, #tpu.memory_space<vmem>>, vector<16xi32>,
      %get3A_1561 = vector.shape_cast %get3A_1560 : vector<16xi32> to vector<16xi32>
      %mul3A_1562 = arith.constant 65 : i32
      %mul3A_1563 = vector.broadcast %mul3A_1562 : i32 to vector<16xi32>
      %mul3A_1564 = arith.muli %get3A_1555, %mul3A_1563 : vector<16xi32>
      %mul3A_1565 = arith.constant 5 : i32
      %mul3A_1566 = vector.broadcast %mul3A_1565 : i32 to vector<16xi32>
      %mul3A_1567 = arith.muli %get3A_1558, %mul3A_1566 : vector<16xi32>
      %add3A_1568 = arith.addi %mul3A_1564, %mul3A_1567 : vector<16xi32>
      %add3A_1569 = arith.addi %add3A_1568, %get3A_1561 : vector<16xi32>
      %swap3A_1570 = arith.index_cast %add3A_1522 : i32 to index
      %swap3A_1571 = arith.constant 16 : index
      %swap3A_1572 = tpu.vector_load %arg10[%swap3A_1570, %swap3A_1571] {strides = array<i32>} : memref<50x128xi32, #tpu.memory_space<vmem>>, vector<1x16xi32>,
      %swap3A_1573 = vector.shape_cast %swap3A_1572 : vector<1x16xi32> to vector<16xi32>
      %swap3A_1574 = vector.shape_cast %add3A_1569 : vector<16xi32> to vector<1x16xi32>
      tpu.vector_store %arg10[%swap3A_1570, %swap3A_1571], %swap3A_1574 {strides = array<i32>} : memref<50x128xi32, #tpu.memory_space<vmem>>, vector<1x16xi32>,
      %mul3A_1575 = arith.constant 128 : i32
      %mul3A_1576 = arith.muli %add3A_1522, %mul3A_1575 : i32
      %add3A_1577 = arith.constant 32 : i32
      %add3A_1578 = arith.addi %mul3A_1576, %add3A_1577 : i32
      %get3A_1579 = arith.index_cast %add3A_1578 : i32 to index
      %get3A_1580 = tpu.vector_load %arg7[%get3A_1579] {strides = array<i32>} : memref<6400xi32, #tpu.memory_space<vmem>>, vector<16xi32>,
      %get3A_1581 = vector.shape_cast %get3A_1580 : vector<16xi32> to vector<16xi32>
      %get3A_1582 = arith.index_cast %add3A_1578 : i32 to index
      %get3A_1583 = tpu.vector_load %arg8[%get3A_1582] {strides = array<i32>} : memref<6400xi32, #tpu.memory_space<vmem>>, vector<16xi32>,
      %get3A_1584 = vector.shape_cast %get3A_1583 : vector<16xi32> to vector<16xi32>
      %get3A_1585 = arith.index_cast %add3A_1578 : i32 to index
      %get3A_1586 = tpu.vector_load %arg9[%get3A_1585] {strides = array<i32>} : memref<6400xi32, #tpu.memory_space<vmem>>, vector<16xi32>,
      %get3A_1587 = vector.shape_cast %get3A_1586 : vector<16xi32> to vector<16xi32>
      %mul3A_1588 = arith.constant 65 : i32
      %mul3A_1589 = vector.broadcast %mul3A_1588 : i32 to vector<16xi32>
      %mul3A_1590 = arith.muli %get3A_1581, %mul3A_1589 : vector<16xi32>
      %mul3A_1591 = arith.constant 5 : i32
      %mul3A_1592 = vector.broadcast %mul3A_1591 : i32 to vector<16xi32>
      %mul3A_1593 = arith.muli %get3A_1584, %mul3A_1592 : vector<16xi32>
      %add3A_1594 = arith.addi %mul3A_1590, %mul3A_1593 : vector<16xi32>
      %add3A_1595 = arith.addi %add3A_1594, %get3A_1587 : vector<16xi32>
      %swap3A_1596 = arith.index_cast %add3A_1522 : i32 to index
      %swap3A_1597 = arith.constant 32 : index
      %swap3A_1598 = tpu.vector_load %arg10[%swap3A_1596, %swap3A_1597] {strides = array<i32>} : memref<50x128xi32, #tpu.memory_space<vmem>>, vector<1x16xi32>,
      %swap3A_1599 = vector.shape_cast %swap3A_1598 : vector<1x16xi32> to vector<16xi32>
      %swap3A_1600 = vector.shape_cast %add3A_1595 : vector<16xi32> to vector<1x16xi32>
      tpu.vector_store %arg10[%swap3A_1596, %swap3A_1597], %swap3A_1600 {strides = array<i32>} : memref<50x128xi32, #tpu.memory_space<vmem>>, vector<1x16xi32>,
      %mul3A_1601 = arith.constant 128 : i32
      %mul3A_1602 = arith.muli %add3A_1522, %mul3A_1601 : i32
      %add3A_1603 = arith.constant 48 : i32
      %add3A_1604 = arith.addi %mul3A_1602, %add3A_1603 : i32
      %get3A_1605 = arith.index_cast %add3A_1604 : i32 to index
      %get3A_1606 = tpu.vector_load %arg7[%get3A_1605] {strides = array<i32>} : memref<6400xi32, #tpu.memory_space<vmem>>, vector<16xi32>,
      %get3A_1607 = vector.shape_cast %get3A_1606 : vector<16xi32> to vector<16xi32>
      %get3A_1608 = arith.index_cast %add3A_1604 : i32 to index
      %get3A_1609 = tpu.vector_load %arg8[%get3A_1608] {strides = array<i32>} : memref<6400xi32, #tpu.memory_space<vmem>>, vector<16xi32>,
      %get3A_1610 = vector.shape_cast %get3A_1609 : vector<16xi32> to vector<16xi32>
      %get3A_1611 = arith.index_cast %add3A_1604 : i32 to index
      %get3A_1612 = tpu.vector_load %arg9[%get3A_1611] {strides = array<i32>} : memref<6400xi32, #tpu.memory_space<vmem>>, vector<16xi32>,
      %get3A_1613 = vector.shape_cast %get3A_1612 : vector<16xi32> to vector<16xi32>
      %mul3A_1614 = arith.constant 65 : i32
      %mul3A_1615 = vector.broadcast %mul3A_1614 : i32 to vector<16xi32>
      %mul3A_1616 = arith.muli %get3A_1607, %mul3A_1615 : vector<16xi32>
      %mul3A_1617 = arith.constant 5 : i32
      %mul3A_1618 = vector.broadcast %mul3A_1617 : i32 to vector<16xi32>
      %mul3A_1619 = arith.muli %get3A_1610, %mul3A_1618 : vector<16xi32>
      %add3A_1620 = arith.addi %mul3A_1616, %mul3A_1619 : vector<16xi32>
      %add3A_1621 = arith.addi %add3A_1620, %get3A_1613 : vector<16xi32>
      %swap3A_1622 = arith.index_cast %add3A_1522 : i32 to index
      %swap3A_1623 = arith.constant 48 : index
      %swap3A_1624 = tpu.vector_load %arg10[%swap3A_1622, %swap3A_1623] {strides = array<i32>} : memref<50x128xi32, #tpu.memory_space<vmem>>, vector<1x16xi32>,
      %swap3A_1625 = vector.shape_cast %swap3A_1624 : vector<1x16xi32> to vector<16xi32>
      %swap3A_1626 = vector.shape_cast %add3A_1621 : vector<16xi32> to vector<1x16xi32>
      tpu.vector_store %arg10[%swap3A_1622, %swap3A_1623], %swap3A_1626 {strides = array<i32>} : memref<50x128xi32, #tpu.memory_space<vmem>>, vector<1x16xi32>,
      %mul3A_1627 = arith.constant 128 : i32
      %mul3A_1628 = arith.muli %add3A_1522, %mul3A_1627 : i32
      %add3A_1629 = arith.constant 64 : i32
      %add3A_1630 = arith.addi %mul3A_1628, %add3A_1629 : i32
      %get3A_1631 = arith.index_cast %add3A_1630 : i32 to index
      %get3A_1632 = tpu.vector_load %arg7[%get3A_1631] {strides = array<i32>} : memref<6400xi32, #tpu.memory_space<vmem>>, vector<16xi32>,
      %get3A_1633 = vector.shape_cast %get3A_1632 : vector<16xi32> to vector<16xi32>
      %get3A_1634 = arith.index_cast %add3A_1630 : i32 to index
      %get3A_1635 = tpu.vector_load %arg8[%get3A_1634] {strides = array<i32>} : memref<6400xi32, #tpu.memory_space<vmem>>, vector<16xi32>,
      %get3A_1636 = vector.shape_cast %get3A_1635 : vector<16xi32> to vector<16xi32>
      %get3A_1637 = arith.index_cast %add3A_1630 : i32 to index
      %get3A_1638 = tpu.vector_load %arg9[%get3A_1637] {strides = array<i32>} : memref<6400xi32, #tpu.memory_space<vmem>>, vector<16xi32>,
      %get3A_1639 = vector.shape_cast %get3A_1638 : vector<16xi32> to vector<16xi32>
      %mul3A_1640 = arith.constant 65 : i32
      %mul3A_1641 = vector.broadcast %mul3A_1640 : i32 to vector<16xi32>
      %mul3A_1642 = arith.muli %get3A_1633, %mul3A_1641 : vector<16xi32>
      %mul3A_1643 = arith.constant 5 : i32
      %mul3A_1644 = vector.broadcast %mul3A_1643 : i32 to vector<16xi32>
      %mul3A_1645 = arith.muli %get3A_1636, %mul3A_1644 : vector<16xi32>
      %add3A_1646 = arith.addi %mul3A_1642, %mul3A_1645 : vector<16xi32>
      %add3A_1647 = arith.addi %add3A_1646, %get3A_1639 : vector<16xi32>
      %swap3A_1648 = arith.index_cast %add3A_1522 : i32 to index
      %swap3A_1649 = arith.constant 64 : index
      %swap3A_1650 = tpu.vector_load %arg10[%swap3A_1648, %swap3A_1649] {strides = array<i32>} : memref<50x128xi32, #tpu.memory_space<vmem>>, vector<1x16xi32>,
      %swap3A_1651 = vector.shape_cast %swap3A_1650 : vector<1x16xi32> to vector<16xi32>
      %swap3A_1652 = vector.shape_cast %add3A_1647 : vector<16xi32> to vector<1x16xi32>
      tpu.vector_store %arg10[%swap3A_1648, %swap3A_1649], %swap3A_1652 {strides = array<i32>} : memref<50x128xi32, #tpu.memory_space<vmem>>, vector<1x16xi32>,
      %mul3A_1653 = arith.constant 128 : i32
      %mul3A_1654 = arith.muli %add3A_1522, %mul3A_1653 : i32
      %add3A_1655 = arith.constant 80 : i32
      %add3A_1656 = arith.addi %mul3A_1654, %add3A_1655 : i32
      %get3A_1657 = arith.index_cast %add3A_1656 : i32 to index
      %get3A_1658 = tpu.vector_load %arg7[%get3A_1657] {strides = array<i32>} : memref<6400xi32, #tpu.memory_space<vmem>>, vector<16xi32>,
      %get3A_1659 = vector.shape_cast %get3A_1658 : vector<16xi32> to vector<16xi32>
      %get3A_1660 = arith.index_cast %add3A_1656 : i32 to index
      %get3A_1661 = tpu.vector_load %arg8[%get3A_1660] {strides = array<i32>} : memref<6400xi32, #tpu.memory_space<vmem>>, vector<16xi32>,
      %get3A_1662 = vector.shape_cast %get3A_1661 : vector<16xi32> to vector<16xi32>
      %get3A_1663 = arith.index_cast %add3A_1656 : i32 to index
      %get3A_1664 = tpu.vector_load %arg9[%get3A_1663] {strides = array<i32>} : memref<6400xi32, #tpu.memory_space<vmem>>, vector<16xi32>,
      %get3A_1665 = vector.shape_cast %get3A_1664 : vector<16xi32> to vector<16xi32>
      %mul3A_1666 = arith.constant 65 : i32
      %mul3A_1667 = vector.broadcast %mul3A_1666 : i32 to vector<16xi32>
      %mul3A_1668 = arith.muli %get3A_1659, %mul3A_1667 : vector<16xi32>
      %mul3A_1669 = arith.constant 5 : i32
      %mul3A_1670 = vector.broadcast %mul3A_1669 : i32 to vector<16xi32>
      %mul3A_1671 = arith.muli %get3A_1662, %mul3A_1670 : vector<16xi32>
      %add3A_1672 = arith.addi %mul3A_1668, %mul3A_1671 : vector<16xi32>
      %add3A_1673 = arith.addi %add3A_1672, %get3A_1665 : vector<16xi32>
      %swap3A_1674 = arith.index_cast %add3A_1522 : i32 to index
      %swap3A_1675 = arith.constant 80 : index
      %swap3A_1676 = tpu.vector_load %arg10[%swap3A_1674, %swap3A_1675] {strides = array<i32>} : memref<50x128xi32, #tpu.memory_space<vmem>>, vector<1x16xi32>,
      %swap3A_1677 = vector.shape_cast %swap3A_1676 : vector<1x16xi32> to vector<16xi32>
      %swap3A_1678 = vector.shape_cast %add3A_1673 : vector<16xi32> to vector<1x16xi32>
      tpu.vector_store %arg10[%swap3A_1674, %swap3A_1675], %swap3A_1678 {strides = array<i32>} : memref<50x128xi32, #tpu.memory_space<vmem>>, vector<1x16xi32>,
      %mul3A_1679 = arith.constant 128 : i32
      %mul3A_1680 = arith.muli %add3A_1522, %mul3A_1679 : i32
      %add3A_1681 = arith.constant 96 : i32
      %add3A_1682 = arith.addi %mul3A_1680, %add3A_1681 : i32
      %get3A_1683 = arith.index_cast %add3A_1682 : i32 to index
      %get3A_1684 = tpu.vector_load %arg7[%get3A_1683] {strides = array<i32>} : memref<6400xi32, #tpu.memory_space<vmem>>, vector<16xi32>,
      %get3A_1685 = vector.shape_cast %get3A_1684 : vector<16xi32> to vector<16xi32>
      %get3A_1686 = arith.index_cast %add3A_1682 : i32 to index
      %get3A_1687 = tpu.vector_load %arg8[%get3A_1686] {strides = array<i32>} : memref<6400xi32, #tpu.memory_space<vmem>>, vector<16xi32>,
      %get3A_1688 = vector.shape_cast %get3A_1687 : vector<16xi32> to vector<16xi32>
      %get3A_1689 = arith.index_cast %add3A_1682 : i32 to index
      %get3A_1690 = tpu.vector_load %arg9[%get3A_1689] {strides = array<i32>} : memref<6400xi32, #tpu.memory_space<vmem>>, vector<16xi32>,
      %get3A_1691 = vector.shape_cast %get3A_1690 : vector<16xi32> to vector<16xi32>
      %mul3A_1692 = arith.constant 65 : i32
      %mul3A_1693 = vector.broadcast %mul3A_1692 : i32 to vector<16xi32>
      %mul3A_1694 = arith.muli %get3A_1685, %mul3A_1693 : vector<16xi32>
      %mul3A_1695 = arith.constant 5 : i32
      %mul3A_1696 = vector.broadcast %mul3A_1695 : i32 to vector<16xi32>
      %mul3A_1697 = arith.muli %get3A_1688, %mul3A_1696 : vector<16xi32>
      %add3A_1698 = arith.addi %mul3A_1694, %mul3A_1697 : vector<16xi32>
      %add3A_1699 = arith.addi %add3A_1698, %get3A_1691 : vector<16xi32>
      %swap3A_1700 = arith.index_cast %add3A_1522 : i32 to index
      %swap3A_1701 = arith.constant 96 : index
      %swap3A_1702 = tpu.vector_load %arg10[%swap3A_1700, %swap3A_1701] {strides = array<i32>} : memref<50x128xi32, #tpu.memory_space<vmem>>, vector<1x16xi32>,
      %swap3A_1703 = vector.shape_cast %swap3A_1702 : vector<1x16xi32> to vector<16xi32>
      %swap3A_1704 = vector.shape_cast %add3A_1699 : vector<16xi32> to vector<1x16xi32>
      tpu.vector_store %arg10[%swap3A_1700, %swap3A_1701], %swap3A_1704 {strides = array<i32>} : memref<50x128xi32, #tpu.memory_space<vmem>>, vector<1x16xi32>,
      %mul3A_1705 = arith.constant 128 : i32
      %mul3A_1706 = arith.muli %add3A_1522, %mul3A_1705 : i32
      %add3A_1707 = arith.constant 112 : i32
      %add3A_1708 = arith.addi %mul3A_1706, %add3A_1707 : i32
      %get3A_1709 = arith.index_cast %add3A_1708 : i32 to index
      %get3A_1710 = tpu.vector_load %arg7[%get3A_1709] {strides = array<i32>} : memref<6400xi32, #tpu.memory_space<vmem>>, vector<16xi32>,
      %get3A_1711 = vector.shape_cast %get3A_1710 : vector<16xi32> to vector<16xi32>
      %get3A_1712 = arith.index_cast %add3A_1708 : i32 to index
      %get3A_1713 = tpu.vector_load %arg8[%get3A_1712] {strides = array<i32>} : memref<6400xi32, #tpu.memory_space<vmem>>, vector<16xi32>,
      %get3A_1714 = vector.shape_cast %get3A_1713 : vector<16xi32> to vector<16xi32>
      %get3A_1715 = arith.index_cast %add3A_1708 : i32 to index
      %get3A_1716 = tpu.vector_load %arg9[%get3A_1715] {strides = array<i32>} : memref<6400xi32, #tpu.memory_space<vmem>>, vector<16xi32>,
      %get3A_1717 = vector.shape_cast %get3A_1716 : vector<16xi32> to vector<16xi32>
      %mul3A_1718 = arith.constant 65 : i32
      %mul3A_1719 = vector.broadcast %mul3A_1718 : i32 to vector<16xi32>
      %mul3A_1720 = arith.muli %get3A_1711, %mul3A_1719 : vector<16xi32>
      %mul3A_1721 = arith.constant 5 : i32
      %mul3A_1722 = vector.broadcast %mul3A_1721 : i32 to vector<16xi32>
      %mul3A_1723 = arith.muli %get3A_1714, %mul3A_1722 : vector<16xi32>
      %add3A_1724 = arith.addi %mul3A_1720, %mul3A_1723 : vector<16xi32>
      %add3A_1725 = arith.addi %add3A_1724, %get3A_1717 : vector<16xi32>
      %swap3A_1726 = arith.index_cast %add3A_1522 : i32 to index
      %swap3A_1727 = arith.constant 112 : index
      %swap3A_1728 = tpu.vector_load %arg10[%swap3A_1726, %swap3A_1727] {strides = array<i32>} : memref<50x128xi32, #tpu.memory_space<vmem>>, vector<1x16xi32>,
      %swap3A_1729 = vector.shape_cast %swap3A_1728 : vector<1x16xi32> to vector<16xi32>
      %swap3A_1730 = vector.shape_cast %add3A_1725 : vector<16xi32> to vector<1x16xi32>
      tpu.vector_store %arg10[%swap3A_1726, %swap3A_1727], %swap3A_1730 {strides = array<i32>} : memref<50x128xi32, #tpu.memory_space<vmem>>, vector<1x16xi32>,
      %dma_wait3A_1731 = arith.constant 0 : i32
      %dma_wait3A_1732 = tpu.memref_slice %arg6[%mul3A_2, %dma_wait3A_1731] : memref<204800x128xf32, #tpu.memory_space<hbm>> -> memref<128x128xf32, #tpu.memory_space<hbm>>
      %dma_wait3A_1733 = arith.constant 0 : i32
      %dma_wait3A_1734 = tpu.memref_slice %arg6[%mul3A_2, %dma_wait3A_1733] : memref<204800x128xf32, #tpu.memory_space<hbm>> -> memref<128x128xf32, #tpu.memory_space<hbm>>
      tpu.wait_dma2 semaphore(%arg24 : memref<!tpu.dma_semaphore, #tpu.memory_space<semaphore_mem>>) src(%arg14 : memref<128x128xf32, #tpu.memory_space<vmem>>) dst(%dma_wait3A_1734 : memref<128x128xf32, #tpu.memory_space<hbm>>)
      %add3A_1735 = arith.constant 1 : i32
      %add3A_1736 = arith.addi %mul3A_1276, %add3A_1735 : i32
      %add3A_1737 = arith.constant 2 : i32
      %add3A_1738 = arith.addi %add3A_1736, %add3A_1737 : i32
      %dma_start3A_1739 = arith.constant 0 : i32
      %dma_start3A_1740 = tpu.memref_slice %arg10[%add3A_1738, %dma_start3A_1739] : memref<50x128xi32, #tpu.memory_space<vmem>> -> memref<1x128xi32, #tpu.memory_space<vmem>>
      %dma_start3A_1741 = tpu.memref_squeeze %dma_start3A_1740 : memref<1x128xi32, #tpu.memory_space<vmem>> -> memref<128xi32, #tpu.memory_space<vmem>>
      %dma_start3A_1742 = arith.constant 0 : i32
      %dma_start3A_1743 = arith.constant 0 : i32
      %dma_start3A_1744 = tpu.memref_slice %arg15[%dma_start3A_1742, %dma_start3A_1743] : memref<2176x128xf32, #tpu.memory_space<vmem_shared>> -> memref<2176x128xf32, #tpu.memory_space<vmem_shared>>
      tpu.enqueue_indirect_dma source(%dma_start3A_1744 : memref<2176x128xf32, #tpu.memory_space<vmem_shared>>) target(%arg14 : memref<128x128xf32, #tpu.memory_space<vmem>>) offsets(%dma_start3A_1741 : memref<128xi32, #tpu.memory_space<vmem>>) semaphore(%arg20 : memref<!tpu.dma_semaphore, #tpu.memory_space<semaphore_mem>>)
      %dma_wait3A_1745 = arith.constant 0 : i32
      %dma_wait3A_1746 = arith.constant 0 : i32
      %dma_wait3A_1747 = tpu.memref_slice %arg10[%dma_wait3A_1745, %dma_wait3A_1746] : memref<50x128xi32, #tpu.memory_space<vmem>> -> memref<1x128xi32, #tpu.memory_space<vmem>>
      %dma_wait3A_1748 = tpu.memref_squeeze %dma_wait3A_1747 : memref<1x128xi32, #tpu.memory_space<vmem>> -> memref<128xi32, #tpu.memory_space<vmem>>
      %dma_wait3A_1749 = arith.constant 0 : i32
      %dma_wait3A_1750 = arith.constant 0 : i32
      %dma_wait3A_1751 = tpu.memref_slice %arg15[%dma_wait3A_1749, %dma_wait3A_1750] : memref<2176x128xf32, #tpu.memory_space<vmem_shared>> -> memref<2176x128xf32, #tpu.memory_space<vmem_shared>>
      tpu.wait_indirect_dma semaphore(%arg18 : memref<!tpu.dma_semaphore, #tpu.memory_space<semaphore_mem>>) src(%dma_wait3A_1751 : memref<2176x128xf32, #tpu.memory_space<vmem_shared>>) dst(%arg12 : memref<128x128xf32, #tpu.memory_space<vmem>>)
      %add3A_1752 = arith.constant 1 : i32
      %add3A_1753 = arith.addi %mul3A_1276, %add3A_1752 : i32
      %mul3A_1754 = arith.constant 128 : i32
      %mul3A_1755 = arith.muli %add3A_1753, %mul3A_1754 : i32
      %add3A_1756 = arith.addi %mul3A_2, %mul3A_1755 : i32
      %dma_start3A_1757 = arith.constant 0 : i32
      %dma_start3A_1758 = tpu.memref_slice %arg6[%add3A_1756, %dma_start3A_1757] : memref<204800x128xf32, #tpu.memory_space<hbm>> -> memref<128x128xf32, #tpu.memory_space<hbm>>
      %dma_start3A_1759 = arith.constant 0 : i32
      %dma_start3A_1760 = tpu.memref_slice %arg6[%add3A_1756, %dma_start3A_1759] : memref<204800x128xf32, #tpu.memory_space<hbm>> -> memref<128x128xf32, #tpu.memory_space<hbm>>
      tpu.enqueue_dma source(%arg12 : memref<128x128xf32, #tpu.memory_space<vmem>>) target(%dma_start3A_1760 : memref<128x128xf32, #tpu.memory_space<hbm>>) target_semaphore(%arg22 : memref<!tpu.dma_semaphore, #tpu.memory_space<semaphore_mem>>)
      %add3A_1761 = arith.constant 2 : i32
      %add3A_1762 = arith.addi %mul3A_1276, %add3A_1761 : i32
      %add3A_1763 = arith.constant 2 : i32
      %add3A_1764 = arith.addi %add3A_1762, %add3A_1763 : i32
      %mul3A_1765 = arith.constant 128 : i32
      %mul3A_1766 = arith.muli %add3A_1764, %mul3A_1765 : i32
      %add3A_1767 = arith.constant 0 : i32
      %add3A_1768 = arith.addi %mul3A_1766, %add3A_1767 : i32
      %get3A_1769 = arith.index_cast %add3A_1768 : i32 to index
      %get3A_1770 = tpu.vector_load %arg7[%get3A_1769] {strides = array<i32>} : memref<6400xi32, #tpu.memory_space<vmem>>, vector<16xi32>,
      %get3A_1771 = vector.shape_cast %get3A_1770 : vector<16xi32> to vector<16xi32>
      %get3A_1772 = arith.index_cast %add3A_1768 : i32 to index
      %get3A_1773 = tpu.vector_load %arg8[%get3A_1772] {strides = array<i32>} : memref<6400xi32, #tpu.memory_space<vmem>>, vector<16xi32>,
      %get3A_1774 = vector.shape_cast %get3A_1773 : vector<16xi32> to vector<16xi32>
      %get3A_1775 = arith.index_cast %add3A_1768 : i32 to index
      %get3A_1776 = tpu.vector_load %arg9[%get3A_1775] {strides = array<i32>} : memref<6400xi32, #tpu.memory_space<vmem>>, vector<16xi32>,
      %get3A_1777 = vector.shape_cast %get3A_1776 : vector<16xi32> to vector<16xi32>
      %mul3A_1778 = arith.constant 65 : i32
      %mul3A_1779 = vector.broadcast %mul3A_1778 : i32 to vector<16xi32>
      %mul3A_1780 = arith.muli %get3A_1771, %mul3A_1779 : vector<16xi32>
      %mul3A_1781 = arith.constant 5 : i32
      %mul3A_1782 = vector.broadcast %mul3A_1781 : i32 to vector<16xi32>
      %mul3A_1783 = arith.muli %get3A_1774, %mul3A_1782 : vector<16xi32>
      %add3A_1784 = arith.addi %mul3A_1780, %mul3A_1783 : vector<16xi32>
      %add3A_1785 = arith.addi %add3A_1784, %get3A_1777 : vector<16xi32>
      %swap3A_1786 = arith.index_cast %add3A_1764 : i32 to index
      %swap3A_1787 = arith.constant 0 : index
      %swap3A_1788 = tpu.vector_load %arg10[%swap3A_1786, %swap3A_1787] {strides = array<i32>} : memref<50x128xi32, #tpu.memory_space<vmem>>, vector<1x16xi32>,
      %swap3A_1789 = vector.shape_cast %swap3A_1788 : vector<1x16xi32> to vector<16xi32>
      %swap3A_1790 = vector.shape_cast %add3A_1785 : vector<16xi32> to vector<1x16xi32>
      tpu.vector_store %arg10[%swap3A_1786, %swap3A_1787], %swap3A_1790 {strides = array<i32>} : memref<50x128xi32, #tpu.memory_space<vmem>>, vector<1x16xi32>,
      %mul3A_1791 = arith.constant 128 : i32
      %mul3A_1792 = arith.muli %add3A_1764, %mul3A_1791 : i32
      %add3A_1793 = arith.constant 16 : i32
      %add3A_1794 = arith.addi %mul3A_1792, %add3A_1793 : i32
      %get3A_1795 = arith.index_cast %add3A_1794 : i32 to index
      %get3A_1796 = tpu.vector_load %arg7[%get3A_1795] {strides = array<i32>} : memref<6400xi32, #tpu.memory_space<vmem>>, vector<16xi32>,
      %get3A_1797 = vector.shape_cast %get3A_1796 : vector<16xi32> to vector<16xi32>
      %get3A_1798 = arith.index_cast %add3A_1794 : i32 to index
      %get3A_1799 = tpu.vector_load %arg8[%get3A_1798] {strides = array<i32>} : memref<6400xi32, #tpu.memory_space<vmem>>, vector<16xi32>,
      %get3A_1800 = vector.shape_cast %get3A_1799 : vector<16xi32> to vector<16xi32>
      %get3A_1801 = arith.index_cast %add3A_1794 : i32 to index
      %get3A_1802 = tpu.vector_load %arg9[%get3A_1801] {strides = array<i32>} : memref<6400xi32, #tpu.memory_space<vmem>>, vector<16xi32>,
      %get3A_1803 = vector.shape_cast %get3A_1802 : vector<16xi32> to vector<16xi32>
      %mul3A_1804 = arith.constant 65 : i32
      %mul3A_1805 = vector.broadcast %mul3A_1804 : i32 to vector<16xi32>
      %mul3A_1806 = arith.muli %get3A_1797, %mul3A_1805 : vector<16xi32>
      %mul3A_1807 = arith.constant 5 : i32
      %mul3A_1808 = vector.broadcast %mul3A_1807 : i32 to vector<16xi32>
      %mul3A_1809 = arith.muli %get3A_1800, %mul3A_1808 : vector<16xi32>
      %add3A_1810 = arith.addi %mul3A_1806, %mul3A_1809 : vector<16xi32>
      %add3A_1811 = arith.addi %add3A_1810, %get3A_1803 : vector<16xi32>
      %swap3A_1812 = arith.index_cast %add3A_1764 : i32 to index
      %swap3A_1813 = arith.constant 16 : index
      %swap3A_1814 = tpu.vector_load %arg10[%swap3A_1812, %swap3A_1813] {strides = array<i32>} : memref<50x128xi32, #tpu.memory_space<vmem>>, vector<1x16xi32>,
      %swap3A_1815 = vector.shape_cast %swap3A_1814 : vector<1x16xi32> to vector<16xi32>
      %swap3A_1816 = vector.shape_cast %add3A_1811 : vector<16xi32> to vector<1x16xi32>
      tpu.vector_store %arg10[%swap3A_1812, %swap3A_1813], %swap3A_1816 {strides = array<i32>} : memref<50x128xi32, #tpu.memory_space<vmem>>, vector<1x16xi32>,
      %mul3A_1817 = arith.constant 128 : i32
      %mul3A_1818 = arith.muli %add3A_1764, %mul3A_1817 : i32
      %add3A_1819 = arith.constant 32 : i32
      %add3A_1820 = arith.addi %mul3A_1818, %add3A_1819 : i32
      %get3A_1821 = arith.index_cast %add3A_1820 : i32 to index
      %get3A_1822 = tpu.vector_load %arg7[%get3A_1821] {strides = array<i32>} : memref<6400xi32, #tpu.memory_space<vmem>>, vector<16xi32>,
      %get3A_1823 = vector.shape_cast %get3A_1822 : vector<16xi32> to vector<16xi32>
      %get3A_1824 = arith.index_cast %add3A_1820 : i32 to index
      %get3A_1825 = tpu.vector_load %arg8[%get3A_1824] {strides = array<i32>} : memref<6400xi32, #tpu.memory_space<vmem>>, vector<16xi32>,
      %get3A_1826 = vector.shape_cast %get3A_1825 : vector<16xi32> to vector<16xi32>
      %get3A_1827 = arith.index_cast %add3A_1820 : i32 to index
      %get3A_1828 = tpu.vector_load %arg9[%get3A_1827] {strides = array<i32>} : memref<6400xi32, #tpu.memory_space<vmem>>, vector<16xi32>,
      %get3A_1829 = vector.shape_cast %get3A_1828 : vector<16xi32> to vector<16xi32>
      %mul3A_1830 = arith.constant 65 : i32
      %mul3A_1831 = vector.broadcast %mul3A_1830 : i32 to vector<16xi32>
      %mul3A_1832 = arith.muli %get3A_1823, %mul3A_1831 : vector<16xi32>
      %mul3A_1833 = arith.constant 5 : i32
      %mul3A_1834 = vector.broadcast %mul3A_1833 : i32 to vector<16xi32>
      %mul3A_1835 = arith.muli %get3A_1826, %mul3A_1834 : vector<16xi32>
      %add3A_1836 = arith.addi %mul3A_1832, %mul3A_1835 : vector<16xi32>
      %add3A_1837 = arith.addi %add3A_1836, %get3A_1829 : vector<16xi32>
      %swap3A_1838 = arith.index_cast %add3A_1764 : i32 to index
      %swap3A_1839 = arith.constant 32 : index
      %swap3A_1840 = tpu.vector_load %arg10[%swap3A_1838, %swap3A_1839] {strides = array<i32>} : memref<50x128xi32, #tpu.memory_space<vmem>>, vector<1x16xi32>,
      %swap3A_1841 = vector.shape_cast %swap3A_1840 : vector<1x16xi32> to vector<16xi32>
      %swap3A_1842 = vector.shape_cast %add3A_1837 : vector<16xi32> to vector<1x16xi32>
      tpu.vector_store %arg10[%swap3A_1838, %swap3A_1839], %swap3A_1842 {strides = array<i32>} : memref<50x128xi32, #tpu.memory_space<vmem>>, vector<1x16xi32>,
      %mul3A_1843 = arith.constant 128 : i32
      %mul3A_1844 = arith.muli %add3A_1764, %mul3A_1843 : i32
      %add3A_1845 = arith.constant 48 : i32
      %add3A_1846 = arith.addi %mul3A_1844, %add3A_1845 : i32
      %get3A_1847 = arith.index_cast %add3A_1846 : i32 to index
      %get3A_1848 = tpu.vector_load %arg7[%get3A_1847] {strides = array<i32>} : memref<6400xi32, #tpu.memory_space<vmem>>, vector<16xi32>,
      %get3A_1849 = vector.shape_cast %get3A_1848 : vector<16xi32> to vector<16xi32>
      %get3A_1850 = arith.index_cast %add3A_1846 : i32 to index
      %get3A_1851 = tpu.vector_load %arg8[%get3A_1850] {strides = array<i32>} : memref<6400xi32, #tpu.memory_space<vmem>>, vector<16xi32>,
      %get3A_1852 = vector.shape_cast %get3A_1851 : vector<16xi32> to vector<16xi32>
      %get3A_1853 = arith.index_cast %add3A_1846 : i32 to index
      %get3A_1854 = tpu.vector_load %arg9[%get3A_1853] {strides = array<i32>} : memref<6400xi32, #tpu.memory_space<vmem>>, vector<16xi32>,
      %get3A_1855 = vector.shape_cast %get3A_1854 : vector<16xi32> to vector<16xi32>
      %mul3A_1856 = arith.constant 65 : i32
      %mul3A_1857 = vector.broadcast %mul3A_1856 : i32 to vector<16xi32>
      %mul3A_1858 = arith.muli %get3A_1849, %mul3A_1857 : vector<16xi32>
      %mul3A_1859 = arith.constant 5 : i32
      %mul3A_1860 = vector.broadcast %mul3A_1859 : i32 to vector<16xi32>
      %mul3A_1861 = arith.muli %get3A_1852, %mul3A_1860 : vector<16xi32>
      %add3A_1862 = arith.addi %mul3A_1858, %mul3A_1861 : vector<16xi32>
      %add3A_1863 = arith.addi %add3A_1862, %get3A_1855 : vector<16xi32>
      %swap3A_1864 = arith.index_cast %add3A_1764 : i32 to index
      %swap3A_1865 = arith.constant 48 : index
      %swap3A_1866 = tpu.vector_load %arg10[%swap3A_1864, %swap3A_1865] {strides = array<i32>} : memref<50x128xi32, #tpu.memory_space<vmem>>, vector<1x16xi32>,
      %swap3A_1867 = vector.shape_cast %swap3A_1866 : vector<1x16xi32> to vector<16xi32>
      %swap3A_1868 = vector.shape_cast %add3A_1863 : vector<16xi32> to vector<1x16xi32>
      tpu.vector_store %arg10[%swap3A_1864, %swap3A_1865], %swap3A_1868 {strides = array<i32>} : memref<50x128xi32, #tpu.memory_space<vmem>>, vector<1x16xi32>,
      %mul3A_1869 = arith.constant 128 : i32
      %mul3A_1870 = arith.muli %add3A_1764, %mul3A_1869 : i32
      %add3A_1871 = arith.constant 64 : i32
      %add3A_1872 = arith.addi %mul3A_1870, %add3A_1871 : i32
      %get3A_1873 = arith.index_cast %add3A_1872 : i32 to index
      %get3A_1874 = tpu.vector_load %arg7[%get3A_1873] {strides = array<i32>} : memref<6400xi32, #tpu.memory_space<vmem>>, vector<16xi32>,
      %get3A_1875 = vector.shape_cast %get3A_1874 : vector<16xi32> to vector<16xi32>
      %get3A_1876 = arith.index_cast %add3A_1872 : i32 to index
      %get3A_1877 = tpu.vector_load %arg8[%get3A_1876] {strides = array<i32>} : memref<6400xi32, #tpu.memory_space<vmem>>, vector<16xi32>,
      %get3A_1878 = vector.shape_cast %get3A_1877 : vector<16xi32> to vector<16xi32>
      %get3A_1879 = arith.index_cast %add3A_1872 : i32 to index
      %get3A_1880 = tpu.vector_load %arg9[%get3A_1879] {strides = array<i32>} : memref<6400xi32, #tpu.memory_space<vmem>>, vector<16xi32>,
      %get3A_1881 = vector.shape_cast %get3A_1880 : vector<16xi32> to vector<16xi32>
      %mul3A_1882 = arith.constant 65 : i32
      %mul3A_1883 = vector.broadcast %mul3A_1882 : i32 to vector<16xi32>
      %mul3A_1884 = arith.muli %get3A_1875, %mul3A_1883 : vector<16xi32>
      %mul3A_1885 = arith.constant 5 : i32
      %mul3A_1886 = vector.broadcast %mul3A_1885 : i32 to vector<16xi32>
      %mul3A_1887 = arith.muli %get3A_1878, %mul3A_1886 : vector<16xi32>
      %add3A_1888 = arith.addi %mul3A_1884, %mul3A_1887 : vector<16xi32>
      %add3A_1889 = arith.addi %add3A_1888, %get3A_1881 : vector<16xi32>
      %swap3A_1890 = arith.index_cast %add3A_1764 : i32 to index
      %swap3A_1891 = arith.constant 64 : index
      %swap3A_1892 = tpu.vector_load %arg10[%swap3A_1890, %swap3A_1891] {strides = array<i32>} : memref<50x128xi32, #tpu.memory_space<vmem>>, vector<1x16xi32>,
      %swap3A_1893 = vector.shape_cast %swap3A_1892 : vector<1x16xi32> to vector<16xi32>
      %swap3A_1894 = vector.shape_cast %add3A_1889 : vector<16xi32> to vector<1x16xi32>
      tpu.vector_store %arg10[%swap3A_1890, %swap3A_1891], %swap3A_1894 {strides = array<i32>} : memref<50x128xi32, #tpu.memory_space<vmem>>, vector<1x16xi32>,
      %mul3A_1895 = arith.constant 128 : i32
      %mul3A_1896 = arith.muli %add3A_1764, %mul3A_1895 : i32
      %add3A_1897 = arith.constant 80 : i32
      %add3A_1898 = arith.addi %mul3A_1896, %add3A_1897 : i32
      %get3A_1899 = arith.index_cast %add3A_1898 : i32 to index
      %get3A_1900 = tpu.vector_load %arg7[%get3A_1899] {strides = array<i32>} : memref<6400xi32, #tpu.memory_space<vmem>>, vector<16xi32>,
      %get3A_1901 = vector.shape_cast %get3A_1900 : vector<16xi32> to vector<16xi32>
      %get3A_1902 = arith.index_cast %add3A_1898 : i32 to index
      %get3A_1903 = tpu.vector_load %arg8[%get3A_1902] {strides = array<i32>} : memref<6400xi32, #tpu.memory_space<vmem>>, vector<16xi32>,
      %get3A_1904 = vector.shape_cast %get3A_1903 : vector<16xi32> to vector<16xi32>
      %get3A_1905 = arith.index_cast %add3A_1898 : i32 to index
      %get3A_1906 = tpu.vector_load %arg9[%get3A_1905] {strides = array<i32>} : memref<6400xi32, #tpu.memory_space<vmem>>, vector<16xi32>,
      %get3A_1907 = vector.shape_cast %get3A_1906 : vector<16xi32> to vector<16xi32>
      %mul3A_1908 = arith.constant 65 : i32
      %mul3A_1909 = vector.broadcast %mul3A_1908 : i32 to vector<16xi32>
      %mul3A_1910 = arith.muli %get3A_1901, %mul3A_1909 : vector<16xi32>
      %mul3A_1911 = arith.constant 5 : i32
      %mul3A_1912 = vector.broadcast %mul3A_1911 : i32 to vector<16xi32>
      %mul3A_1913 = arith.muli %get3A_1904, %mul3A_1912 : vector<16xi32>
      %add3A_1914 = arith.addi %mul3A_1910, %mul3A_1913 : vector<16xi32>
      %add3A_1915 = arith.addi %add3A_1914, %get3A_1907 : vector<16xi32>
      %swap3A_1916 = arith.index_cast %add3A_1764 : i32 to index
      %swap3A_1917 = arith.constant 80 : index
      %swap3A_1918 = tpu.vector_load %arg10[%swap3A_1916, %swap3A_1917] {strides = array<i32>} : memref<50x128xi32, #tpu.memory_space<vmem>>, vector<1x16xi32>,
      %swap3A_1919 = vector.shape_cast %swap3A_1918 : vector<1x16xi32> to vector<16xi32>
      %swap3A_1920 = vector.shape_cast %add3A_1915 : vector<16xi32> to vector<1x16xi32>
      tpu.vector_store %arg10[%swap3A_1916, %swap3A_1917], %swap3A_1920 {strides = array<i32>} : memref<50x128xi32, #tpu.memory_space<vmem>>, vector<1x16xi32>,
      %mul3A_1921 = arith.constant 128 : i32
      %mul3A_1922 = arith.muli %add3A_1764, %mul3A_1921 : i32
      %add3A_1923 = arith.constant 96 : i32
      %add3A_1924 = arith.addi %mul3A_1922, %add3A_1923 : i32
      %get3A_1925 = arith.index_cast %add3A_1924 : i32 to index
      %get3A_1926 = tpu.vector_load %arg7[%get3A_1925] {strides = array<i32>} : memref<6400xi32, #tpu.memory_space<vmem>>, vector<16xi32>,
      %get3A_1927 = vector.shape_cast %get3A_1926 : vector<16xi32> to vector<16xi32>
      %get3A_1928 = arith.index_cast %add3A_1924 : i32 to index
      %get3A_1929 = tpu.vector_load %arg8[%get3A_1928] {strides = array<i32>} : memref<6400xi32, #tpu.memory_space<vmem>>, vector<16xi32>,
      %get3A_1930 = vector.shape_cast %get3A_1929 : vector<16xi32> to vector<16xi32>
      %get3A_1931 = arith.index_cast %add3A_1924 : i32 to index
      %get3A_1932 = tpu.vector_load %arg9[%get3A_1931] {strides = array<i32>} : memref<6400xi32, #tpu.memory_space<vmem>>, vector<16xi32>,
      %get3A_1933 = vector.shape_cast %get3A_1932 : vector<16xi32> to vector<16xi32>
      %mul3A_1934 = arith.constant 65 : i32
      %mul3A_1935 = vector.broadcast %mul3A_1934 : i32 to vector<16xi32>
      %mul3A_1936 = arith.muli %get3A_1927, %mul3A_1935 : vector<16xi32>
      %mul3A_1937 = arith.constant 5 : i32
      %mul3A_1938 = vector.broadcast %mul3A_1937 : i32 to vector<16xi32>
      %mul3A_1939 = arith.muli %get3A_1930, %mul3A_1938 : vector<16xi32>
      %add3A_1940 = arith.addi %mul3A_1936, %mul3A_1939 : vector<16xi32>
      %add3A_1941 = arith.addi %add3A_1940, %get3A_1933 : vector<16xi32>
      %swap3A_1942 = arith.index_cast %add3A_1764 : i32 to index
      %swap3A_1943 = arith.constant 96 : index
      %swap3A_1944 = tpu.vector_load %arg10[%swap3A_1942, %swap3A_1943] {strides = array<i32>} : memref<50x128xi32, #tpu.memory_space<vmem>>, vector<1x16xi32>,
      %swap3A_1945 = vector.shape_cast %swap3A_1944 : vector<1x16xi32> to vector<16xi32>
      %swap3A_1946 = vector.shape_cast %add3A_1941 : vector<16xi32> to vector<1x16xi32>
      tpu.vector_store %arg10[%swap3A_1942, %swap3A_1943], %swap3A_1946 {strides = array<i32>} : memref<50x128xi32, #tpu.memory_space<vmem>>, vector<1x16xi32>,
      %mul3A_1947 = arith.constant 128 : i32
      %mul3A_1948 = arith.muli %add3A_1764, %mul3A_1947 : i32
      %add3A_1949 = arith.constant 112 : i32
      %add3A_1950 = arith.addi %mul3A_1948, %add3A_1949 : i32
      %get3A_1951 = arith.index_cast %add3A_1950 : i32 to index
      %get3A_1952 = tpu.vector_load %arg7[%get3A_1951] {strides = array<i32>} : memref<6400xi32, #tpu.memory_space<vmem>>, vector<16xi32>,
      %get3A_1953 = vector.shape_cast %get3A_1952 : vector<16xi32> to vector<16xi32>
      %get3A_1954 = arith.index_cast %add3A_1950 : i32 to index
      %get3A_1955 = tpu.vector_load %arg8[%get3A_1954] {strides = array<i32>} : memref<6400xi32, #tpu.memory_space<vmem>>, vector<16xi32>,
      %get3A_1956 = vector.shape_cast %get3A_1955 : vector<16xi32> to vector<16xi32>
      %get3A_1957 = arith.index_cast %add3A_1950 : i32 to index
      %get3A_1958 = tpu.vector_load %arg9[%get3A_1957] {strides = array<i32>} : memref<6400xi32, #tpu.memory_space<vmem>>, vector<16xi32>,
      %get3A_1959 = vector.shape_cast %get3A_1958 : vector<16xi32> to vector<16xi32>
      %mul3A_1960 = arith.constant 65 : i32
      %mul3A_1961 = vector.broadcast %mul3A_1960 : i32 to vector<16xi32>
      %mul3A_1962 = arith.muli %get3A_1953, %mul3A_1961 : vector<16xi32>
      %mul3A_1963 = arith.constant 5 : i32
      %mul3A_1964 = vector.broadcast %mul3A_1963 : i32 to vector<16xi32>
      %mul3A_1965 = arith.muli %get3A_1956, %mul3A_1964 : vector<16xi32>
      %add3A_1966 = arith.addi %mul3A_1962, %mul3A_1965 : vector<16xi32>
      %add3A_1967 = arith.addi %add3A_1966, %get3A_1959 : vector<16xi32>
      %swap3A_1968 = arith.index_cast %add3A_1764 : i32 to index
      %swap3A_1969 = arith.constant 112 : index
      %swap3A_1970 = tpu.vector_load %arg10[%swap3A_1968, %swap3A_1969] {strides = array<i32>} : memref<50x128xi32, #tpu.memory_space<vmem>>, vector<1x16xi32>,
      %swap3A_1971 = vector.shape_cast %swap3A_1970 : vector<1x16xi32> to vector<16xi32>
      %swap3A_1972 = vector.shape_cast %add3A_1967 : vector<16xi32> to vector<1x16xi32>
      tpu.vector_store %arg10[%swap3A_1968, %swap3A_1969], %swap3A_1972 {strides = array<i32>} : memref<50x128xi32, #tpu.memory_space<vmem>>, vector<1x16xi32>,
      %dma_wait3A_1973 = arith.constant 0 : i32
      %dma_wait3A_1974 = tpu.memref_slice %arg6[%mul3A_2, %dma_wait3A_1973] : memref<204800x128xf32, #tpu.memory_space<hbm>> -> memref<128x128xf32, #tpu.memory_space<hbm>>
      %dma_wait3A_1975 = arith.constant 0 : i32
      %dma_wait3A_1976 = tpu.memref_slice %arg6[%mul3A_2, %dma_wait3A_1975] : memref<204800x128xf32, #tpu.memory_space<hbm>> -> memref<128x128xf32, #tpu.memory_space<hbm>>
      tpu.wait_dma2 semaphore(%arg21 : memref<!tpu.dma_semaphore, #tpu.memory_space<semaphore_mem>>) src(%arg11 : memref<128x128xf32, #tpu.memory_space<vmem>>) dst(%dma_wait3A_1976 : memref<128x128xf32, #tpu.memory_space<hbm>>)
      %add3A_1977 = arith.constant 2 : i32
      %add3A_1978 = arith.addi %mul3A_1276, %add3A_1977 : i32
      %add3A_1979 = arith.constant 2 : i32
      %add3A_1980 = arith.addi %add3A_1978, %add3A_1979 : i32
      %dma_start3A_1981 = arith.constant 0 : i32
      %dma_start3A_1982 = tpu.memref_slice %arg10[%add3A_1980, %dma_start3A_1981] : memref<50x128xi32, #tpu.memory_space<vmem>> -> memref<1x128xi32, #tpu.memory_space<vmem>>
      %dma_start3A_1983 = tpu.memref_squeeze %dma_start3A_1982 : memref<1x128xi32, #tpu.memory_space<vmem>> -> memref<128xi32, #tpu.memory_space<vmem>>
      %dma_start3A_1984 = arith.constant 0 : i32
      %dma_start3A_1985 = arith.constant 0 : i32
      %dma_start3A_1986 = tpu.memref_slice %arg15[%dma_start3A_1984, %dma_start3A_1985] : memref<2176x128xf32, #tpu.memory_space<vmem_shared>> -> memref<2176x128xf32, #tpu.memory_space<vmem_shared>>
      tpu.enqueue_indirect_dma source(%dma_start3A_1986 : memref<2176x128xf32, #tpu.memory_space<vmem_shared>>) target(%arg11 : memref<128x128xf32, #tpu.memory_space<vmem>>) offsets(%dma_start3A_1983 : memref<128xi32, #tpu.memory_space<vmem>>) semaphore(%arg17 : memref<!tpu.dma_semaphore, #tpu.memory_space<semaphore_mem>>)
      %dma_wait3A_1987 = arith.constant 0 : i32
      %dma_wait3A_1988 = arith.constant 0 : i32
      %dma_wait3A_1989 = tpu.memref_slice %arg10[%dma_wait3A_1987, %dma_wait3A_1988] : memref<50x128xi32, #tpu.memory_space<vmem>> -> memref<1x128xi32, #tpu.memory_space<vmem>>
      %dma_wait3A_1990 = tpu.memref_squeeze %dma_wait3A_1989 : memref<1x128xi32, #tpu.memory_space<vmem>> -> memref<128xi32, #tpu.memory_space<vmem>>
      %dma_wait3A_1991 = arith.constant 0 : i32
      %dma_wait3A_1992 = arith.constant 0 : i32
      %dma_wait3A_1993 = tpu.memref_slice %arg15[%dma_wait3A_1991, %dma_wait3A_1992] : memref<2176x128xf32, #tpu.memory_space<vmem_shared>> -> memref<2176x128xf32, #tpu.memory_space<vmem_shared>>
      tpu.wait_indirect_dma semaphore(%arg19 : memref<!tpu.dma_semaphore, #tpu.memory_space<semaphore_mem>>) src(%dma_wait3A_1993 : memref<2176x128xf32, #tpu.memory_space<vmem_shared>>) dst(%arg13 : memref<128x128xf32, #tpu.memory_space<vmem>>)
      %add3A_1994 = arith.constant 2 : i32
      %add3A_1995 = arith.addi %mul3A_1276, %add3A_1994 : i32
      %mul3A_1996 = arith.constant 128 : i32
      %mul3A_1997 = arith.muli %add3A_1995, %mul3A_1996 : i32
      %add3A_1998 = arith.addi %mul3A_2, %mul3A_1997 : i32
      %dma_start3A_1999 = arith.constant 0 : i32
      %dma_start3A_2000 = tpu.memref_slice %arg6[%add3A_1998, %dma_start3A_1999] : memref<204800x128xf32, #tpu.memory_space<hbm>> -> memref<128x128xf32, #tpu.memory_space<hbm>>
      %dma_start3A_2001 = arith.constant 0 : i32
      %dma_start3A_2002 = tpu.memref_slice %arg6[%add3A_1998, %dma_start3A_2001] : memref<204800x128xf32, #tpu.memory_space<hbm>> -> memref<128x128xf32, #tpu.memory_space<hbm>>
      tpu.enqueue_dma source(%arg13 : memref<128x128xf32, #tpu.memory_space<vmem>>) target(%dma_start3A_2002 : memref<128x128xf32, #tpu.memory_space<hbm>>) target_semaphore(%arg23 : memref<!tpu.dma_semaphore, #tpu.memory_space<semaphore_mem>>)
      %add3A_2003 = arith.constant 3 : i32
      %add3A_2004 = arith.addi %mul3A_1276, %add3A_2003 : i32
      %add3A_2005 = arith.constant 2 : i32
      %add3A_2006 = arith.addi %add3A_2004, %add3A_2005 : i32
      %mul3A_2007 = arith.constant 128 : i32
      %mul3A_2008 = arith.muli %add3A_2006, %mul3A_2007 : i32
      %add3A_2009 = arith.constant 0 : i32
      %add3A_2010 = arith.addi %mul3A_2008, %add3A_2009 : i32
      %get3A_2011 = arith.index_cast %add3A_2010 : i32 to index
      %get3A_2012 = tpu.vector_load %arg7[%get3A_2011] {strides = array<i32>} : memref<6400xi32, #tpu.memory_space<vmem>>, vector<16xi32>,
      %get3A_2013 = vector.shape_cast %get3A_2012 : vector<16xi32> to vector<16xi32>
      %get3A_2014 = arith.index_cast %add3A_2010 : i32 to index
      %get3A_2015 = tpu.vector_load %arg8[%get3A_2014] {strides = array<i32>} : memref<6400xi32, #tpu.memory_space<vmem>>, vector<16xi32>,
      %get3A_2016 = vector.shape_cast %get3A_2015 : vector<16xi32> to vector<16xi32>
      %get3A_2017 = arith.index_cast %add3A_2010 : i32 to index
      %get3A_2018 = tpu.vector_load %arg9[%get3A_2017] {strides = array<i32>} : memref<6400xi32, #tpu.memory_space<vmem>>, vector<16xi32>,
      %get3A_2019 = vector.shape_cast %get3A_2018 : vector<16xi32> to vector<16xi32>
      %mul3A_2020 = arith.constant 65 : i32
      %mul3A_2021 = vector.broadcast %mul3A_2020 : i32 to vector<16xi32>
      %mul3A_2022 = arith.muli %get3A_2013, %mul3A_2021 : vector<16xi32>
      %mul3A_2023 = arith.constant 5 : i32
      %mul3A_2024 = vector.broadcast %mul3A_2023 : i32 to vector<16xi32>
      %mul3A_2025 = arith.muli %get3A_2016, %mul3A_2024 : vector<16xi32>
      %add3A_2026 = arith.addi %mul3A_2022, %mul3A_2025 : vector<16xi32>
      %add3A_2027 = arith.addi %add3A_2026, %get3A_2019 : vector<16xi32>
      %swap3A_2028 = arith.index_cast %add3A_2006 : i32 to index
      %swap3A_2029 = arith.constant 0 : index
      %swap3A_2030 = tpu.vector_load %arg10[%swap3A_2028, %swap3A_2029] {strides = array<i32>} : memref<50x128xi32, #tpu.memory_space<vmem>>, vector<1x16xi32>,
      %swap3A_2031 = vector.shape_cast %swap3A_2030 : vector<1x16xi32> to vector<16xi32>
      %swap3A_2032 = vector.shape_cast %add3A_2027 : vector<16xi32> to vector<1x16xi32>
      tpu.vector_store %arg10[%swap3A_2028, %swap3A_2029], %swap3A_2032 {strides = array<i32>} : memref<50x128xi32, #tpu.memory_space<vmem>>, vector<1x16xi32>,
      %mul3A_2033 = arith.constant 128 : i32
      %mul3A_2034 = arith.muli %add3A_2006, %mul3A_2033 : i32
      %add3A_2035 = arith.constant 16 : i32
      %add3A_2036 = arith.addi %mul3A_2034, %add3A_2035 : i32
      %get3A_2037 = arith.index_cast %add3A_2036 : i32 to index
      %get3A_2038 = tpu.vector_load %arg7[%get3A_2037] {strides = array<i32>} : memref<6400xi32, #tpu.memory_space<vmem>>, vector<16xi32>,
      %get3A_2039 = vector.shape_cast %get3A_2038 : vector<16xi32> to vector<16xi32>
      %get3A_2040 = arith.index_cast %add3A_2036 : i32 to index
      %get3A_2041 = tpu.vector_load %arg8[%get3A_2040] {strides = array<i32>} : memref<6400xi32, #tpu.memory_space<vmem>>, vector<16xi32>,
      %get3A_2042 = vector.shape_cast %get3A_2041 : vector<16xi32> to vector<16xi32>
      %get3A_2043 = arith.index_cast %add3A_2036 : i32 to index
      %get3A_2044 = tpu.vector_load %arg9[%get3A_2043] {strides = array<i32>} : memref<6400xi32, #tpu.memory_space<vmem>>, vector<16xi32>,
      %get3A_2045 = vector.shape_cast %get3A_2044 : vector<16xi32> to vector<16xi32>
      %mul3A_2046 = arith.constant 65 : i32
      %mul3A_2047 = vector.broadcast %mul3A_2046 : i32 to vector<16xi32>
      %mul3A_2048 = arith.muli %get3A_2039, %mul3A_2047 : vector<16xi32>
      %mul3A_2049 = arith.constant 5 : i32
      %mul3A_2050 = vector.broadcast %mul3A_2049 : i32 to vector<16xi32>
      %mul3A_2051 = arith.muli %get3A_2042, %mul3A_2050 : vector<16xi32>
      %add3A_2052 = arith.addi %mul3A_2048, %mul3A_2051 : vector<16xi32>
      %add3A_2053 = arith.addi %add3A_2052, %get3A_2045 : vector<16xi32>
      %swap3A_2054 = arith.index_cast %add3A_2006 : i32 to index
      %swap3A_2055 = arith.constant 16 : index
      %swap3A_2056 = tpu.vector_load %arg10[%swap3A_2054, %swap3A_2055] {strides = array<i32>} : memref<50x128xi32, #tpu.memory_space<vmem>>, vector<1x16xi32>,
      %swap3A_2057 = vector.shape_cast %swap3A_2056 : vector<1x16xi32> to vector<16xi32>
      %swap3A_2058 = vector.shape_cast %add3A_2053 : vector<16xi32> to vector<1x16xi32>
      tpu.vector_store %arg10[%swap3A_2054, %swap3A_2055], %swap3A_2058 {strides = array<i32>} : memref<50x128xi32, #tpu.memory_space<vmem>>, vector<1x16xi32>,
      %mul3A_2059 = arith.constant 128 : i32
      %mul3A_2060 = arith.muli %add3A_2006, %mul3A_2059 : i32
      %add3A_2061 = arith.constant 32 : i32
      %add3A_2062 = arith.addi %mul3A_2060, %add3A_2061 : i32
      %get3A_2063 = arith.index_cast %add3A_2062 : i32 to index
      %get3A_2064 = tpu.vector_load %arg7[%get3A_2063] {strides = array<i32>} : memref<6400xi32, #tpu.memory_space<vmem>>, vector<16xi32>,
      %get3A_2065 = vector.shape_cast %get3A_2064 : vector<16xi32> to vector<16xi32>
      %get3A_2066 = arith.index_cast %add3A_2062 : i32 to index
      %get3A_2067 = tpu.vector_load %arg8[%get3A_2066] {strides = array<i32>} : memref<6400xi32, #tpu.memory_space<vmem>>, vector<16xi32>,
      %get3A_2068 = vector.shape_cast %get3A_2067 : vector<16xi32> to vector<16xi32>
      %get3A_2069 = arith.index_cast %add3A_2062 : i32 to index
      %get3A_2070 = tpu.vector_load %arg9[%get3A_2069] {strides = array<i32>} : memref<6400xi32, #tpu.memory_space<vmem>>, vector<16xi32>,
      %get3A_2071 = vector.shape_cast %get3A_2070 : vector<16xi32> to vector<16xi32>
      %mul3A_2072 = arith.constant 65 : i32
      %mul3A_2073 = vector.broadcast %mul3A_2072 : i32 to vector<16xi32>
      %mul3A_2074 = arith.muli %get3A_2065, %mul3A_2073 : vector<16xi32>
      %mul3A_2075 = arith.constant 5 : i32
      %mul3A_2076 = vector.broadcast %mul3A_2075 : i32 to vector<16xi32>
      %mul3A_2077 = arith.muli %get3A_2068, %mul3A_2076 : vector<16xi32>
      %add3A_2078 = arith.addi %mul3A_2074, %mul3A_2077 : vector<16xi32>
      %add3A_2079 = arith.addi %add3A_2078, %get3A_2071 : vector<16xi32>
      %swap3A_2080 = arith.index_cast %add3A_2006 : i32 to index
      %swap3A_2081 = arith.constant 32 : index
      %swap3A_2082 = tpu.vector_load %arg10[%swap3A_2080, %swap3A_2081] {strides = array<i32>} : memref<50x128xi32, #tpu.memory_space<vmem>>, vector<1x16xi32>,
      %swap3A_2083 = vector.shape_cast %swap3A_2082 : vector<1x16xi32> to vector<16xi32>
      %swap3A_2084 = vector.shape_cast %add3A_2079 : vector<16xi32> to vector<1x16xi32>
      tpu.vector_store %arg10[%swap3A_2080, %swap3A_2081], %swap3A_2084 {strides = array<i32>} : memref<50x128xi32, #tpu.memory_space<vmem>>, vector<1x16xi32>,
      %mul3A_2085 = arith.constant 128 : i32
      %mul3A_2086 = arith.muli %add3A_2006, %mul3A_2085 : i32
      %add3A_2087 = arith.constant 48 : i32
      %add3A_2088 = arith.addi %mul3A_2086, %add3A_2087 : i32
      %get3A_2089 = arith.index_cast %add3A_2088 : i32 to index
      %get3A_2090 = tpu.vector_load %arg7[%get3A_2089] {strides = array<i32>} : memref<6400xi32, #tpu.memory_space<vmem>>, vector<16xi32>,
      %get3A_2091 = vector.shape_cast %get3A_2090 : vector<16xi32> to vector<16xi32>
      %get3A_2092 = arith.index_cast %add3A_2088 : i32 to index
      %get3A_2093 = tpu.vector_load %arg8[%get3A_2092] {strides = array<i32>} : memref<6400xi32, #tpu.memory_space<vmem>>, vector<16xi32>,
      %get3A_2094 = vector.shape_cast %get3A_2093 : vector<16xi32> to vector<16xi32>
      %get3A_2095 = arith.index_cast %add3A_2088 : i32 to index
      %get3A_2096 = tpu.vector_load %arg9[%get3A_2095] {strides = array<i32>} : memref<6400xi32, #tpu.memory_space<vmem>>, vector<16xi32>,
      %get3A_2097 = vector.shape_cast %get3A_2096 : vector<16xi32> to vector<16xi32>
      %mul3A_2098 = arith.constant 65 : i32
      %mul3A_2099 = vector.broadcast %mul3A_2098 : i32 to vector<16xi32>
      %mul3A_2100 = arith.muli %get3A_2091, %mul3A_2099 : vector<16xi32>
      %mul3A_2101 = arith.constant 5 : i32
      %mul3A_2102 = vector.broadcast %mul3A_2101 : i32 to vector<16xi32>
      %mul3A_2103 = arith.muli %get3A_2094, %mul3A_2102 : vector<16xi32>
      %add3A_2104 = arith.addi %mul3A_2100, %mul3A_2103 : vector<16xi32>
      %add3A_2105 = arith.addi %add3A_2104, %get3A_2097 : vector<16xi32>
      %swap3A_2106 = arith.index_cast %add3A_2006 : i32 to index
      %swap3A_2107 = arith.constant 48 : index
      %swap3A_2108 = tpu.vector_load %arg10[%swap3A_2106, %swap3A_2107] {strides = array<i32>} : memref<50x128xi32, #tpu.memory_space<vmem>>, vector<1x16xi32>,
      %swap3A_2109 = vector.shape_cast %swap3A_2108 : vector<1x16xi32> to vector<16xi32>
      %swap3A_2110 = vector.shape_cast %add3A_2105 : vector<16xi32> to vector<1x16xi32>
      tpu.vector_store %arg10[%swap3A_2106, %swap3A_2107], %swap3A_2110 {strides = array<i32>} : memref<50x128xi32, #tpu.memory_space<vmem>>, vector<1x16xi32>,
      %mul3A_2111 = arith.constant 128 : i32
      %mul3A_2112 = arith.muli %add3A_2006, %mul3A_2111 : i32
      %add3A_2113 = arith.constant 64 : i32
      %add3A_2114 = arith.addi %mul3A_2112, %add3A_2113 : i32
      %get3A_2115 = arith.index_cast %add3A_2114 : i32 to index
      %get3A_2116 = tpu.vector_load %arg7[%get3A_2115] {strides = array<i32>} : memref<6400xi32, #tpu.memory_space<vmem>>, vector<16xi32>,
      %get3A_2117 = vector.shape_cast %get3A_2116 : vector<16xi32> to vector<16xi32>
      %get3A_2118 = arith.index_cast %add3A_2114 : i32 to index
      %get3A_2119 = tpu.vector_load %arg8[%get3A_2118] {strides = array<i32>} : memref<6400xi32, #tpu.memory_space<vmem>>, vector<16xi32>,
      %get3A_2120 = vector.shape_cast %get3A_2119 : vector<16xi32> to vector<16xi32>
      %get3A_2121 = arith.index_cast %add3A_2114 : i32 to index
      %get3A_2122 = tpu.vector_load %arg9[%get3A_2121] {strides = array<i32>} : memref<6400xi32, #tpu.memory_space<vmem>>, vector<16xi32>,
      %get3A_2123 = vector.shape_cast %get3A_2122 : vector<16xi32> to vector<16xi32>
      %mul3A_2124 = arith.constant 65 : i32
      %mul3A_2125 = vector.broadcast %mul3A_2124 : i32 to vector<16xi32>
      %mul3A_2126 = arith.muli %get3A_2117, %mul3A_2125 : vector<16xi32>
      %mul3A_2127 = arith.constant 5 : i32
      %mul3A_2128 = vector.broadcast %mul3A_2127 : i32 to vector<16xi32>
      %mul3A_2129 = arith.muli %get3A_2120, %mul3A_2128 : vector<16xi32>
      %add3A_2130 = arith.addi %mul3A_2126, %mul3A_2129 : vector<16xi32>
      %add3A_2131 = arith.addi %add3A_2130, %get3A_2123 : vector<16xi32>
      %swap3A_2132 = arith.index_cast %add3A_2006 : i32 to index
      %swap3A_2133 = arith.constant 64 : index
      %swap3A_2134 = tpu.vector_load %arg10[%swap3A_2132, %swap3A_2133] {strides = array<i32>} : memref<50x128xi32, #tpu.memory_space<vmem>>, vector<1x16xi32>,
      %swap3A_2135 = vector.shape_cast %swap3A_2134 : vector<1x16xi32> to vector<16xi32>
      %swap3A_2136 = vector.shape_cast %add3A_2131 : vector<16xi32> to vector<1x16xi32>
      tpu.vector_store %arg10[%swap3A_2132, %swap3A_2133], %swap3A_2136 {strides = array<i32>} : memref<50x128xi32, #tpu.memory_space<vmem>>, vector<1x16xi32>,
      %mul3A_2137 = arith.constant 128 : i32
      %mul3A_2138 = arith.muli %add3A_2006, %mul3A_2137 : i32
      %add3A_2139 = arith.constant 80 : i32
      %add3A_2140 = arith.addi %mul3A_2138, %add3A_2139 : i32
      %get3A_2141 = arith.index_cast %add3A_2140 : i32 to index
      %get3A_2142 = tpu.vector_load %arg7[%get3A_2141] {strides = array<i32>} : memref<6400xi32, #tpu.memory_space<vmem>>, vector<16xi32>,
      %get3A_2143 = vector.shape_cast %get3A_2142 : vector<16xi32> to vector<16xi32>
      %get3A_2144 = arith.index_cast %add3A_2140 : i32 to index
      %get3A_2145 = tpu.vector_load %arg8[%get3A_2144] {strides = array<i32>} : memref<6400xi32, #tpu.memory_space<vmem>>, vector<16xi32>,
      %get3A_2146 = vector.shape_cast %get3A_2145 : vector<16xi32> to vector<16xi32>
      %get3A_2147 = arith.index_cast %add3A_2140 : i32 to index
      %get3A_2148 = tpu.vector_load %arg9[%get3A_2147] {strides = array<i32>} : memref<6400xi32, #tpu.memory_space<vmem>>, vector<16xi32>,
      %get3A_2149 = vector.shape_cast %get3A_2148 : vector<16xi32> to vector<16xi32>
      %mul3A_2150 = arith.constant 65 : i32
      %mul3A_2151 = vector.broadcast %mul3A_2150 : i32 to vector<16xi32>
      %mul3A_2152 = arith.muli %get3A_2143, %mul3A_2151 : vector<16xi32>
      %mul3A_2153 = arith.constant 5 : i32
      %mul3A_2154 = vector.broadcast %mul3A_2153 : i32 to vector<16xi32>
      %mul3A_2155 = arith.muli %get3A_2146, %mul3A_2154 : vector<16xi32>
      %add3A_2156 = arith.addi %mul3A_2152, %mul3A_2155 : vector<16xi32>
      %add3A_2157 = arith.addi %add3A_2156, %get3A_2149 : vector<16xi32>
      %swap3A_2158 = arith.index_cast %add3A_2006 : i32 to index
      %swap3A_2159 = arith.constant 80 : index
      %swap3A_2160 = tpu.vector_load %arg10[%swap3A_2158, %swap3A_2159] {strides = array<i32>} : memref<50x128xi32, #tpu.memory_space<vmem>>, vector<1x16xi32>,
      %swap3A_2161 = vector.shape_cast %swap3A_2160 : vector<1x16xi32> to vector<16xi32>
      %swap3A_2162 = vector.shape_cast %add3A_2157 : vector<16xi32> to vector<1x16xi32>
      tpu.vector_store %arg10[%swap3A_2158, %swap3A_2159], %swap3A_2162 {strides = array<i32>} : memref<50x128xi32, #tpu.memory_space<vmem>>, vector<1x16xi32>,
      %mul3A_2163 = arith.constant 128 : i32
      %mul3A_2164 = arith.muli %add3A_2006, %mul3A_2163 : i32
      %add3A_2165 = arith.constant 96 : i32
      %add3A_2166 = arith.addi %mul3A_2164, %add3A_2165 : i32
      %get3A_2167 = arith.index_cast %add3A_2166 : i32 to index
      %get3A_2168 = tpu.vector_load %arg7[%get3A_2167] {strides = array<i32>} : memref<6400xi32, #tpu.memory_space<vmem>>, vector<16xi32>,
      %get3A_2169 = vector.shape_cast %get3A_2168 : vector<16xi32> to vector<16xi32>
      %get3A_2170 = arith.index_cast %add3A_2166 : i32 to index
      %get3A_2171 = tpu.vector_load %arg8[%get3A_2170] {strides = array<i32>} : memref<6400xi32, #tpu.memory_space<vmem>>, vector<16xi32>,
      %get3A_2172 = vector.shape_cast %get3A_2171 : vector<16xi32> to vector<16xi32>
      %get3A_2173 = arith.index_cast %add3A_2166 : i32 to index
      %get3A_2174 = tpu.vector_load %arg9[%get3A_2173] {strides = array<i32>} : memref<6400xi32, #tpu.memory_space<vmem>>, vector<16xi32>,
      %get3A_2175 = vector.shape_cast %get3A_2174 : vector<16xi32> to vector<16xi32>
      %mul3A_2176 = arith.constant 65 : i32
      %mul3A_2177 = vector.broadcast %mul3A_2176 : i32 to vector<16xi32>
      %mul3A_2178 = arith.muli %get3A_2169, %mul3A_2177 : vector<16xi32>
      %mul3A_2179 = arith.constant 5 : i32
      %mul3A_2180 = vector.broadcast %mul3A_2179 : i32 to vector<16xi32>
      %mul3A_2181 = arith.muli %get3A_2172, %mul3A_2180 : vector<16xi32>
      %add3A_2182 = arith.addi %mul3A_2178, %mul3A_2181 : vector<16xi32>
      %add3A_2183 = arith.addi %add3A_2182, %get3A_2175 : vector<16xi32>
      %swap3A_2184 = arith.index_cast %add3A_2006 : i32 to index
      %swap3A_2185 = arith.constant 96 : index
      %swap3A_2186 = tpu.vector_load %arg10[%swap3A_2184, %swap3A_2185] {strides = array<i32>} : memref<50x128xi32, #tpu.memory_space<vmem>>, vector<1x16xi32>,
      %swap3A_2187 = vector.shape_cast %swap3A_2186 : vector<1x16xi32> to vector<16xi32>
      %swap3A_2188 = vector.shape_cast %add3A_2183 : vector<16xi32> to vector<1x16xi32>
      tpu.vector_store %arg10[%swap3A_2184, %swap3A_2185], %swap3A_2188 {strides = array<i32>} : memref<50x128xi32, #tpu.memory_space<vmem>>, vector<1x16xi32>,
      %mul3A_2189 = arith.constant 128 : i32
      %mul3A_2190 = arith.muli %add3A_2006, %mul3A_2189 : i32
      %add3A_2191 = arith.constant 112 : i32
      %add3A_2192 = arith.addi %mul3A_2190, %add3A_2191 : i32
      %get3A_2193 = arith.index_cast %add3A_2192 : i32 to index
      %get3A_2194 = tpu.vector_load %arg7[%get3A_2193] {strides = array<i32>} : memref<6400xi32, #tpu.memory_space<vmem>>, vector<16xi32>,
      %get3A_2195 = vector.shape_cast %get3A_2194 : vector<16xi32> to vector<16xi32>
      %get3A_2196 = arith.index_cast %add3A_2192 : i32 to index
      %get3A_2197 = tpu.vector_load %arg8[%get3A_2196] {strides = array<i32>} : memref<6400xi32, #tpu.memory_space<vmem>>, vector<16xi32>,
      %get3A_2198 = vector.shape_cast %get3A_2197 : vector<16xi32> to vector<16xi32>
      %get3A_2199 = arith.index_cast %add3A_2192 : i32 to index
      %get3A_2200 = tpu.vector_load %arg9[%get3A_2199] {strides = array<i32>} : memref<6400xi32, #tpu.memory_space<vmem>>, vector<16xi32>,
      %get3A_2201 = vector.shape_cast %get3A_2200 : vector<16xi32> to vector<16xi32>
      %mul3A_2202 = arith.constant 65 : i32
      %mul3A_2203 = vector.broadcast %mul3A_2202 : i32 to vector<16xi32>
      %mul3A_2204 = arith.muli %get3A_2195, %mul3A_2203 : vector<16xi32>
      %mul3A_2205 = arith.constant 5 : i32
      %mul3A_2206 = vector.broadcast %mul3A_2205 : i32 to vector<16xi32>
      %mul3A_2207 = arith.muli %get3A_2198, %mul3A_2206 : vector<16xi32>
      %add3A_2208 = arith.addi %mul3A_2204, %mul3A_2207 : vector<16xi32>
      %add3A_2209 = arith.addi %add3A_2208, %get3A_2201 : vector<16xi32>
      %swap3A_2210 = arith.index_cast %add3A_2006 : i32 to index
      %swap3A_2211 = arith.constant 112 : index
      %swap3A_2212 = tpu.vector_load %arg10[%swap3A_2210, %swap3A_2211] {strides = array<i32>} : memref<50x128xi32, #tpu.memory_space<vmem>>, vector<1x16xi32>,
      %swap3A_2213 = vector.shape_cast %swap3A_2212 : vector<1x16xi32> to vector<16xi32>
      %swap3A_2214 = vector.shape_cast %add3A_2209 : vector<16xi32> to vector<1x16xi32>
      tpu.vector_store %arg10[%swap3A_2210, %swap3A_2211], %swap3A_2214 {strides = array<i32>} : memref<50x128xi32, #tpu.memory_space<vmem>>, vector<1x16xi32>,
      %dma_wait3A_2215 = arith.constant 0 : i32
      %dma_wait3A_2216 = tpu.memref_slice %arg6[%mul3A_2, %dma_wait3A_2215] : memref<204800x128xf32, #tpu.memory_space<hbm>> -> memref<128x128xf32, #tpu.memory_space<hbm>>
      %dma_wait3A_2217 = arith.constant 0 : i32
      %dma_wait3A_2218 = tpu.memref_slice %arg6[%mul3A_2, %dma_wait3A_2217] : memref<204800x128xf32, #tpu.memory_space<hbm>> -> memref<128x128xf32, #tpu.memory_space<hbm>>
      tpu.wait_dma2 semaphore(%arg22 : memref<!tpu.dma_semaphore, #tpu.memory_space<semaphore_mem>>) src(%arg12 : memref<128x128xf32, #tpu.memory_space<vmem>>) dst(%dma_wait3A_2218 : memref<128x128xf32, #tpu.memory_space<hbm>>)
      %add3A_2219 = arith.constant 3 : i32
      %add3A_2220 = arith.addi %mul3A_1276, %add3A_2219 : i32
      %add3A_2221 = arith.constant 2 : i32
      %add3A_2222 = arith.addi %add3A_2220, %add3A_2221 : i32
      %dma_start3A_2223 = arith.constant 0 : i32
      %dma_start3A_2224 = tpu.memref_slice %arg10[%add3A_2222, %dma_start3A_2223] : memref<50x128xi32, #tpu.memory_space<vmem>> -> memref<1x128xi32, #tpu.memory_space<vmem>>
      %dma_start3A_2225 = tpu.memref_squeeze %dma_start3A_2224 : memref<1x128xi32, #tpu.memory_space<vmem>> -> memref<128xi32, #tpu.memory_space<vmem>>
      %dma_start3A_2226 = arith.constant 0 : i32
      %dma_start3A_2227 = arith.constant 0 : i32
      %dma_start3A_2228 = tpu.memref_slice %arg15[%dma_start3A_2226, %dma_start3A_2227] : memref<2176x128xf32, #tpu.memory_space<vmem_shared>> -> memref<2176x128xf32, #tpu.memory_space<vmem_shared>>
      tpu.enqueue_indirect_dma source(%dma_start3A_2228 : memref<2176x128xf32, #tpu.memory_space<vmem_shared>>) target(%arg12 : memref<128x128xf32, #tpu.memory_space<vmem>>) offsets(%dma_start3A_2225 : memref<128xi32, #tpu.memory_space<vmem>>) semaphore(%arg18 : memref<!tpu.dma_semaphore, #tpu.memory_space<semaphore_mem>>)
      %dma_wait3A_2229 = arith.constant 0 : i32
      %dma_wait3A_2230 = arith.constant 0 : i32
      %dma_wait3A_2231 = tpu.memref_slice %arg10[%dma_wait3A_2229, %dma_wait3A_2230] : memref<50x128xi32, #tpu.memory_space<vmem>> -> memref<1x128xi32, #tpu.memory_space<vmem>>
      %dma_wait3A_2232 = tpu.memref_squeeze %dma_wait3A_2231 : memref<1x128xi32, #tpu.memory_space<vmem>> -> memref<128xi32, #tpu.memory_space<vmem>>
      %dma_wait3A_2233 = arith.constant 0 : i32
      %dma_wait3A_2234 = arith.constant 0 : i32
      %dma_wait3A_2235 = tpu.memref_slice %arg15[%dma_wait3A_2233, %dma_wait3A_2234] : memref<2176x128xf32, #tpu.memory_space<vmem_shared>> -> memref<2176x128xf32, #tpu.memory_space<vmem_shared>>
      tpu.wait_indirect_dma semaphore(%arg20 : memref<!tpu.dma_semaphore, #tpu.memory_space<semaphore_mem>>) src(%dma_wait3A_2235 : memref<2176x128xf32, #tpu.memory_space<vmem_shared>>) dst(%arg14 : memref<128x128xf32, #tpu.memory_space<vmem>>)
      %add3A_2236 = arith.constant 3 : i32
      %add3A_2237 = arith.addi %mul3A_1276, %add3A_2236 : i32
      %mul3A_2238 = arith.constant 128 : i32
      %mul3A_2239 = arith.muli %add3A_2237, %mul3A_2238 : i32
      %add3A_2240 = arith.addi %mul3A_2, %mul3A_2239 : i32
      %dma_start3A_2241 = arith.constant 0 : i32
      %dma_start3A_2242 = tpu.memref_slice %arg6[%add3A_2240, %dma_start3A_2241] : memref<204800x128xf32, #tpu.memory_space<hbm>> -> memref<128x128xf32, #tpu.memory_space<hbm>>
      %dma_start3A_2243 = arith.constant 0 : i32
      %dma_start3A_2244 = tpu.memref_slice %arg6[%add3A_2240, %dma_start3A_2243] : memref<204800x128xf32, #tpu.memory_space<hbm>> -> memref<128x128xf32, #tpu.memory_space<hbm>>
      tpu.enqueue_dma source(%arg14 : memref<128x128xf32, #tpu.memory_space<vmem>>) target(%dma_start3A_2244 : memref<128x128xf32, #tpu.memory_space<hbm>>) target_semaphore(%arg24 : memref<!tpu.dma_semaphore, #tpu.memory_space<semaphore_mem>>)
    }
    %scan3A_1231 = arith.constant 11 : i32
    %dma_wait3A_1232 = arith.constant 0 : i32
    %dma_wait3A_1233 = arith.constant 0 : i32
    %dma_wait3A_1234 = tpu.memref_slice %arg10[%dma_wait3A_1232, %dma_wait3A_1233] : memref<50x128xi32, #tpu.memory_space<vmem>> -> memref<1x128xi32, #tpu.memory_space<vmem>>
    %dma_wait3A_1235 = tpu.memref_squeeze %dma_wait3A_1234 : memref<1x128xi32, #tpu.memory_space<vmem>> -> memref<128xi32, #tpu.memory_space<vmem>>
    %dma_wait3A_1236 = arith.constant 0 : i32
    %dma_wait3A_1237 = arith.constant 0 : i32
    %dma_wait3A_1238 = tpu.memref_slice %arg15[%dma_wait3A_1236, %dma_wait3A_1237] : memref<2176x128xf32, #tpu.memory_space<vmem_shared>> -> memref<2176x128xf32, #tpu.memory_space<vmem_shared>>
    tpu.wait_indirect_dma semaphore(%arg17 : memref<!tpu.dma_semaphore, #tpu.memory_space<semaphore_mem>>) src(%dma_wait3A_1238 : memref<2176x128xf32, #tpu.memory_space<vmem_shared>>) dst(%arg11 : memref<128x128xf32, #tpu.memory_space<vmem>>)
    %add3A_1239 = arith.constant 6144 : i32
    %add3A_1240 = arith.addi %mul3A_2, %add3A_1239 : i32
    %dma_start3A_1241 = arith.constant 0 : i32
    %dma_start3A_1242 = tpu.memref_slice %arg6[%add3A_1240, %dma_start3A_1241] : memref<204800x128xf32, #tpu.memory_space<hbm>> -> memref<128x128xf32, #tpu.memory_space<hbm>>
    %dma_start3A_1243 = arith.constant 0 : i32
    %dma_start3A_1244 = tpu.memref_slice %arg6[%add3A_1240, %dma_start3A_1243] : memref<204800x128xf32, #tpu.memory_space<hbm>> -> memref<128x128xf32, #tpu.memory_space<hbm>>
    tpu.enqueue_dma source(%arg11 : memref<128x128xf32, #tpu.memory_space<vmem>>) target(%dma_start3A_1244 : memref<128x128xf32, #tpu.memory_space<hbm>>) target_semaphore(%arg21 : memref<!tpu.dma_semaphore, #tpu.memory_space<semaphore_mem>>)
    %dma_wait3A_1245 = arith.constant 0 : i32
    %dma_wait3A_1246 = arith.constant 0 : i32
    %dma_wait3A_1247 = tpu.memref_slice %arg10[%dma_wait3A_1245, %dma_wait3A_1246] : memref<50x128xi32, #tpu.memory_space<vmem>> -> memref<1x128xi32, #tpu.memory_space<vmem>>
    %dma_wait3A_1248 = tpu.memref_squeeze %dma_wait3A_1247 : memref<1x128xi32, #tpu.memory_space<vmem>> -> memref<128xi32, #tpu.memory_space<vmem>>
    %dma_wait3A_1249 = arith.constant 0 : i32
    %dma_wait3A_1250 = arith.constant 0 : i32
    %dma_wait3A_1251 = tpu.memref_slice %arg15[%dma_wait3A_1249, %dma_wait3A_1250] : memref<2176x128xf32, #tpu.memory_space<vmem_shared>> -> memref<2176x128xf32, #tpu.memory_space<vmem_shared>>
    tpu.wait_indirect_dma semaphore(%arg18 : memref<!tpu.dma_semaphore, #tpu.memory_space<semaphore_mem>>) src(%dma_wait3A_1251 : memref<2176x128xf32, #tpu.memory_space<vmem_shared>>) dst(%arg12 : memref<128x128xf32, #tpu.memory_space<vmem>>)
    %add3A_1252 = arith.constant 6272 : i32
    %add3A_1253 = arith.addi %mul3A_2, %add3A_1252 : i32
    %dma_start3A_1254 = arith.constant 0 : i32
    %dma_start3A_1255 = tpu.memref_slice %arg6[%add3A_1253, %dma_start3A_1254] : memref<204800x128xf32, #tpu.memory_space<hbm>> -> memref<128x128xf32, #tpu.memory_space<hbm>>
    %dma_start3A_1256 = arith.constant 0 : i32
    %dma_start3A_1257 = tpu.memref_slice %arg6[%add3A_1253, %dma_start3A_1256] : memref<204800x128xf32, #tpu.memory_space<hbm>> -> memref<128x128xf32, #tpu.memory_space<hbm>>
    tpu.enqueue_dma source(%arg12 : memref<128x128xf32, #tpu.memory_space<vmem>>) target(%dma_start3A_1257 : memref<128x128xf32, #tpu.memory_space<hbm>>) target_semaphore(%arg22 : memref<!tpu.dma_semaphore, #tpu.memory_space<semaphore_mem>>)
    %dma_wait3A_1258 = arith.constant 0 : i32
    %dma_wait3A_1259 = tpu.memref_slice %arg6[%mul3A_2, %dma_wait3A_1258] : memref<204800x128xf32, #tpu.memory_space<hbm>> -> memref<128x128xf32, #tpu.memory_space<hbm>>
    %dma_wait3A_1260 = arith.constant 0 : i32
    %dma_wait3A_1261 = tpu.memref_slice %arg6[%mul3A_2, %dma_wait3A_1260] : memref<204800x128xf32, #tpu.memory_space<hbm>> -> memref<128x128xf32, #tpu.memory_space<hbm>>
    tpu.wait_dma2 semaphore(%arg23 : memref<!tpu.dma_semaphore, #tpu.memory_space<semaphore_mem>>) src(%arg13 : memref<128x128xf32, #tpu.memory_space<vmem>>) dst(%dma_wait3A_1261 : memref<128x128xf32, #tpu.memory_space<hbm>>)
    %dma_wait3A_1262 = arith.constant 0 : i32
    %dma_wait3A_1263 = tpu.memref_slice %arg6[%mul3A_2, %dma_wait3A_1262] : memref<204800x128xf32, #tpu.memory_space<hbm>> -> memref<128x128xf32, #tpu.memory_space<hbm>>
    %dma_wait3A_1264 = arith.constant 0 : i32
    %dma_wait3A_1265 = tpu.memref_slice %arg6[%mul3A_2, %dma_wait3A_1264] : memref<204800x128xf32, #tpu.memory_space<hbm>> -> memref<128x128xf32, #tpu.memory_space<hbm>>
    tpu.wait_dma2 semaphore(%arg24 : memref<!tpu.dma_semaphore, #tpu.memory_space<semaphore_mem>>) src(%arg14 : memref<128x128xf32, #tpu.memory_space<vmem>>) dst(%dma_wait3A_1265 : memref<128x128xf32, #tpu.memory_space<hbm>>)
    %dma_wait3A_1266 = arith.constant 0 : i32
    %dma_wait3A_1267 = tpu.memref_slice %arg6[%mul3A_2, %dma_wait3A_1266] : memref<204800x128xf32, #tpu.memory_space<hbm>> -> memref<128x128xf32, #tpu.memory_space<hbm>>
    %dma_wait3A_1268 = arith.constant 0 : i32
    %dma_wait3A_1269 = tpu.memref_slice %arg6[%mul3A_2, %dma_wait3A_1268] : memref<204800x128xf32, #tpu.memory_space<hbm>> -> memref<128x128xf32, #tpu.memory_space<hbm>>
    tpu.wait_dma2 semaphore(%arg21 : memref<!tpu.dma_semaphore, #tpu.memory_space<semaphore_mem>>) src(%arg11 : memref<128x128xf32, #tpu.memory_space<vmem>>) dst(%dma_wait3A_1269 : memref<128x128xf32, #tpu.memory_space<hbm>>)
    %dma_wait3A_1270 = arith.constant 0 : i32
    %dma_wait3A_1271 = tpu.memref_slice %arg6[%mul3A_2, %dma_wait3A_1270] : memref<204800x128xf32, #tpu.memory_space<hbm>> -> memref<128x128xf32, #tpu.memory_space<hbm>>
    %dma_wait3A_1272 = arith.constant 0 : i32
    %dma_wait3A_1273 = tpu.memref_slice %arg6[%mul3A_2, %dma_wait3A_1272] : memref<204800x128xf32, #tpu.memory_space<hbm>> -> memref<128x128xf32, #tpu.memory_space<hbm>>
    tpu.wait_dma2 semaphore(%arg22 : memref<!tpu.dma_semaphore, #tpu.memory_space<semaphore_mem>>) src(%arg12 : memref<128x128xf32, #tpu.memory_space<vmem>>) dst(%dma_wait3A_1273 : memref<128x128xf32, #tpu.memory_space<hbm>>)
    return
  }
}

module attributes {stable_mosaic.version = 14 : i64} {
  func.func @_build_ctab_body(%arg0: memref<32x128xf32, #tpu.memory_space<vmem>>, %arg1: memref<13x128xf32, #tpu.memory_space<vmem>>, %arg2: memref<5x128xf32, #tpu.memory_space<vmem>>, %arg3: memref<2176x128xf32, #tpu.memory_space<vmem>>) attributes {dimension_semantics = [], scalar_prefetch = 0 : i64, scratch_operands = 0 : i64, tpu.core_type = #tpu.core_type<tc>} {
    %iota3A = tpu.iota {dimensions = array<i32: 0>} : vector<2176x1xi32>
    %jit3A = arith.constant 65 : i32
    %div3A = vector.broadcast %jit3A : i32 to vector<2176x1xi32>
    %div3A_0 = arith.divsi %iota3A, %div3A : vector<2176x1xi32>
    %sign3A = arith.constant 0 : i32
    %sign3A_1 = vector.broadcast %sign3A : i32 to vector<2176x1xi32>
    %sign3A_2 = arith.cmpi sgt, %iota3A, %sign3A_1 : vector<2176x1xi32>
    %sign3A_3 = arith.extui %sign3A_2 : vector<2176x1xi1> to vector<2176x1xi32>
    %sign3A_4 = arith.constant 0 : i32
    %sign3A_5 = vector.broadcast %sign3A_4 : i32 to vector<2176x1xi32>
    %sign3A_6 = arith.cmpi slt, %iota3A, %sign3A_5 : vector<2176x1xi32>
    %sign3A_7 = arith.extui %sign3A_6 : vector<2176x1xi1> to vector<2176x1xi32>
    %sign3A_8 = arith.subi %sign3A_3, %sign3A_7 : vector<2176x1xi32>
    %sign3A_9 = arith.constant 0 : i32
    %sign3A_10 = arith.cmpi sgt, %jit3A, %sign3A_9 : i32
    %sign3A_11 = arith.extui %sign3A_10 : i1 to i32
    %sign3A_12 = arith.constant 0 : i32
    %sign3A_13 = arith.cmpi slt, %jit3A, %sign3A_12 : i32
    %sign3A_14 = arith.extui %sign3A_13 : i1 to i32
    %sign3A_15 = arith.subi %sign3A_11, %sign3A_14 : i32
    %ne3A = vector.broadcast %sign3A_15 : i32 to vector<2176x1xi32>
    %ne3A_16 = arith.cmpi ne, %sign3A_8, %ne3A : vector<2176x1xi32>
    %rem3A = vector.broadcast %jit3A : i32 to vector<2176x1xi32>
    %rem3A_17 = arith.remsi %iota3A, %rem3A : vector<2176x1xi32>
    %ne3A_18 = arith.constant 0 : i32
    %ne3A_19 = vector.broadcast %ne3A_18 : i32 to vector<2176x1xi32>
    %ne3A_20 = arith.cmpi ne, %rem3A_17, %ne3A_19 : vector<2176x1xi32>
    %and3A = arith.andi %ne3A_16, %ne3A_20 : vector<2176x1xi1>
    %sub3A = arith.constant 1 : i32
    %sub3A_21 = vector.broadcast %sub3A : i32 to vector<2176x1xi32>
    %sub3A_22 = arith.subi %div3A_0, %sub3A_21 : vector<2176x1xi32>
    %select_n3A = arith.select %and3A, %sub3A_22, %div3A_0 : vector<2176x1xi1>, vector<2176x1xi32>
    %jit3A_23 = arith.constant 5 : i32
    %div3A_24 = vector.broadcast %jit3A_23 : i32 to vector<2176x1xi32>
    %div3A_25 = arith.divsi %iota3A, %div3A_24 : vector<2176x1xi32>
    %sign3A_26 = arith.constant 0 : i32
    %sign3A_27 = vector.broadcast %sign3A_26 : i32 to vector<2176x1xi32>
    %sign3A_28 = arith.cmpi sgt, %iota3A, %sign3A_27 : vector<2176x1xi32>
    %sign3A_29 = arith.extui %sign3A_28 : vector<2176x1xi1> to vector<2176x1xi32>
    %sign3A_30 = arith.constant 0 : i32
    %sign3A_31 = vector.broadcast %sign3A_30 : i32 to vector<2176x1xi32>
    %sign3A_32 = arith.cmpi slt, %iota3A, %sign3A_31 : vector<2176x1xi32>
    %sign3A_33 = arith.extui %sign3A_32 : vector<2176x1xi1> to vector<2176x1xi32>
    %sign3A_34 = arith.subi %sign3A_29, %sign3A_33 : vector<2176x1xi32>
    %sign3A_35 = arith.constant 0 : i32
    %sign3A_36 = arith.cmpi sgt, %jit3A_23, %sign3A_35 : i32
    %sign3A_37 = arith.extui %sign3A_36 : i1 to i32
    %sign3A_38 = arith.constant 0 : i32
    %sign3A_39 = arith.cmpi slt, %jit3A_23, %sign3A_38 : i32
    %sign3A_40 = arith.extui %sign3A_39 : i1 to i32
    %sign3A_41 = arith.subi %sign3A_37, %sign3A_40 : i32
    %ne3A_42 = vector.broadcast %sign3A_41 : i32 to vector<2176x1xi32>
    %ne3A_43 = arith.cmpi ne, %sign3A_34, %ne3A_42 : vector<2176x1xi32>
    %rem3A_44 = vector.broadcast %jit3A_23 : i32 to vector<2176x1xi32>
    %rem3A_45 = arith.remsi %iota3A, %rem3A_44 : vector<2176x1xi32>
    %ne3A_46 = arith.constant 0 : i32
    %ne3A_47 = vector.broadcast %ne3A_46 : i32 to vector<2176x1xi32>
    %ne3A_48 = arith.cmpi ne, %rem3A_45, %ne3A_47 : vector<2176x1xi32>
    %and3A_49 = arith.andi %ne3A_43, %ne3A_48 : vector<2176x1xi1>
    %sub3A_50 = arith.constant 1 : i32
    %sub3A_51 = vector.broadcast %sub3A_50 : i32 to vector<2176x1xi32>
    %sub3A_52 = arith.subi %div3A_25, %sub3A_51 : vector<2176x1xi32>
    %select_n3A_53 = arith.select %and3A_49, %sub3A_52, %div3A_25 : vector<2176x1xi1>, vector<2176x1xi32>
    %jit3A_54 = arith.constant 13 : i32
    %eq3A = arith.constant 0 : i32
    %eq3A_55 = arith.cmpi eq, %jit3A_54, %eq3A : i32
    %jit3A_56 = arith.constant 1 : i32
    %select_n3A_57 = arith.select %eq3A_55, %jit3A_56, %jit3A_54 : i32
    %rem3A_58 = vector.broadcast %select_n3A_57 : i32 to vector<2176x1xi32>
    %rem3A_59 = arith.remsi %select_n3A_53, %rem3A_58 : vector<2176x1xi32>
    %ne3A_60 = arith.constant 0 : i32
    %ne3A_61 = vector.broadcast %ne3A_60 : i32 to vector<2176x1xi32>
    %ne3A_62 = arith.cmpi ne, %rem3A_59, %ne3A_61 : vector<2176x1xi32>
    %lt3A = arith.constant 0 : i32
    %lt3A_63 = vector.broadcast %lt3A : i32 to vector<2176x1xi32>
    %lt3A_64 = arith.cmpi slt, %rem3A_59, %lt3A_63 : vector<2176x1xi32>
    %lt3A_65 = arith.constant 0 : i32
    %lt3A_66 = arith.cmpi slt, %select_n3A_57, %lt3A_65 : i32
    %ne3A_67 = vector.broadcast %lt3A_66 : i1 to vector<2176x1xi1>
    %ne3A_68 = vector.broadcast %ne3A_67 : vector<2176x1xi1> to vector<2176x1xi1>
    %ne3A_69 = arith.xori %lt3A_64, %ne3A_68 : vector<2176x1xi1>
    %and3A_70 = arith.andi %ne3A_69, %ne3A_62 : vector<2176x1xi1>
    %add3A = vector.broadcast %select_n3A_57 : i32 to vector<2176x1xi32>
    %add3A_71 = arith.addi %rem3A_59, %add3A : vector<2176x1xi32>
    %select_n3A_72 = arith.select %and3A_70, %add3A_71, %rem3A_59 : vector<2176x1xi1>, vector<2176x1xi32>
    %jit3A_73 = arith.constant 5 : i32
    %eq3A_74 = arith.constant 0 : i32
    %eq3A_75 = arith.cmpi eq, %jit3A_73, %eq3A_74 : i32
    %jit3A_76 = arith.constant 1 : i32
    %select_n3A_77 = arith.select %eq3A_75, %jit3A_76, %jit3A_73 : i32
    %rem3A_78 = vector.broadcast %select_n3A_77 : i32 to vector<2176x1xi32>
    %rem3A_79 = arith.remsi %iota3A, %rem3A_78 : vector<2176x1xi32>
    %ne3A_80 = arith.constant 0 : i32
    %ne3A_81 = vector.broadcast %ne3A_80 : i32 to vector<2176x1xi32>
    %ne3A_82 = arith.cmpi ne, %rem3A_79, %ne3A_81 : vector<2176x1xi32>
    %lt3A_83 = arith.constant 0 : i32
    %lt3A_84 = vector.broadcast %lt3A_83 : i32 to vector<2176x1xi32>
    %lt3A_85 = arith.cmpi slt, %rem3A_79, %lt3A_84 : vector<2176x1xi32>
    %lt3A_86 = arith.constant 0 : i32
    %lt3A_87 = arith.cmpi slt, %select_n3A_77, %lt3A_86 : i32
    %ne3A_88 = vector.broadcast %lt3A_87 : i1 to vector<2176x1xi1>
    %ne3A_89 = vector.broadcast %ne3A_88 : vector<2176x1xi1> to vector<2176x1xi1>
    %ne3A_90 = arith.xori %lt3A_85, %ne3A_89 : vector<2176x1xi1>
    %and3A_91 = arith.andi %ne3A_90, %ne3A_82 : vector<2176x1xi1>
    %add3A_92 = vector.broadcast %select_n3A_77 : i32 to vector<2176x1xi32>
    %add3A_93 = arith.addi %rem3A_79, %add3A_92 : vector<2176x1xi32>
    %select_n3A_94 = arith.select %and3A_91, %add3A_93, %rem3A_79 : vector<2176x1xi1>, vector<2176x1xi32>
    %iota3A_95 = tpu.iota {dimensions = array<i32: 1>} : vector<1x32xi32>
    %iota3A_96 = tpu.iota {dimensions = array<i32: 1>} : vector<1x13xi32>
    %iota3A_97 = tpu.iota {dimensions = array<i32: 1>} : vector<1x5xi32>
    %eq3A_98 = vector.broadcast %select_n3A : vector<2176x1xi32> to vector<2176x32xi32>
    %eq3A_99 = vector.broadcast %iota3A_95 : vector<1x32xi32> to vector<2176x32xi32>
    %eq3A_100 = arith.cmpi eq, %eq3A_98, %eq3A_99 : vector<2176x32xi32>
    %ne3A_101 = arith.constant 1 : i32
    %ne3A_102 = vector.broadcast %ne3A_101 : i32 to vector<2176x1xi32>
    %ne3A_103 = arith.cmpi ne, %select_n3A, %ne3A_102 : vector<2176x1xi32>
    %and3A_104 = vector.broadcast %ne3A_103 : vector<2176x1xi1> to vector<2176x32xi1>
    %and3A_105 = arith.andi %eq3A_100, %and3A_104 : vector<2176x32xi1>
    %convert_element_type3A = arith.extui %and3A_105 : vector<2176x32xi1> to vector<2176x32xi32>
    %convert_element_type3A_106 = arith.sitofp %convert_element_type3A : vector<2176x32xi32> to vector<2176x32xf32>
    %eq3A_107 = vector.broadcast %select_n3A_72 : vector<2176x1xi32> to vector<2176x13xi32>
    %eq3A_108 = vector.broadcast %iota3A_96 : vector<1x13xi32> to vector<2176x13xi32>
    %eq3A_109 = arith.cmpi eq, %eq3A_107, %eq3A_108 : vector<2176x13xi32>
    %ne3A_110 = arith.constant 1 : i32
    %ne3A_111 = vector.broadcast %ne3A_110 : i32 to vector<2176x1xi32>
    %ne3A_112 = arith.cmpi ne, %select_n3A_72, %ne3A_111 : vector<2176x1xi32>
    %and3A_113 = vector.broadcast %ne3A_112 : vector<2176x1xi1> to vector<2176x13xi1>
    %and3A_114 = arith.andi %eq3A_109, %and3A_113 : vector<2176x13xi1>
    %convert_element_type3A_115 = arith.extui %and3A_114 : vector<2176x13xi1> to vector<2176x13xi32>
    %convert_element_type3A_116 = arith.sitofp %convert_element_type3A_115 : vector<2176x13xi32> to vector<2176x13xf32>
    %eq3A_117 = vector.broadcast %select_n3A_94 : vector<2176x1xi32> to vector<2176x5xi32>
    %eq3A_118 = vector.broadcast %iota3A_97 : vector<1x5xi32> to vector<2176x5xi32>
    %eq3A_119 = arith.cmpi eq, %eq3A_117, %eq3A_118 : vector<2176x5xi32>
    %ne3A_120 = arith.constant 1 : i32
    %ne3A_121 = vector.broadcast %ne3A_120 : i32 to vector<2176x1xi32>
    %ne3A_122 = arith.cmpi ne, %select_n3A_94, %ne3A_121 : vector<2176x1xi32>
    %and3A_123 = vector.broadcast %ne3A_122 : vector<2176x1xi1> to vector<2176x5xi1>
    %and3A_124 = arith.andi %eq3A_119, %and3A_123 : vector<2176x5xi1>
    %convert_element_type3A_125 = arith.extui %and3A_124 : vector<2176x5xi1> to vector<2176x5xi32>
    %convert_element_type3A_126 = arith.sitofp %convert_element_type3A_125 : vector<2176x5xi32> to vector<2176x5xf32>
    %get3A = arith.constant 0 : index
    %get3A_127 = arith.constant 0 : index
    %get3A_128 = vector.load %arg0[%get3A, %get3A_127] : memref<32x128xf32, #tpu.memory_space<vmem>>, vector<32x128xf32>
    %dot_general3A = arith.constant dense<0.000000e+00> : vector<2176x128xf32>
    %dot_general3A_129 = tpu.matmul %convert_element_type3A_106, %get3A_128, %dot_general3A {dimension_numbers = #tpu.dot_dimension_numbers<[1], [0], [0], [1], [0, 0, 1, 1], [], []>, transpose_lhs_hint = false} : vector<2176x32xf32>, vector<32x128xf32>, vector<2176x128xf32> -> vector<2176x128xf32>
    %get3A_130 = arith.constant 0 : index
    %get3A_131 = arith.constant 0 : index
    %get3A_132 = vector.load %arg1[%get3A_130, %get3A_131] : memref<13x128xf32, #tpu.memory_space<vmem>>, vector<13x128xf32>
    %dot_general3A_133 = arith.constant dense<0.000000e+00> : vector<2176x128xf32>
    %dot_general3A_134 = tpu.matmul %convert_element_type3A_116, %get3A_132, %dot_general3A_133 {dimension_numbers = #tpu.dot_dimension_numbers<[1], [0], [0], [1], [0, 0, 1, 1], [], []>, transpose_lhs_hint = false} : vector<2176x13xf32>, vector<13x128xf32>, vector<2176x128xf32> -> vector<2176x128xf32>
    %add3A_135 = arith.addf %dot_general3A_129, %dot_general3A_134 : vector<2176x128xf32>
    %get3A_136 = arith.constant 0 : index
    %get3A_137 = arith.constant 0 : index
    %get3A_138 = vector.load %arg2[%get3A_136, %get3A_137] : memref<5x128xf32, #tpu.memory_space<vmem>>, vector<5x128xf32>
    %dot_general3A_139 = arith.constant dense<0.000000e+00> : vector<2176x128xf32>
    %dot_general3A_140 = tpu.matmul %convert_element_type3A_126, %get3A_138, %dot_general3A_139 {dimension_numbers = #tpu.dot_dimension_numbers<[1], [0], [0], [1], [0, 0, 1, 1], [], []>, transpose_lhs_hint = false} : vector<2176x5xf32>, vector<5x128xf32>, vector<2176x128xf32> -> vector<2176x128xf32>
    %add3A_141 = arith.addf %add3A_135, %dot_general3A_140 : vector<2176x128xf32>
    %swap3A = arith.constant 0 : index
    %swap3A_142 = arith.constant 0 : index
    %swap3A_143 = vector.load %arg3[%swap3A, %swap3A_142] : memref<2176x128xf32, #tpu.memory_space<vmem>>, vector<2176x128xf32>
    tpu.vector_store %arg3[%swap3A, %swap3A_142], %add3A_141 {strides = array<i32>} : memref<2176x128xf32, #tpu.memory_space<vmem>>, vector<2176x128xf32>,
    return
  }
}

</mosaic_0001>

<sc_bundles>
// kernel: kernel.4.cloned.1.call-start
scs
__scs_entry_jumppad:
0x0: {  	(pc) =	sbr.rel $0x88, $3  }
0x1: {  	(tag) =	ssettag $0x0;
	lr =	simm.s32 $0x1  }
0x2: {  	[smem:$0x3F9B] =	sst lr;
	_ =	strace $0xD0000000  }
0x3: {  	_ = 	snop  }
0x4: {  	_ = 	snop  }
0x5: {  	_ = 	snop  }
0x6: {  	_ = 	snop  }
0x7: {  	_ = 	snop  }
__scs_overlays_trampoline_lowered:
0x8: {  	[smem:$0x3FAA] =	sst s0  }
0x9: {  	[smem:$0x3FAB] =	sst s1  }
0xa: {  	[smem:$0x3FAC] =	sst s2  }
0xb: {  	[smem:$0x3FAD] =	sst s3  }
0xc: {  	[smem:$0x3FAE] =	sst s4  }
0xd: {  	[smem:$0x3FAF] =	sst s5  }
0xe: {  	[smem:$0x3FB0] =	sst s6  }
0xf: {  	[smem:$0x3FB1] =	sst s7  }
0x10: {  	[smem:$0x3FB2] =	sst s8  }
0x11: {  	[smem:$0x3FB3] =	sst s9;
	s0 =	simm.s32 @!p0 $0x0  }
0x12: {  	s1 =	sld [smem:$0x3F99];
	s0 =	simm.s32 @p0 $0x1  }
0x13: {  	[smem:$0x3FB4] =	sst s0;
	s0 =	simm.s32 @!p1 $0x0  }
0x14: {  	s2 =	sld [smem:$0x3F98];
	s0 =	simm.s32 @p1 $0x1  }
0x15: {  	[smem:$0x3FB5] =	sst s0;
	s0 =	simm.s32 @!p2 $0x0  }
0x16: {  	s3 =	sld [smem:$0x3FDB];
	s0 =	simm.s32 @p2 $0x1  }
0x17: {  	s4 =	simm.s32 $0x1BF5;
	[smem:$0x3FB7] =	sst s0  }
0x18: {  	s0 =	sld [smem:$0x3F9A];
	_ =	swait.ge [sflag:s4], $0x0  }
0x19: {  	s7 =	sld [smem:$0x3F9B]  }
0x1a: {  	s8 =	sadd.s32 $0xFFFFE003, lr  }
0x1b: {  	s9 =	sadd.s32 $0xFFFFFEF7, lr;
	s5 =	simm.s32 $0xFFFFFFFF;
	p2 =	slt.u32 s8, $0xFFFFF086  }
0x1c: {  	p1 =	slt.u32 s9, $0xF7A;
	s5 =	simm.s32 @!p2 $0x0  }
0x1d: {  	s5 =	simm.s32 @p1 $0x1;
	p0 =	seq.s32 s7, s2  }
0x1e: {  	s7 =	smul.u32 @!p0 $0xF7A, s2;
	p2 =	seq.s32 @!p0 s5, $0x0  }
0x1f: {  	s9 =	smul.u32 $0xF7A, s1;
	s8 =	simm.s32 @!p0 $0x1BF5;
	p2 =	por !p2, p0  }
0x20: {  	[sflag:s8] =	ssyncset.s32 @!p0 $0xFFFFF086;
	s6 =	sadd.s32 @!p0 s3, s7;
	s7 =	simm.s32 @!p0 $0x108  }
0x21: {  	s3 =	sadd.s32 s3, s9;
	s6 =	sadd.s32 @!p0 $0x88, s6;
	s7 =	simm.s32 @p2 $0x1082  }
0x22: {  	[simem:s7], [sflag:s8] =	dma.local @!p0 [hbm:s6], $0xF7A  }
0x23: {  	s9 =	sor.u32 $0xD0000000, s2;
	s6 =	simm.s32 $0x108;
	_ =	swait.ge @!p0 [sflag:s8], $0x0  }
0x24: {  	s3 =	sadd.s32 $0x88, s3;
	s6 =	simm.s32 @!p1 $0x1082;
	[sflag:s4] =	ssyncset.s32 $0xFFFFF086  }
0x25: {  	[simem:s6], [sflag:s4] =	dma.local [hbm:s3], $0xF7A  }
0x26: {  	[smem:$0x3F9B] =	sst s1;
	(tag) =	ssettag s2;
	_ =	strace s9  }
0x27: {  	s1 =	sld [smem:$0x3FAB]  }
0x28: {  	s2 =	sld [smem:$0x3FAC]  }
0x29: {  	s4 =	sld [smem:$0x3FAE]  }
0x2a: {  	p0 =	seq.s32 s5, $0x0;
	s5 =	sld [smem:$0x3FAF]  }
0x2b: {  	s6 =	sld [smem:$0x3FB0]  }
0x2c: {  	s7 =	sld [smem:$0x3FB1]  }
0x2d: {  	s3 =	simm.s32 $0x108;
	s8 =	sld [smem:$0x3FB2]  }
0x2e: {  	s3 =	simm.s32 @!p0 $0x1082;
	s9 =	sld [smem:$0x3FB3]  }
0x2f: {  	lr =	sadd.s32 s0, s3;
	s0 =	sld [smem:$0x3FAA]  }
0x30: {  	s3 =	sld [smem:$0x3FAD]  }
0x31: {  	[smem:$0x3FB6] =	sst s10  }
0x32: {  	s10 =	sld [smem:$0x3FB4];
	_ =	sdelay $0x3  }
0x33: {  	p0 =	seq.s32 s10, $0x1;
	s10 =	sld [smem:$0x3FB6];
	_ =	sdelay $0x3  }
0x34: {  	[smem:$0x3FB6] =	sst s10  }
0x35: {  	s10 =	sld [smem:$0x3FB5];
	_ =	sdelay $0x3  }
0x36: {  	p1 =	seq.s32 s10, $0x1;
	s10 =	sld [smem:$0x3FB6];
	_ =	sdelay $0x3  }
0x37: {  	[smem:$0x3FB6] =	sst s10  }
0x38: {  	s10 =	sld [smem:$0x3FB7]  }
0x39: {  	_ = 	snop;
	(pc) =	sbr.ind lr, $3  }
0x3a: {  	_ = 	snop  }
0x3b: {  	_ = 	snop  }
0x3c: {  	p2 =	seq.s32 s10, $0x1;
	s10 =	sld [smem:$0x3FB6]  }
0x3d: {  	_ =	shalt  }
0x3e: {  	_ =	shalt  }
0x3f: {  	_ =	shalt  }
0x40: {  	_ =	shalt  }
0x41: {  	_ =	shalt  }
0x42: {  	_ =	shalt  }
0x43: {  	_ =	shalt  }
0x44: {  	_ =	shalt  }
0x45: {  	_ =	shalt  }
0x46: {  	_ =	shalt  }
0x47: {  	_ =	shalt  }
0x48: {  	_ =	shalt  }
0x49: {  	_ =	shalt  }
0x4a: {  	_ =	shalt  }
0x4b: {  	_ =	shalt  }
0x4c: {  	_ =	shalt  }
0x4d: {  	_ =	shalt  }
0x4e: {  	_ =	shalt  }
0x4f: {  	_ =	shalt  }
0x50: {  	_ =	shalt  }
0x51: {  	_ =	shalt  }
0x52: {  	_ =	shalt  }
0x53: {  	_ =	shalt  }
0x54: {  	_ =	shalt  }
0x55: {  	_ =	shalt  }
0x56: {  	_ =	shalt  }
0x57: {  	_ =	shalt  }
0x58: {  	_ =	shalt  }
0x59: {  	_ =	shalt  }
0x5a: {  	_ =	shalt  }
0x5b: {  	_ =	shalt  }
0x5c: {  	_ =	shalt  }
0x5d: {  	_ =	shalt  }
0x5e: {  	_ =	shalt  }
0x5f: {  	_ =	shalt  }
0x60: {  	_ =	shalt  }
0x61: {  	_ =	shalt  }
0x62: {  	_ =	shalt  }
0x63: {  	_ =	shalt  }
0x64: {  	_ =	shalt  }
0x65: {  	_ =	shalt  }
0x66: {  	_ =	shalt  }
0x67: {  	_ =	shalt  }
0x68: {  	_ =	shalt  }
0x69: {  	_ =	shalt  }
0x6a: {  	_ =	shalt  }
0x6b: {  	_ =	shalt  }
0x6c: {  	_ =	shalt  }
0x6d: {  	_ =	shalt  }
0x6e: {  	_ =	shalt  }
0x6f: {  	_ =	shalt  }
0x70: {  	_ =	shalt  }
0x71: {  	_ =	shalt  }
0x72: {  	_ =	shalt  }
0x73: {  	_ =	shalt  }
0x74: {  	_ =	shalt  }
0x75: {  	_ =	shalt  }
0x76: {  	_ =	shalt  }
0x77: {  	_ =	shalt  }
0x78: {  	_ =	shalt  }
0x79: {  	_ =	shalt  }
0x7a: {  	_ =	shalt  }
0x7b: {  	_ =	shalt  }
0x7c: {  	_ =	shalt  }
0x7d: {  	_ =	shalt  }
0x7e: {  	_ =	shalt  }
0x7f: {  	_ =	shalt  }
0x80: {  	_ =	shalt  }
0x81: {  	_ =	shalt  }
0x82: {  	_ =	shalt  }
0x83: {  	_ =	shalt  }
0x84: {  	_ =	shalt  }
0x85: {  	_ =	shalt  }
0x86: {  	_ =	shalt  }
0x87: {  	_ =	shalt  }
.Lfunc_end0:
.L_simem_size_0:
called_computation_lowered:
.L_overlay_start_0:
0x88: {  	s2 =	sld [smem:$0x3FD9]  }
0x89: {  	s3 =	sld [smem:$0x3FFE];
	_ =	sdelay $0x1  }
0x8a: {  	s1 =	srdreg.scid  }
0x8b: {  	s0 =	sand.u32 $0x1, s1  }
0x8c: {  	s17 =	sshll.u32 s0, $0xA;
	s2 =	sadd.s32 s3, s2  }
0x8d: {  	s2 =	sadd.s32 s2, s17  }
0x8e: {  	[smem:$0x3FC2] =	sst s2  }
0x8f: {  	_ = 	snop  }
0x90: {  	s2 =	sld [smem:$0x3FD0];
	(tm) =	ssettm $0x1  }
0x91: {  	s18 =	sld [smem:$0x3FFB];
	_ =	sdelay $0x3  }
0x92: {  	_ =	strace s18  }
0x93: {  	s3 =	sld [smem:$0x3FFC];
	_ =	sdelay $0x3  }
0x94: {  	_ =	strace s3  }
0x95: {  	s3 =	sld [smem:$0x3FFD];
	_ =	sdelay $0x3  }
0x96: {  	_ =	strace s3  }
0x97: {  	_ =	strace $0x8FFFFFFF  }
0x98: {  	s19 =	sld [smem:$0x3FDB];
	_ =	sdelay $0x1  }
0x99: {  	s4 =	simm.s32 $_scs_section_size  }
0x9a: {  	s5 =	simm.s32 $_size__tile_overlayer_lowered;
	s6 =	simm.s32 $_tile_overlayer_lowered  }
0x9b: {  	s22 =	simm.s32 $0x1BFF;
	s21 =	sshll.u32 s6, $0x1;
	s3 =	sadd.s32 s4, s19  }
0x9c: {  	s7 =	simm.s32 $0x0;
	s20 =	sshll.u32 s5, $0x1;
	s5 =	sadd.s32 s21, s3  }
0x9d: {  	[timem:s7], [sflag:s22] =	dma.local [hbm:s5], s20  }
0x9e: {  	_ =	swait.ge [sflag:s22], s20  }
0x9f: {  	s4 =	ssub.s32 $0x0, s20;
	[sflag:s22] =	ssyncset.done $0x0  }
0xa0: {  	[sflag:s22] =	ssyncadd.s32 s4;
	_ =	sdelay $0x1  }
0xa1: {  	s23 =	simm.s32 $0x1B8B  }
0xa2: {  	_ =	swait.ge [sflag:s23], $0x1  }
0xa3: {  	[sflag:s23] =	ssyncset.done $0x0  }
0xa4: {  	s25 =	simm.s32 $0x1B8E;
	s24 =	sld [smem:$0x3FFE];
	[sflag:s23] =	ssyncadd.s32 $0xFFFFFFFF  }
0xa5: {  	s26 =	simm.s32 $execute0_lowered;
	[smem:$0x3FD2] =	sst s25  }
0xa6: {  	s5 =	sshll.u32 s26, $0x1;
	_ =	strace $0x80000046;
	[dreg:$0x1] =	wrdreg $0xFFFFFFFF  }
0xa7: {  	s28 =	simm.s32 $_size_execute0_lowered;
	s3 =	sadd.s32 s3, s5;
	[dreg:$0x0] =	wrdreg $0x0  }
0xa8: {  	s5 =	sshll.u32 s28, $0x1;
	[dreg:$0x2] =	wrdreg s3  }
0xa9: {  	[dreg:$0x3] =	wrdreg s5  }
0xaa: {  	[dreg:$0x4] =	wrdreg $0xC0  }
0xab: {  	_ =	task [dreg:s7], $0x5FFFF  }
0xac: {  	[dreg:$0x1] =	wrdreg $0xFFFFFFFF  }
0xad: {  	[dreg:$0x0] =	wrdreg $0x60  }
0xae: {  	[dreg:$0x2] =	wrdreg s24  }
0xaf: {  	[dreg:$0x3] =	wrdreg s2  }
0xb0: {  	[dreg:$0x4] =	wrdreg $0x167000  }
0xb1: {  	[dreg:$0x5] =	wrdreg $0x9  }
0xb2: {  	_ =	task.clear_ibuf [dreg:s7], $0x6FFFF;
	_ =	strace $0x90000046  }
0xb3: {  	s29 =	simm.s32 $0x9;
	_ =	strace $0x80000048  }
0xb4: {  	_ =	swait.ge [sflag:s29], $0x1  }
0xb5: {  	[sflag:s29] =	ssyncadd.s32 $0xFFFFFFFF  }
0xb6: {  	_ =	strace $0x90000048  }
0xb7: {  	_ =	sfence  }
0xb8: {  	s30 =	sld [smem:$0x0];
	_ =	sdelay $0x2  }
0xb9: {  	s31 =	sshll.u32 s1, $0xD;
	s1 =	sshrl.u32 s1, $0x2  }
0xba: {  	s3 =	sand.u32 $0x4000, s31;
	s1 =	sadd.s32 s1, s30  }
0xbb: {  	s0 =	sor.u32 s3, s0;
	s1 =	sshll.u32 s1, $0x11  }
0xbc: {  	s0 =	sor.u32 s1, s0  }
0xbd: {  	s0 =	sadd.s32 $0x8F2B, s0  }
0xbe: {  	[sflag:s0] =	ssyncadd.remote.s32 $0x1  }
0xbf: {  	_ =	sfence.sel $0xFFFF  }
0xc0: {  	[dreg:$0x0] =	wrdreg $0xFFFFFFFF;
	(pc) =	sbr.abs _section_cstart, $3  }
0xc1: {  	[dreg:$0x1] =	wrdreg $0xFFFFFFFF  }
0xc2: {  	_ =	task.clear_ibuf [dreg:s7], $0x2FFFF;
	_ =	strace $0x9FFFFFFF  }
0xc3: {  	(tm) =	ssettm $0x7FFFFFFF  }
tec
execute0_lowered:
.L_overlay_start_1:
0x0: {  	(tag) =	ssettag $0x1  }
0x1: {  	s0 =	rddreg [dreg:$0x0]  }
0x2: {  	s1 =	srdreg.scid;
	s11 =	stileid.u32  }
0x3: {  	s2 =	rddreg [dreg:$0x1];
	s7 =	smul.u32 $0x880, s11  }
0x4: {  	s3 =	rddreg [dreg:$0x2];
	s28 =	simm.s32 $0xA700;
	s9 =	smul.u32 $0x11000, s11  }
0x5: {  	s30 =	simm.s32 $0xE700;
	s31 =	simm.s32 $0x2;
	s21 =	smul.u32 $0x190000, s11  }
0x6: {  	s29 =	simm.s32 $0x7;
	s1 =	sand.u32 $0x1, s1;
	s23 =	smul.u32 $0x32000, s11  }
0x7: {  	s4 =	sshll.u32 s11, $0x1;
	s15 =	sshll.u32 s11, $0x6;
	s22 =	smul.u32 $0xC8000, s1  }
0x8: {  	s5 =	sor.u32 s1, s4;
	s8 =	ssub.s32 $0x2, s1;
	s1 =	smul.u32 $0x19000, s1  }
0x9: {  	s4 =	simm.s32 $0x0;
	s17 =	sor.u32 $0x1C01, s15;
	s6 =	smul.u32 $0x1900, s5  }
0xa: {  	[smem:$0x7FF] =	sst s4;
	s10 =	sshrl.u32 s8, $0x1;
	s16 =	smul.u32 $0x19000, s5  }
0xb: {  	s14 =	sshrl.u32 s9, $0x2;
	s18 =	smul.u32 $0xC8000, s5;
	s9 =	sadd.s32 s23, s2  }
0xc: {  	s23 =	simm.s32 $0x80;
	s5 =	simm.s32 $0x9;
	_ =	strace $0x80000047  }
0xd: {  	s12 =	ssub.s32 s8, s10;
	s8 =	sadd.s32 s14, s3;
	[dreg:$0x5] =	wrdreg s17  }
0xe: {  	s26 =	sadd.s32 s22, s21;
	s1 =	sadd.s32 s1, s9;
	s22 =	simm.s32 $0x1  }
0xf: {  	s21 =	simm.s32 $0x6;
	s6 =	sshrl.u32 s6, $0x3;
	s10 =	sadd.s32 s2, s16  }
0x10: {  	s16 =	smax.u32 s12, $0x1;
	s9 =	sadd.s32 $0x10000, s26;
	s26 =	simm.s32 $0x4  }
0x11: {  	s6 =	sadd.s32 s6, s0;
	s0 =	sadd.s32 s7, s0;
	s24 =	sadd.s32 $0x800, s10  }
0x12: {  	s7 =	sadd.s32 $0x2800, s1;
	s0 =	sadd.s32 $0x13800, s0;
	[dreg:$0x9] =	wrdreg s24  }
0x13: {  	s1 =	simm.s32 $0x8;
	s19 =	sadd.s32 $0xC00, s6;
	[dreg:$0x4] =	wrdreg s0  }
0x14: {  	s20 =	sadd.s32 $0x7000, s6;
	s6 =	sadd.s32 $0xD400, s6;
	[dreg:$0x6] =	wrdreg s19  }
0x15: {  	s24 =	simm.s32 $0x5;
	[dreg:$0x7] =	wrdreg s20;
	s0 =	sshrl.u32 s18, $0x3  }
0x16: {  	[dreg:$0x8] =	wrdreg s6;
	s19 =	sshrl.u32 s8, $0x3;
	s0 =	sadd.s32 s2, s0  }
0x17: {  	s20 =	simm.s32 $0x3;
	s6 =	simm.s32 $0x0;
	s25 =	sadd.s32 $0x1000, s0  }
0x18: {  	s13 =	sadd.s32 $0x1800, s0;
	s14 =	sadd.s32 $0x18000, s0;
	s15 =	sadd.s32 $0x18800, s0  }
0x19: {  	s0 =	simm.s32 $0x12700;
	[dreg:$0xa] =	wrdreg s25;
	s25 =	simm.s32 $0x6700  }
.LBB2_1:
0x1a: {  	s8 =	rddreg [dreg:$0x4]  }
0x1b: {  	s11 =	rddreg [dreg:$0x5]  }
0x1c: {  	[spmem:s19], [sflag:s11] =	dma.local [hbm:s8], $0x880  }
0x1d: {  	s8 =	rddreg [dreg:$0x6]  }
0x1e: {  	[tilespmem:s4], [sflag:$0x1] =	stream.linear.gather [hbm4b:s8+s4], $0x1900, $0x38;
	[tilespmem:$0x1AB00] =	vst v63  }
0x1f: {  	s12 =	simm.s32 $0x1900;
	s11 =	rddreg [dreg:$0x7]  }
0x20: {  	[tilespmem:s12], [sflag:$0x1] =	stream.linear.gather [hbm4b:s11+s4], $0x1900, $0x38;
	[tilespmem:$0x1AB00] =	vst v63  }
0x21: {  	s18 =	simm.s32 $0x3200;
	s17 =	rddreg [dreg:$0x8]  }
0x22: {  	[tilespmem:s18], [sflag:$0x1] =	stream.linear.gather [hbm4b:s17+s4], $0x1900, $0x38;
	[tilespmem:$0x1AB00] =	vst v63  }
0x23: {  	_ =	swait.ge [sflag:s22], $0x1900  }
0x24: {  	[sflag:s22] =	ssyncset.done $0x0  }
0x25: {  	[sflag:s22] =	ssyncadd.s32 $0xFFFFE700  }
0x26: {  	_ =	swait.ge [sflag:s22], $0x1900  }
0x27: {  	[sflag:s22] =	ssyncset.done $0x0  }
0x28: {  	[sflag:s22] =	ssyncadd.s32 $0xFFFFE700  }
0x29: {  	_ =	swait.ge [sflag:s22], $0x1900  }
0x2a: {  	[sflag:s22] =	ssyncset.done $0x0  }
0x2b: {  	[sflag:s22] =	ssyncadd.s32 $0xFFFFE700  }
0x2c: {  	v0 =	vld [tilespmem:$0x0]  }
0x2d: {  	v3 =	vld [tilespmem:$0x1900]  }
0x2e: {  	v4 =	vld [tilespmem:$0x3200]  }
0x2f: {  	v8 =	vld [tilespmem:$0x10]  }
0x30: {  	v9 =	vld [tilespmem:$0x1910]  }
0x31: {  	v15 =	vld [tilespmem:$0x3210]  }
0x32: {  	v11 =	vld [tilespmem:$0x20]  }
0x33: {  	v14 =	vld [tilespmem:$0x1920]  }
0x34: {  	v25 =	vld [tilespmem:$0x3220]  }
0x35: {  	v22 =	vld [tilespmem:$0x30]  }
0x36: {  	v23 =	vld [tilespmem:$0x1930]  }
0x37: {  	v28 =	vld [tilespmem:$0x3230]  }
0x38: {  	v29 =	vld [tilespmem:$0x40]  }
0x39: {  	v35 =	vld [tilespmem:$0x1940]  }
0x3a: {  	v37 =	vld [tilespmem:$0x3240]  }
0x3b: {  	v38 =	vld [tilespmem:$0x50]  }
0x3c: {  	v41 =	vld [tilespmem:$0x1950]  }
0x3d: {  	v43 =	vld [tilespmem:$0x3250]  }
0x3e: {  	v50 =	vld [tilespmem:$0x60]  }
0x3f: {  	v51 =	vld [tilespmem:$0x1960]  }
0x40: {  	v52 =	vld [tilespmem:$0x3260]  }
0x41: {  	v53 =	vld [tilespmem:$0x70]  }
0x42: {  	v54 =	vld [tilespmem:$0x1970]  }
0x43: {  	v55 =	vld [tilespmem:$0x3270]  }
0x44: {  	v56 =	vld [tilespmem:$0x80]  }
0x45: {  	v57 =	vld [tilespmem:$0x1980]  }
0x46: {  	v58 =	vld [tilespmem:$0x3280]  }
0x47: {  	v59 =	vld [tilespmem:$0x90]  }
0x48: {  	v60 =	vld [tilespmem:$0x1990]  }
0x49: {  	v61 =	vld [tilespmem:$0x3290]  }
0x4a: {  	v62 =	vld [tilespmem:$0xA0]  }
0x4b: {  	v63 =	vld [tilespmem:$0x19A0]  }
0x4c: {  	v33 =	vld [tilespmem:$0x32A0]  }
0x4d: {  	v6 =	vld [tilespmem:$0xB0]  }
0x4e: {  	v10 =	vld [tilespmem:$0x19B0]  }
0x4f: {  	v32 =	vld [tilespmem:$0x32B0]  }
0x50: {  	v7 =	vld [tilespmem:$0xC0]  }
0x51: {  	v5 =	vld [tilespmem:$0x19C0]  }
0x52: {  	v31 =	vld [tilespmem:$0x32C0]  }
0x53: {  	v17 =	vld [tilespmem:$0xD0]  }
0x54: {  	v19 =	vld [tilespmem:$0x19D0]  }
0x55: {  	v39 =	vld [tilespmem:$0x32D0]  }
0x56: {  	v13 =	vld [tilespmem:$0xE0]  }
0x57: {  	v1 =	vld [tilespmem:$0x3300]  }
0x58: {  	v18 =	vld [tilespmem:$0x19E0]  }
0x59: {  	v40 =	vld [tilespmem:$0x32E0]  }
0x5a: {  	v16 =	vld [tilespmem:$0xF0]  }
0x5b: {  	v12 =	vld [tilespmem:$0x19F0]  }
0x5c: {  	[tilespmem:$0x1FEA0] =	vst v1;
	v1 =	vld [tilespmem:$0x3380]  }
0x5d: {  	v42 =	vld [tilespmem:$0x32F0]  }
0x5e: {  	v27 =	vld [tilespmem:$0x100]  }
0x5f: {  	v26 =	vld [tilespmem:$0x1A00]  }
0x60: {  	v20 =	vld [tilespmem:$0x110]  }
0x61: {  	[tilespmem:$0x1FFB0] =	vst v1;
	v1 =	vld [tilespmem:$0x190]  }
0x62: {  	v30 =	vld [tilespmem:$0x1A10]  }
0x63: {  	v45 =	vld [tilespmem:$0x3310]  }
0x64: {  	v21 =	vld [tilespmem:$0x120]  }
0x65: {  	v34 =	vld [tilespmem:$0x3350]  }
0x66: {  	[tilespmem:$0x1FF40] =	vst v1;
	v1 =	vld [tilespmem:$0x1A90]  }
0x67: {  	v24 =	vld [tilespmem:$0x1A20]  }
0x68: {  	v46 =	vld [tilespmem:$0x3320]  }
0x69: {  	v47 =	vld [tilespmem:$0x3330]  }
0x6a: {  	[tilespmem:$0x1FF30] =	vst v34;
	v34 =	vld [tilespmem:$0x1A60]  }
0x6b: {  	[tilespmem:$0x1FF50] =	vst v1;
	v1 =	vld [tilespmem:$0x3390]  }
0x6c: {  	v49 =	vld [tilespmem:$0x140]  }
0x6d: {  	v44 =	vld [tilespmem:$0x1A40]  }
0x6e: {  	v48 =	vld [tilespmem:$0x3340]  }
0x6f: {  	[tilespmem:$0x1FEE0] =	vst v34;
	v34 =	vld [tilespmem:$0x1A70]  }
0x70: {  	[tilespmem:$0x1FFC0] =	vst v1;
	v1 =	vld [tilespmem:$0x1A0]  }
0x71: {  	v36 =	vld [tilespmem:$0x160]  }
0x72: {  	v2 =	vld [tilespmem:$0x1B0]  }
0x73: {  	[tilespmem:$0x1FEB0] =	vst v45;
	v45 =	vld [tilespmem:$0x130]  }
0x74: {  	[tilespmem:$0x1FEF0] =	vst v34;
	v34 =	vld [tilespmem:$0x3370]  }
0x75: {  	[tilespmem:$0x1FF60] =	vst v1;
	v1 =	vld [tilespmem:$0x1AA0]  }
0x76: {  	[tilespmem:$0x1FEC0] =	vst v46;
	v46 =	vld [tilespmem:$0x1A30]  }
0x77: {  	[tilespmem:$0x1FF10] =	vst v47;
	v47 =	vld [tilespmem:$0x150]  }
0x78: {  	[tilespmem:$0x1FED0] =	vst v36;
	v36 =	vld [tilespmem:$0x3360]  }
0x79: {  	[tilespmem:$0x1FFA0] =	vst v34;
	v34 =	vld [tilespmem:$0x180]  }
0x7a: {  	v7 =	vmul.u32 $0x41, v7;
	v5 =	vmul.u32 $0x5, v5;
	[tilespmem:$0x1FF70] =	vst v1;
	v1 =	vld [tilespmem:$0x33A0]  }
0x7b: {  	[tilespmem:$0x1FF20] =	vst v48;
	v48 =	vld [tilespmem:$0x1A50]  }
0x7c: {  	v5 =	vadd.s32 v7, v5;
	v7 =	vld [tilespmem:$0x210]  }
0x7d: {  	v5 =	vadd.s32 v31, v5;
	v31 =	vld [tilespmem:$0x220];
	[tilespmem:$0x1FF90] =	vst v36  }
0x7e: {  	v36 =	vld [tilespmem:$0x170];
	[tilespmem:$0x1FF00] =	vst v34  }
0x7f: {  	v34 =	vld [tilespmem:$0x1A80];
	[tilespmem:$0x1FFD0] =	vst v1;
	v1 =	vmul.u32 $0x41, v0;
	v0 =	vmul.u32 $0x5, v3  }
0x80: {  	v3 =	vld [tilespmem:$0x1AB0]  }
0x81: {  	[tilespmem:$0x1FF80] =	vst v2;
	v22 =	vmul.u32 $0x41, v22;
	v23 =	vmul.u32 $0x5, v23;
	v2 =	vadd.s32 v1, v0;
	v0 =	vld [tilespmem:$0x33B0]  }
0x82: {  	v1 =	vmul.u32 $0x41, v8;
	v8 =	vmul.u32 $0x5, v9;
	v9 =	vmul.u32 $0x41, v11;
	v11 =	vld [tilespmem:$0x1C0]  }
0x83: {  	v2 =	vadd.s32 v4, v2;
	v4 =	vld [tilespmem:$0x33C0]  }
0x84: {  	v1 =	vadd.s32 v1, v8;
	v8 =	vadd.s32 v22, v23;
	v22 =	vld [tilespmem:$0x1D0]  }
0x85: {  	v23 =	vld [tilespmem:$0x1AD0]  }
0x86: {  	v8 =	vadd.s32 v28, v8;
	v28 =	vld [tilespmem:$0x1F0]  }
0x87: {  	v38 =	vmul.u32 $0x41, v38;
	[tilespmem:$0x1FFE0] =	vst v0;
	v0 =	vmul.u32 $0x5, v14;
	v14 =	vld [tilespmem:$0x1AC0]  }
0x88: {  	v41 =	vmul.u32 $0x5, v41;
	v50 =	vmul.u32 $0x41, v50;
	v51 =	vmul.u32 $0x5, v51;
	[tilespmem:$0x1FFF0] =	vst v4;
	v4 =	vld [tilespmem:$0x33D0]  }
0x89: {  	v0 =	vadd.s32 v9, v0;
	v9 =	vmul.u32 $0x41, v29;
	v29 =	vmul.u32 $0x5, v35;
	v35 =	vld [tilespmem:$0x1E0]  }
0x8a: {  	v1 =	vadd.s32 v15, v1;
	v0 =	vadd.s32 v25, v0;
	v25 =	vadd.s32 v38, v41;
	v38 =	vld [tilespmem:$0x1AE0]  }
0x8b: {  	v41 =	vmul.u32 $0x41, v53;
	v15 =	vadd.s32 v9, v29;
	v29 =	vadd.s32 v50, v51;
	v9 =	vld [tilespmem:$0x33E0]  }
0x8c: {  	v50 =	vmul.u32 $0x5, v54;
	v54 =	vmul.u32 $0x41, v59;
	v59 =	vadd.s32 v43, v25;
	v43 =	vld [tilespmem:$0x1B00]  }
0x8d: {  	v53 =	vmul.u32 $0x5, v57;
	v57 =	vadd.s32 v37, v15;
	v37 =	vld [tilespmem:$0x1AF0]  }
0x8e: {  	v60 =	vmul.u32 $0x5, v60;
	v15 =	vadd.s32 v41, v50;
	v50 =	vld [tilespmem:$0x33F0]  }
0x8f: {  	v51 =	vmul.u32 $0x41, v56;
	v52 =	vadd.s32 v52, v29;
	v41 =	vld [tilespmem:$0x200]  }
0x90: {  	v29 =	vadd.s32 v54, v60;
	v60 =	vmul.u32 $0x5, v63;
	v63 =	vmul.u32 $0x5, v19;
	v19 =	vld [tilespmem:$0x1B10]  }
0x91: {  	v25 =	vadd.s32 v51, v53;
	v53 =	vmul.u32 $0x5, v26;
	v26 =	vld [tilespmem:$0x240]  }
0x92: {  	[tilespmem:$0x4B40] =	vst v57;
	v57 =	vld [tilespmem:$0x1FEB0]  }
0x93: {  	v51 =	vmul.u32 $0x41, v27;
	v27 =	vld [tilespmem:$0x250]  }
0x94: {  	[tilespmem:$0x4B60] =	vst v52;
	v52 =	vmul.u32 $0x5, v44;
	v44 =	vld [tilespmem:$0x3450]  }
0x95: {  	v54 =	vadd.s32 v55, v15;
	v15 =	vld [tilespmem:$0x3400]  }
0x96: {  	v56 =	vadd.s32 v61, v29;
	v29 =	vld [tilespmem:$0x3410]  }
0x97: {  	v11 =	vmul.u32 $0x41, v11;
	v14 =	vmul.u32 $0x5, v14;
	v55 =	vadd.s32 v58, v25;
	v25 =	vld [tilespmem:$0x3420]  }
0x98: {  	v58 =	vmul.u32 $0x41, v20;
	v20 =	vld [tilespmem:$0x260]  }
0x99: {  	v62 =	vmul.u32 $0x41, v62;
	v11 =	vadd.s32 v11, v14;
	v14 =	vld [tilespmem:$0x34A0]  }
0x9a: {  	v6 =	vmul.u32 $0x41, v6;
	v10 =	vmul.u32 $0x5, v10;
	v13 =	vmul.u32 $0x41, v13;
	[tilespmem:$0x4B80] =	vst v55;
	v55 =	vld [tilespmem:$0x1FEA0]  }
0x9b: {  	v45 =	vmul.u32 $0x41, v45;
	v46 =	vmul.u32 $0x5, v46;
	[tilespmem:$0x4B70] =	vst v54;
	v54 =	vmul.u32 $0x5, v48;
	v48 =	vld [tilespmem:$0x1FEF0]  }
0x9c: {  	v18 =	vmul.u32 $0x5, v18;
	[tilespmem:$0x4B20] =	vst v0;
	v0 =	vadd.s32 v51, v53;
	v51 =	vmul.u32 $0x41, v49;
	v49 =	vld [tilespmem:$0x1FF00]  }
0x9d: {  	v61 =	vadd.s32 v62, v60;
	v62 =	vmul.u32 $0x41, v17;
	v17 =	vadd.s32 v45, v46;
	v46 =	vld [tilespmem:$0x270]  }
0x9e: {  	v53 =	vmul.u32 $0x41, v47;
	v47 =	vld [tilespmem:$0x1FFB0]  }
0x9f: {  	v6 =	vadd.s32 v6, v10;
	[tilespmem:$0x4B00] =	vst v2;
	v2 =	vadd.s32 v33, v61;
	v33 =	vadd.s32 v13, v18;
	v13 =	vld [tilespmem:$0x1B20]  }
0xa0: {  	v6 =	vadd.s32 v32, v6;
	v61 =	vmul.u32 $0x41, v21;
	v21 =	vld [tilespmem:$0x230]  }
0xa1: {  	v60 =	vmul.u32 $0x5, v30;
	v32 =	vadd.s32 v62, v63;
	v62 =	vmul.u32 $0x5, v24;
	v24 =	vld [tilespmem:$0x1B30]  }
0xa2: {  	v10 =	vadd.s32 v40, v33;
	v33 =	vld [tilespmem:$0x1B40]  }
0xa3: {  	[tilespmem:$0x4B30] =	vst v8;
	v8 =	vadd.s32 v58, v60;
	v58 =	vld [tilespmem:$0x1FEC0]  }
0xa4: {  	v40 =	vld [tilespmem:$0x3440]  }
0xa5: {  	[tilespmem:$0x4B50] =	vst v59;
	v59 =	vadd.s32 v51, v52;
	v51 =	vld [tilespmem:$0x1FF10]  }
0xa6: {  	v52 =	vld [tilespmem:$0x1FF20]  }
0xa7: {  	v60 =	vadd.s32 v53, v54;
	v53 =	vld [tilespmem:$0x1FF30]  }
0xa8: {  	[tilespmem:$0x4B10] =	vst v1;
	v1 =	vadd.s32 v39, v32;
	v39 =	vld [tilespmem:$0x3430]  }
0xa9: {  	v8 =	vadd.s32 v57, v8;
	v57 =	vld [tilespmem:$0x1FF40]  }
0xaa: {  	v16 =	vmul.u32 $0x41, v16;
	v12 =	vmul.u32 $0x5, v12;
	v63 =	vadd.s32 v61, v62;
	v61 =	vld [tilespmem:$0x1FED0]  }
0xab: {  	v62 =	vld [tilespmem:$0x1FEE0]  }
0xac: {  	v12 =	vadd.s32 v16, v12;
	v16 =	vadd.s32 v58, v63;
	v63 =	vmul.u32 $0x41, v36;
	v36 =	vld [tilespmem:$0x1B50]  }
0xad: {  	v12 =	vadd.s32 v42, v12;
	v34 =	vmul.u32 $0x5, v34;
	v42 =	vmul.u32 $0x41, v49;
	v58 =	vld [tilespmem:$0x1FF50]  }
0xae: {  	[tilespmem:$0x4BC0] =	vst v5;
	v5 =	vadd.s32 v51, v17;
	v17 =	vadd.s32 v52, v59;
	v59 =	vld [tilespmem:$0x1FF60]  }
0xaf: {  	[tilespmem:$0x4B90] =	vst v56;
	v56 =	vadd.s32 v42, v34;
	v42 =	vld [tilespmem:$0x3460]  }
0xb0: {  	v18 =	vadd.s32 v53, v60;
	v60 =	vld [tilespmem:$0x1FF70]  }
0xb1: {  	v51 =	vmul.u32 $0x41, v22;
	v22 =	vld [tilespmem:$0x280]  }
0xb2: {  	[tilespmem:$0x4BB0] =	vst v6;
	v52 =	vmul.u32 $0x5, v23;
	v23 =	vld [tilespmem:$0x34C0]  }
0xb3: {  	[tilespmem:$0x4BE0] =	vst v10;
	v10 =	vmul.u32 $0x41, v57;
	v57 =	vld [tilespmem:$0x1FFE0]  }
0xb4: {  	[tilespmem:$0x4C40] =	vst v17;
	v17 =	vld [tilespmem:$0x3480]  }
0xb5: {  	[tilespmem:$0x4C20] =	vst v16;
	v16 =	vld [tilespmem:$0x290]  }
0xb6: {  	v7 =	vmul.u32 $0x41, v7;
	[tilespmem:$0x4BA0] =	vst v2;
	v6 =	vmul.u32 $0x5, v48;
	v2 =	vmul.u32 $0x41, v61;
	v61 =	vld [tilespmem:$0x1FF80]  }
0xb7: {  	v3 =	vmul.u32 $0x5, v3;
	v19 =	vmul.u32 $0x5, v19;
	v30 =	vmul.u32 $0x5, v62;
	v62 =	vld [tilespmem:$0x1FF90]  }
0xb8: {  	v0 =	vadd.s32 v55, v0;
	[tilespmem:$0x4C30] =	vst v5;
	v55 =	vadd.s32 v63, v6;
	v63 =	vld [tilespmem:$0x1FFA0];
	v5 =	vadd.s32 v51, v52  }
0xb9: {  	[tilespmem:$0x4BF0] =	vst v12;
	v7 =	vadd.s32 v7, v19;
	v53 =	vmul.u32 $0x41, v35;
	v6 =	vld [tilespmem:$0x1B70];
	v4 =	vadd.s32 v4, v5  }
0xba: {  	[tilespmem:$0x4BD0] =	vst v1;
	v51 =	vld [tilespmem:$0x1BB0];
	v54 =	vadd.s32 v2, v30;
	v2 =	vadd.s32 v47, v56;
	v47 =	vmul.u32 $0x41, v26  }
0xbb: {  	[tilespmem:$0x4C10] =	vst v8;
	v30 =	vld [tilespmem:$0x1B60];
	v32 =	vmul.u32 $0x5, v58;
	v34 =	vmul.u32 $0x41, v59;
	v12 =	vmul.u32 $0x5, v60  }
0xbc: {  	[tilespmem:$0x4C00] =	vst v0;
	v56 =	vld [tilespmem:$0x1FFD0];
	v59 =	vmul.u32 $0x41, v28;
	v60 =	vmul.u32 $0x5, v37;
	v45 =	vmul.u32 $0x41, v61  }
0xbd: {  	[tilespmem:$0x4C50] =	vst v18;
	v26 =	vld [tilespmem:$0x2D0];
	v0 =	vadd.s32 v62, v54;
	v1 =	vadd.s32 v63, v55;
	v48 =	vadd.s32 v10, v32  }
0xbe: {  	[tilespmem:$0x4CD0] =	vst v4;
	v28 =	vld [tilespmem:$0x1B90];
	v49 =	vadd.s32 v34, v12;
	v54 =	vmul.u32 $0x5, v38;
	v61 =	vmul.u32 $0x41, v41  }
0xbf: {  	[tilespmem:$0x4C80] =	vst v2;
	v37 =	vld [tilespmem:$0x1BA0];
	v62 =	vmul.u32 $0x5, v43;
	v38 =	vmul.u32 $0x41, v31;
	v41 =	vmul.u32 $0x5, v13  }
0xc0: {  	v12 =	vld [tilespmem:$0x3470];
	v43 =	vmul.u32 $0x41, v21;
	v6 =	vmul.u32 $0x5, v6;
	v31 =	vmul.u32 $0x41, v22;
	[tilespmem:$0x4C60] =	vst v0  }
0xc1: {  	v34 =	vld [tilespmem:$0x1B80];
	[tilespmem:$0x4C70] =	vst v1;
	v0 =	vadd.s32 v59, v60;
	v60 =	vmul.u32 $0x41, v46;
	v10 =	vadd.s32 v56, v49  }
0xc2: {  	v55 =	vld [tilespmem:$0x1FFC0];
	v3 =	vadd.s32 v45, v3;
	v58 =	vadd.s32 v53, v54;
	v0 =	vadd.s32 v50, v0;
	[tilespmem:$0x4CA0] =	vst v10  }
0xc3: {  	v63 =	vld [tilespmem:$0x1FFF0];
	v1 =	vadd.s32 v61, v62;
	v45 =	vmul.u32 $0x5, v24;
	v50 =	vadd.s32 v29, v7;
	[tilespmem:$0x4CF0] =	vst v0  }
0xc4: {  	v32 =	vld [tilespmem:$0x3490];
	v52 =	vadd.s32 v38, v41;
	v56 =	vmul.u32 $0x5, v36;
	v3 =	vadd.s32 v57, v3;
	[tilespmem:$0x4D10] =	vst v50  }
0xc5: {  	v49 =	vld [tilespmem:$0x2B0];
	v59 =	vmul.u32 $0x5, v30;
	v7 =	vmul.u32 $0x5, v51;
	v35 =	vadd.s32 v9, v58;
	[tilespmem:$0x4CB0] =	vst v3  }
0xc6: {  	v54 =	vld [tilespmem:$0x34B0];
	v1 =	vadd.s32 v15, v1;
	v57 =	vmul.u32 $0x41, v20;
	v62 =	vadd.s32 v25, v52;
	[tilespmem:$0x4CE0] =	vst v35  }
0xc7: {  	v61 =	vld [tilespmem:$0x1BC0];
	v25 =	vadd.s32 v60, v6;
	v36 =	vmul.u32 $0x5, v28;
	v3 =	vadd.s32 v43, v45;
	[tilespmem:$0x4D00] =	vst v1  }
0xc8: {  	v30 =	vld [tilespmem:$0x1BD0];
	[tilespmem:$0x4D20] =	vst v62;
	v8 =	vadd.s32 v55, v48;
	v2 =	vadd.s32 v63, v11;
	v48 =	vmul.u32 $0x5, v33  }
0xc9: {  	v9 =	vld [tilespmem:$0x2A0];
	v55 =	vmul.u32 $0x41, v27;
	v3 =	vadd.s32 v39, v3;
	v0 =	vadd.s32 v57, v59;
	[tilespmem:$0x4C90] =	vst v8  }
0xca: {  	v58 =	vld [tilespmem:$0x2C0];
	v29 =	vadd.s32 v12, v25;
	v33 =	vmul.u32 $0x5, v34;
	v34 =	vmul.u32 $0x41, v16;
	[tilespmem:$0x4CC0] =	vst v2  }
0xcb: {  	v35 =	vld [tilespmem:$0x2E0];
	v0 =	vadd.s32 v42, v0;
	[tilespmem:$0x4D30] =	vst v3;
	v8 =	vmul.u32 $0x5, v37;
	v53 =	vadd.s32 v47, v48  }
0xcc: {  	v37 =	vld [tilespmem:$0x1BE0];
	[tilespmem:$0x4D70] =	vst v29;
	v24 =	vadd.s32 v55, v56;
	v38 =	vadd.s32 v31, v33;
	v39 =	vmul.u32 $0x41, v49  }
0xcd: {  	[tilespmem:$0x4D60] =	vst v0;
	v42 =	vadd.s32 v34, v36;
	v47 =	vmul.u32 $0x5, v61;
	v63 =	vadd.s32 v40, v53;
	v40 =	vld [tilespmem:$0x2F0]  }
0xce: {  	v5 =	vmul.u32 $0x5, v30;
	v27 =	vadd.s32 v44, v24;
	v9 =	vmul.u32 $0x41, v9;
	v44 =	vld [tilespmem:$0x1BF0];
	[tilespmem:$0x4D40] =	vst v63  }
0xcf: {  	v48 =	vld [tilespmem:$0x34D0];
	v41 =	vadd.s32 v17, v38;
	v46 =	vmul.u32 $0x41, v58;
	v49 =	vadd.s32 v32, v42;
	[tilespmem:$0x4D50] =	vst v27  }
0xd0: {  	v51 =	vld [tilespmem:$0x34E0];
	v53 =	vmul.u32 $0x41, v26;
	v45 =	vadd.s32 v39, v7;
	[tilespmem:$0x4D80] =	vst v41;
	v55 =	vmul.u32 $0x41, v35  }
0xd1: {  	[tilespmem:$0x4D90] =	vst v49;
	v43 =	vadd.s32 v9, v8;
	v2 =	vadd.s32 v54, v45;
	v52 =	vadd.s32 v46, v47;
	v54 =	vld [tilespmem:$0x34F0]  }
0xd2: {  	v57 =	vadd.s32 v53, v5;
	v50 =	vadd.s32 v14, v43;
	v56 =	vmul.u32 $0x5, v37;
	[tilespmem:$0x4DB0] =	vst v2  }
0xd3: {  	v0 =	vadd.s32 v23, v52;
	[tilespmem:$0x4DA0] =	vst v50;
	v58 =	vmul.u32 $0x41, v40;
	v59 =	vmul.u32 $0x5, v44  }
0xd4: {  	[tilespmem:$0x4DC0] =	vst v0;
	v60 =	vadd.s32 v48, v57;
	v1 =	vadd.s32 v55, v56  }
0xd5: {  	[tilespmem:$0x4DD0] =	vst v60;
	v61 =	vadd.s32 v51, v1;
	v62 =	vadd.s32 v58, v59  }
0xd6: {  	[tilespmem:$0x4DE0] =	vst v61;
	v63 =	vadd.s32 v54, v62  }
0xd7: {  	[tilespmem:$0x4DF0] =	vst v63  }
0xd8: {  	_ =	swait.ge [sflag:s22], $0x880  }
0xd9: {  	[sflag:s22] =	ssyncset.done $0x0  }
0xda: {  	[sflag:s22] =	ssyncadd.s32 $0xFFFFF780  }
0xdb: {  	s11 =	simm.s32 $0x4B00;
	[bflag:$0x0] =	sbarrier.arrive $0xFFFF  }
0xdc: {  	[tilespmem:s25], [sflag:$0x2] =	stream.indirect.gather [spmem:s3], $0x80, s11, s23, $0xb8;
	[tilespmem:$0x1AB00] =	vst v63  }
0xdd: {  	s12 =	simm.s32 $0x4B80  }
0xde: {  	[tilespmem:s28], [sflag:$0x3] =	stream.indirect.gather [spmem:s3], $0x80, s12, s23, $0xb8;
	[tilespmem:$0x1AB00] =	vst v63  }
0xdf: {  	s17 =	simm.s32 $0x4C00  }
0xe0: {  	[tilespmem:s30], [sflag:$0x4] =	stream.indirect.gather [spmem:s3], $0x80, s17, s23, $0xb8;
	[tilespmem:$0x1AB00] =	vst v63  }
0xe1: {  	_ =	swait.ge [sflag:s31], $0x4000  }
0xe2: {  	[sflag:s31] =	ssyncset.done $0x0  }
0xe3: {  	[sflag:s31] =	ssyncadd.s32 $0xFFFFC000  }
0xe4: {  	[hbm4b:s10+s4] =	stream.linear.scatter [tilespmem:s25], [sflag:$0x6], $0x4000, $0x38;
	[tilespmem:$0x1AB00] =	vst v63  }
0xe5: {  	s18 =	simm.s32 $0x4C80  }
0xe6: {  	[tilespmem:s0], [sflag:$0x5] =	stream.indirect.gather [spmem:s3], $0x80, s18, s23, $0xb8;
	[tilespmem:$0x1AB00] =	vst v63  }
0xe7: {  	_ =	swait.ge [sflag:s20], $0x4000  }
0xe8: {  	[sflag:s20] =	ssyncset.done $0x0  }
0xe9: {  	s11 =	rddreg [dreg:$0x9];
	[sflag:s20] =	ssyncadd.s32 $0xFFFFC000  }
0xea: {  	[hbm4b:s11+s4] =	stream.linear.scatter [tilespmem:s28], [sflag:$0x7], $0x4000, $0x38;
	[tilespmem:$0x1AB00] =	vst v63  }
0xeb: {  	_ =	swait.ge [sflag:s21], $0x4000  }
0xec: {  	[sflag:s21] =	ssyncset.done $0x0  }
0xed: {  	s12 =	simm.s32 $0x4D00;
	[sflag:s21] =	ssyncadd.s32 $0xFFFFC000  }
0xee: {  	[tilespmem:s25], [sflag:$0x2] =	stream.indirect.gather [spmem:s3], $0x80, s12, s23, $0xb8;
	[tilespmem:$0x1AB00] =	vst v63  }
0xef: {  	_ =	swait.ge [sflag:s26], $0x4000  }
0xf0: {  	[sflag:s26] =	ssyncset.done $0x0  }
0xf1: {  	s17 =	rddreg [dreg:$0xa];
	[sflag:s26] =	ssyncadd.s32 $0xFFFFC000  }
0xf2: {  	[hbm4b:s17+s4] =	stream.linear.scatter [tilespmem:s30], [sflag:$0x8], $0x4000, $0x38;
	[tilespmem:$0x1AB00] =	vst v63  }
0xf3: {  	_ =	swait.ge [sflag:s29], $0x4000  }
0xf4: {  	[sflag:s29] =	ssyncset.done $0x0  }
0xf5: {  	s18 =	simm.s32 $0x4D80;
	[sflag:s29] =	ssyncadd.s32 $0xFFFFC000  }
0xf6: {  	[tilespmem:s28], [sflag:$0x3] =	stream.indirect.gather [spmem:s3], $0x80, s18, s23, $0xb8;
	[tilespmem:$0x1AB00] =	vst v63  }
0xf7: {  	_ =	swait.ge [sflag:s24], $0x4000  }
0xf8: {  	s8 =	simm.s32 $0x0;
	[sflag:s24] =	ssyncset.done $0x0  }
0xf9: {  	s17 =	smov.u32 s9;
	s18 =	smov.u32 s7;
	[sflag:s24] =	ssyncadd.s32 $0xFFFFC000  }
0xfa: {  	[hbm4b:s13+s4] =	stream.linear.scatter [tilespmem:s0], [sflag:$0x9], $0x4000, $0x38;
	[tilespmem:$0x1AB00] =	vst v63  }
.LBB2_2:
0xfb: {  	s11 =	sshra.s32 s8, $0x2  }
0xfc: {  	v0 =	vld [tilespmem:s11+$0x300]  }
0xfd: {  	v1 =	vld [tilespmem:s11+$0x1C00]  }
0xfe: {  	v2 =	vld [tilespmem:s11+$0x3500]  }
0xff: {  	v3 =	vld [tilespmem:s11+$0x310]  }
0x100: {  	v4 =	vld [tilespmem:s11+$0x1C10]  }
0x101: {  	v5 =	vld [tilespmem:s11+$0x3510]  }
0x102: {  	v6 =	vld [tilespmem:s11+$0x320]  }
0x103: {  	v7 =	vld [tilespmem:s11+$0x1C20]  }
0x104: {  	v8 =	vld [tilespmem:s11+$0x3520]  }
0x105: {  	v9 =	vld [tilespmem:s11+$0x330]  }
0x106: {  	v10 =	vld [tilespmem:s11+$0x1C30]  }
0x107: {  	v11 =	vld [tilespmem:s11+$0x3530]  }
0x108: {  	v12 =	vld [tilespmem:s11+$0x340]  }
0x109: {  	v13 =	vld [tilespmem:s11+$0x1C40]  }
0x10a: {  	v15 =	vld [tilespmem:s11+$0x350]  }
0x10b: {  	v16 =	vld [tilespmem:s11+$0x1C50]  }
0x10c: {  	v17 =	vld [tilespmem:s11+$0x360]  }
0x10d: {  	v18 =	vld [tilespmem:s11+$0x1C60];
	v0 =	vmul.u32 $0x41, v0;
	v1 =	vmul.u32 $0x5, v1;
	v3 =	vmul.u32 $0x41, v3  }
0x10e: {  	v57 =	vld [tilespmem:s11+$0x370];
	v4 =	vmul.u32 $0x5, v4;
	v6 =	vmul.u32 $0x41, v6;
	v7 =	vmul.u32 $0x5, v7  }
0x10f: {  	v60 =	vld [tilespmem:s11+$0x1C70];
	v55 =	vmul.u32 $0x41, v9;
	v56 =	vmul.u32 $0x5, v10;
	v61 =	vmul.u32 $0x41, v12  }
0x110: {  	v63 =	vld [tilespmem:s11+$0x3550];
	v62 =	vmul.u32 $0x5, v13;
	v21 =	vmul.u32 $0x41, v15;
	v0 =	vadd.s32 v0, v1  }
0x111: {  	v19 =	vld [tilespmem:s11+$0x3560];
	v22 =	vmul.u32 $0x5, v16;
	v58 =	vadd.s32 v3, v4;
	v0 =	vadd.s32 v2, v0  }
0x112: {  	v14 =	vld [tilespmem:s11+$0x3540];
	v24 =	vmul.u32 $0x41, v17;
	v59 =	vadd.s32 v6, v7;
	v12 =	vadd.s32 v5, v58;
	[tilespmem:s11+$0x4E00] =	vst v0  }
0x113: {  	v23 =	vld [tilespmem:s11+$0x3570];
	v25 =	vmul.u32 $0x5, v18;
	v1 =	vadd.s32 v55, v56;
	v13 =	vadd.s32 v8, v59;
	[tilespmem:s11+$0x4E10] =	vst v12  }
0x114: {  	v27 =	vmul.u32 $0x41, v57;
	v26 =	vadd.s32 v21, v22;
	v1 =	vadd.s32 v11, v1;
	[tilespmem:s11+$0x4E20] =	vst v13  }
0x115: {  	v4 =	vmul.u32 $0x5, v60;
	v29 =	vadd.s32 v24, v25;
	v28 =	vadd.s32 v63, v26;
	[tilespmem:s11+$0x4E30] =	vst v1  }
0x116: {  	v20 =	vadd.s32 v61, v62;
	v30 =	vadd.s32 v19, v29;
	[tilespmem:s11+$0x4E50] =	vst v28  }
0x117: {  	v0 =	vadd.s32 v14, v20;
	v31 =	vadd.s32 v27, v4;
	[tilespmem:s11+$0x4E60] =	vst v30  }
0x118: {  	[tilespmem:s11+$0x4E40] =	vst v0;
	v32 =	vadd.s32 v23, v31  }
0x119: {  	[tilespmem:s11+$0x4E70] =	vst v32  }
0x11a: {  	_ =	swait.ge [sflag:s1], $0x4000  }
0x11b: {  	[sflag:s1] =	ssyncset.done $0x0  }
0x11c: {  	s12 =	sadd.s32 $0x4E00, s11;
	[sflag:s1] =	ssyncadd.s32 $0xFFFFC000  }
0x11d: {  	[tilespmem:s30], [sflag:$0x4] =	stream.indirect.gather [spmem:s3], $0x80, s12, s23, $0xb8;
	[tilespmem:$0x1AB00] =	vst v63  }
0x11e: {  	_ =	swait.ge [sflag:s31], $0x4000  }
0x11f: {  	s12 =	sshrl.u32 s17, $0x3;
	[sflag:s31] =	ssyncset.done $0x0  }
0x120: {  	s12 =	sadd.s32 s2, s12;
	[sflag:s31] =	ssyncadd.s32 $0xFFFFC000  }
0x121: {  	[hbm4b:s12+s4] =	stream.linear.scatter [tilespmem:s25], [sflag:$0x6], $0x4000, $0x38;
	[tilespmem:$0x1AB00] =	vst v63  }
0x122: {  	v33 =	vld [tilespmem:s11+$0x380]  }
0x123: {  	v34 =	vld [tilespmem:s11+$0x1C80]  }
0x124: {  	v35 =	vld [tilespmem:s11+$0x3580]  }
0x125: {  	v36 =	vld [tilespmem:s11+$0x390]  }
0x126: {  	v37 =	vld [tilespmem:s11+$0x1C90]  }
0x127: {  	v38 =	vld [tilespmem:s11+$0x3590]  }
0x128: {  	v39 =	vld [tilespmem:s11+$0x3A0]  }
0x129: {  	v40 =	vld [tilespmem:s11+$0x1CA0]  }
0x12a: {  	v41 =	vld [tilespmem:s11+$0x35A0]  }
0x12b: {  	v42 =	vld [tilespmem:s11+$0x3B0]  }
0x12c: {  	v43 =	vld [tilespmem:s11+$0x1CB0]  }
0x12d: {  	v44 =	vld [tilespmem:s11+$0x35B0]  }
0x12e: {  	v45 =	vld [tilespmem:s11+$0x3C0]  }
0x12f: {  	v46 =	vld [tilespmem:s11+$0x1CC0]  }
0x130: {  	v48 =	vld [tilespmem:s11+$0x3D0]  }
0x131: {  	v49 =	vld [tilespmem:s11+$0x1CD0]  }
0x132: {  	v50 =	vld [tilespmem:s11+$0x3E0]  }
0x133: {  	v51 =	vld [tilespmem:s11+$0x1CE0];
	v0 =	vmul.u32 $0x41, v33;
	v1 =	vmul.u32 $0x5, v34;
	v3 =	vmul.u32 $0x41, v36  }
0x134: {  	v54 =	vld [tilespmem:s11+$0x3F0];
	v4 =	vmul.u32 $0x5, v37;
	v6 =	vmul.u32 $0x41, v39;
	v7 =	vmul.u32 $0x5, v40  }
0x135: {  	v57 =	vld [tilespmem:s11+$0x1CF0];
	v52 =	vmul.u32 $0x41, v42;
	v53 =	vmul.u32 $0x5, v43;
	v58 =	vmul.u32 $0x41, v45  }
0x136: {  	v60 =	vld [tilespmem:s11+$0x35D0];
	v59 =	vmul.u32 $0x5, v46;
	v13 =	vmul.u32 $0x41, v48;
	v0 =	vadd.s32 v0, v1  }
0x137: {  	v63 =	vld [tilespmem:s11+$0x35E0];
	v15 =	vmul.u32 $0x5, v49;
	v55 =	vadd.s32 v3, v4;
	v0 =	vadd.s32 v35, v0  }
0x138: {  	v47 =	vld [tilespmem:s11+$0x35C0];
	v19 =	vmul.u32 $0x41, v50;
	v56 =	vadd.s32 v6, v7;
	v61 =	vadd.s32 v38, v55;
	[tilespmem:s11+$0x4E80] =	vst v0  }
0x139: {  	v16 =	vld [tilespmem:s11+$0x35F0];
	v20 =	vmul.u32 $0x5, v51;
	v1 =	vadd.s32 v52, v53;
	v62 =	vadd.s32 v41, v56;
	[tilespmem:s11+$0x4E90] =	vst v61  }
0x13a: {  	v22 =	vmul.u32 $0x41, v54;
	v21 =	vadd.s32 v13, v15;
	v1 =	vadd.s32 v44, v1;
	[tilespmem:s11+$0x4EA0] =	vst v62  }
0x13b: {  	v4 =	vmul.u32 $0x5, v57;
	v24 =	vadd.s32 v19, v20;
	v23 =	vadd.s32 v60, v21;
	[tilespmem:s11+$0x4EB0] =	vst v1  }
0x13c: {  	v12 =	vadd.s32 v58, v59;
	v25 =	vadd.s32 v63, v24;
	[tilespmem:s11+$0x4ED0] =	vst v23  }
0x13d: {  	v0 =	vadd.s32 v47, v12;
	v26 =	vadd.s32 v22, v4;
	[tilespmem:s11+$0x4EE0] =	vst v25  }
0x13e: {  	[tilespmem:s11+$0x4EC0] =	vst v0;
	v27 =	vadd.s32 v16, v26  }
0x13f: {  	[tilespmem:s11+$0x4EF0] =	vst v27  }
0x140: {  	_ =	swait.ge [sflag:s5], $0x4000  }
0x141: {  	[sflag:s5] =	ssyncset.done $0x0  }
0x142: {  	s12 =	sadd.s32 $0x4E80, s11;
	[sflag:s5] =	ssyncadd.s32 $0xFFFFC000  }
0x143: {  	[tilespmem:s0], [sflag:$0x5] =	stream.indirect.gather [spmem:s3], $0x80, s12, s23, $0xb8;
	[tilespmem:$0x1AB00] =	vst v63  }
0x144: {  	_ =	swait.ge [sflag:s20], $0x4000  }
0x145: {  	[sflag:s20] =	ssyncset.done $0x0  }
0x146: {  	[sflag:s20] =	ssyncadd.s32 $0xFFFFC000  }
0x147: {  	[hbm4b:s18+s4] =	stream.linear.scatter [tilespmem:s28], [sflag:$0x7], $0x4000, $0x38;
	[tilespmem:$0x1AB00] =	vst v63  }
0x148: {  	v28 =	vld [tilespmem:s11+$0x400]  }
0x149: {  	v29 =	vld [tilespmem:s11+$0x1D00]  }
0x14a: {  	v30 =	vld [tilespmem:s11+$0x3600]  }
0x14b: {  	v31 =	vld [tilespmem:s11+$0x410]  }
0x14c: {  	v32 =	vld [tilespmem:s11+$0x1D10]  }
0x14d: {  	v33 =	vld [tilespmem:s11+$0x3610]  }
0x14e: {  	v34 =	vld [tilespmem:s11+$0x420]  }
0x14f: {  	v35 =	vld [tilespmem:s11+$0x1D20]  }
0x150: {  	v36 =	vld [tilespmem:s11+$0x3620]  }
0x151: {  	v37 =	vld [tilespmem:s11+$0x430]  }
0x152: {  	v38 =	vld [tilespmem:s11+$0x1D30]  }
0x153: {  	v39 =	vld [tilespmem:s11+$0x3630]  }
0x154: {  	v40 =	vld [tilespmem:s11+$0x440]  }
0x155: {  	v41 =	vld [tilespmem:s11+$0x1D40]  }
0x156: {  	v43 =	vld [tilespmem:s11+$0x450]  }
0x157: {  	v44 =	vld [tilespmem:s11+$0x1D50]  }
0x158: {  	v45 =	vld [tilespmem:s11+$0x460]  }
0x159: {  	v46 =	vld [tilespmem:s11+$0x1D60];
	v0 =	vmul.u32 $0x41, v28;
	v1 =	vmul.u32 $0x5, v29;
	v3 =	vmul.u32 $0x41, v31  }
0x15a: {  	v49 =	vld [tilespmem:s11+$0x470];
	v4 =	vmul.u32 $0x5, v32;
	v6 =	vmul.u32 $0x41, v34;
	v7 =	vmul.u32 $0x5, v35  }
0x15b: {  	v52 =	vld [tilespmem:s11+$0x1D70];
	v47 =	vmul.u32 $0x41, v37;
	v48 =	vmul.u32 $0x5, v38;
	v53 =	vmul.u32 $0x41, v40  }
0x15c: {  	v55 =	vld [tilespmem:s11+$0x3650];
	v54 =	vmul.u32 $0x5, v41;
	v60 =	vmul.u32 $0x41, v43;
	v0 =	vadd.s32 v0, v1  }
0x15d: {  	v58 =	vld [tilespmem:s11+$0x3660];
	v61 =	vmul.u32 $0x5, v44;
	v50 =	vadd.s32 v3, v4;
	v0 =	vadd.s32 v30, v0  }
0x15e: {  	v42 =	vld [tilespmem:s11+$0x3640];
	v63 =	vmul.u32 $0x41, v45;
	v51 =	vadd.s32 v6, v7;
	v56 =	vadd.s32 v33, v50;
	[tilespmem:s11+$0x4F00] =	vst v0  }
0x15f: {  	v62 =	vld [tilespmem:s11+$0x3670];
	v12 =	vmul.u32 $0x5, v46;
	v1 =	vadd.s32 v47, v48;
	v57 =	vadd.s32 v36, v51;
	[tilespmem:s11+$0x4F10] =	vst v56  }
0x160: {  	v14 =	vmul.u32 $0x41, v49;
	v13 =	vadd.s32 v60, v61;
	v1 =	vadd.s32 v39, v1;
	[tilespmem:s11+$0x4F20] =	vst v57  }
0x161: {  	v4 =	vmul.u32 $0x5, v52;
	v16 =	vadd.s32 v63, v12;
	v15 =	vadd.s32 v55, v13;
	[tilespmem:s11+$0x4F30] =	vst v1  }
0x162: {  	v59 =	vadd.s32 v53, v54;
	v17 =	vadd.s32 v58, v16;
	[tilespmem:s11+$0x4F50] =	vst v15  }
0x163: {  	v0 =	vadd.s32 v42, v59;
	v18 =	vadd.s32 v14, v4;
	[tilespmem:s11+$0x4F60] =	vst v17  }
0x164: {  	[tilespmem:s11+$0x4F40] =	vst v0;
	v19 =	vadd.s32 v62, v18  }
0x165: {  	[tilespmem:s11+$0x4F70] =	vst v19  }
0x166: {  	_ =	swait.ge [sflag:s21], $0x4000  }
0x167: {  	[sflag:s21] =	ssyncset.done $0x0  }
0x168: {  	s12 =	sadd.s32 $0x4F00, s11;
	[sflag:s21] =	ssyncadd.s32 $0xFFFFC000  }
0x169: {  	[tilespmem:s25], [sflag:$0x2] =	stream.indirect.gather [spmem:s3], $0x80, s12, s23, $0xb8;
	[tilespmem:$0x1AB00] =	vst v63  }
0x16a: {  	_ =	swait.ge [sflag:s26], $0x4000  }
0x16b: {  	[sflag:s26] =	ssyncset.done $0x0  }
0x16c: {  	s12 =	sadd.s32 $0x800, s18;
	[sflag:s26] =	ssyncadd.s32 $0xFFFFC000  }
0x16d: {  	[hbm4b:s12+s4] =	stream.linear.scatter [tilespmem:s30], [sflag:$0x8], $0x4000, $0x38;
	[tilespmem:$0x1AB00] =	vst v63  }
0x16e: {  	v20 =	vld [tilespmem:s11+$0x480]  }
0x16f: {  	v21 =	vld [tilespmem:s11+$0x1D80]  }
0x170: {  	v22 =	vld [tilespmem:s11+$0x3680]  }
0x171: {  	v23 =	vld [tilespmem:s11+$0x490]  }
0x172: {  	v24 =	vld [tilespmem:s11+$0x1D90]  }
0x173: {  	v25 =	vld [tilespmem:s11+$0x3690]  }
0x174: {  	v26 =	vld [tilespmem:s11+$0x4A0]  }
0x175: {  	v27 =	vld [tilespmem:s11+$0x1DA0]  }
0x176: {  	v28 =	vld [tilespmem:s11+$0x36A0]  }
0x177: {  	v29 =	vld [tilespmem:s11+$0x4B0]  }
0x178: {  	v30 =	vld [tilespmem:s11+$0x1DB0]  }
0x179: {  	v31 =	vld [tilespmem:s11+$0x36B0]  }
0x17a: {  	v32 =	vld [tilespmem:s11+$0x4C0]  }
0x17b: {  	v33 =	vld [tilespmem:s11+$0x1DC0]  }
0x17c: {  	v35 =	vld [tilespmem:s11+$0x4D0]  }
0x17d: {  	v36 =	vld [tilespmem:s11+$0x1DD0]  }
0x17e: {  	v37 =	vld [tilespmem:s11+$0x4E0]  }
0x17f: {  	v38 =	vld [tilespmem:s11+$0x1DE0];
	v0 =	vmul.u32 $0x41, v20;
	v1 =	vmul.u32 $0x5, v21;
	v3 =	vmul.u32 $0x41, v23  }
0x180: {  	v41 =	vld [tilespmem:s11+$0x4F0];
	v4 =	vmul.u32 $0x5, v24;
	v6 =	vmul.u32 $0x41, v26;
	v7 =	vmul.u32 $0x5, v27  }
0x181: {  	v44 =	vld [tilespmem:s11+$0x1DF0];
	v39 =	vmul.u32 $0x41, v29;
	v40 =	vmul.u32 $0x5, v30;
	v45 =	vmul.u32 $0x41, v32  }
0x182: {  	v47 =	vld [tilespmem:s11+$0x36D0];
	v46 =	vmul.u32 $0x5, v33;
	v52 =	vmul.u32 $0x41, v35;
	v0 =	vadd.s32 v0, v1  }
0x183: {  	v50 =	vld [tilespmem:s11+$0x36E0];
	v53 =	vmul.u32 $0x5, v36;
	v42 =	vadd.s32 v3, v4;
	v0 =	vadd.s32 v22, v0  }
0x184: {  	v34 =	vld [tilespmem:s11+$0x36C0];
	v55 =	vmul.u32 $0x41, v37;
	v43 =	vadd.s32 v6, v7;
	v48 =	vadd.s32 v25, v42;
	[tilespmem:s11+$0x4F80] =	vst v0  }
0x185: {  	v54 =	vld [tilespmem:s11+$0x36F0];
	v56 =	vmul.u32 $0x5, v38;
	v1 =	vadd.s32 v39, v40;
	v49 =	vadd.s32 v28, v43;
	[tilespmem:s11+$0x4F90] =	vst v48  }
0x186: {  	v58 =	vmul.u32 $0x41, v41;
	v57 =	vadd.s32 v52, v53;
	v1 =	vadd.s32 v31, v1;
	[tilespmem:s11+$0x4FA0] =	vst v49  }
0x187: {  	v4 =	vmul.u32 $0x5, v44;
	v60 =	vadd.s32 v55, v56;
	v59 =	vadd.s32 v47, v57;
	[tilespmem:s11+$0x4FB0] =	vst v1  }
0x188: {  	v51 =	vadd.s32 v45, v46;
	v61 =	vadd.s32 v50, v60;
	[tilespmem:s11+$0x4FD0] =	vst v59  }
0x189: {  	v0 =	vadd.s32 v34, v51;
	v62 =	vadd.s32 v58, v4;
	[tilespmem:s11+$0x4FE0] =	vst v61  }
0x18a: {  	[tilespmem:s11+$0x4FC0] =	vst v0;
	v63 =	vadd.s32 v54, v62  }
0x18b: {  	[tilespmem:s11+$0x4FF0] =	vst v63  }
0x18c: {  	_ =	swait.ge [sflag:s29], $0x4000  }
0x18d: {  	[sflag:s29] =	ssyncset.done $0x0  }
0x18e: {  	p0 =	sne.s32 s8, $0x5000;
	s11 =	sadd.s32 $0x4F80, s11;
	[sflag:s29] =	ssyncadd.s32 $0xFFFFC000  }
0x18f: {  	[tilespmem:s28], [sflag:$0x3] =	stream.indirect.gather [spmem:s3], $0x80, s11, s23, $0xb8;
	[tilespmem:$0x1AB00] =	vst v63  }
.Ltmp0:
0x190: {  	_ = 	snop;
	(pc) =	sbr.rel @p0 .LBB2_2-.Ltmp0, $4  }
0x191: {  	_ =	swait.ge [sflag:s24], $0x4000  }
0x192: {  	s8 =	sadd.s32 $0x800, s8;
	s17 =	sadd.s32 $0x10000, s17;
	[sflag:s24] =	ssyncset.done $0x0  }
0x193: {  	s12 =	sadd.s32 $0x1000, s18;
	s18 =	sadd.s32 $0x2000, s18;
	[sflag:s24] =	ssyncadd.s32 $0xFFFFC000  }
0x194: {  	[hbm4b:s12+s4] =	stream.linear.scatter [tilespmem:s0], [sflag:$0x9], $0x4000, $0x38;
	[tilespmem:$0x1AB00] =	vst v63  }
0x195: {  	_ =	swait.ge [sflag:s31], $0x4000  }
0x196: {  	[sflag:s31] =	ssyncset.done $0x0  }
0x197: {  	[sflag:s31] =	ssyncadd.s32 $0xFFFFC000  }
0x198: {  	[hbm4b:s14+s4] =	stream.linear.scatter [tilespmem:s25], [sflag:$0x6], $0x4000, $0x38;
	[tilespmem:$0x1AB00] =	vst v63  }
0x199: {  	_ =	swait.ge [sflag:s20], $0x4000  }
0x19a: {  	[sflag:s20] =	ssyncset.done $0x0  }
0x19b: {  	[sflag:s20] =	ssyncadd.s32 $0xFFFFC000  }
0x19c: {  	[hbm4b:s15+s4] =	stream.linear.scatter [tilespmem:s28], [sflag:$0x7], $0x4000, $0x38;
	[tilespmem:$0x1AB00] =	vst v63  }
0x19d: {  	_ =	swait.ge [sflag:s1], $0x4000  }
0x19e: {  	[sflag:s1] =	ssyncset.done $0x0  }
0x19f: {  	[sflag:s1] =	ssyncadd.s32 $0xFFFFC000  }
0x1a0: {  	_ =	swait.ge [sflag:s5], $0x4000  }
0x1a1: {  	[sflag:s5] =	ssyncset.done $0x0  }
0x1a2: {  	s6 =	sadd.s32 $0x1, s6;
	[sflag:s5] =	ssyncadd.s32 $0xFFFFC000  }
0x1a3: {  	p0 =	sne.s32 s6, s16;
	_ =	swait.ge [sflag:s21], $0x4000  }
.Ltmp1:
0x1a4: {  	[sflag:s21] =	ssyncset.done $0x0;
	(pc) =	sbr.rel @p0 .LBB2_1-.Ltmp1, $4  }
0x1a5: {  	[sflag:s21] =	ssyncadd.s32 $0xFFFFC000  }
0x1a6: {  	_ =	swait.ge [sflag:s29], $0x4000  }
0x1a7: {  	[sflag:s29] =	ssyncset.done $0x0  }
0x1a8: {  	[sflag:s29] =	ssyncadd.s32 $0xFFFFC000  }
0x1a9: {  	_ =	sfence.sel $0x180000  }
0x1aa: {  	[bflag:$0x0] =	sbarrier.arrive $0xFFFF  }
0x1ab: {  	_ =	strace $0x90000047  }
0x1ac: {  	s0 =	stileid.u32;
	[bflag:$0x2] =	sbarrier.arrive $0xFFFF  }
0x1ad: {  	p0 =	sne.s32 s0, $0x0;
	s0 =	rddreg [dreg:$0x3]  }
0x1ae: {  	s0 =	sadd.s32 @!p0 $0x100000, s0  }
0x1af: {  	[sflag:s0] =	ssyncadd.tile.s32 @!p0 $0x1;
	_ =	shalt  }
.Lfunc_end2:
_tile_overlayer_lowered:
.L_overlay_start_2:
0x1b0: {  	(tag) =	ssettag $0x2  }
0x1b1: {  	s0 =	rddreg [dreg:$0x0];
	s2 =	stileid.u32  }
0x1b2: {  	s1 =	rddreg [dreg:$0x1];
	p0 =	sne.s32 s2, $0x0  }
0x1b3: {  	s3 =	rddreg [dreg:$0x2];
	[bflag:$0x3] =	sbarrier.arrive $0xFFFF;
	s2 =	simm.s32 @!p0 $0x1C0A  }
0x1b4: {  	[timem:s3], [sflag:s2] =	dma.local @!p0 [hbm:s0], s1  }
0x1b5: {  	s0 =	simm.s32 @!p0 $0xA  }
0x1b6: {  	_ =	swait.ge @!p0 [sflag:s0], s1  }
0x1b7: {  	s1 =	ssub.s32 @!p0 $0x0, s1;
	[sflag:s0] =	ssyncset.done @!p0 $0x0  }
0x1b8: {  	[sflag:s0] =	ssyncadd.s32 @!p0 s1  }
0x1b9: {  	[bflag:$0x3] =	sbarrier.arrive $0xFFFF  }
0x1ba: {  	_ =	shalt  }

</sc_bundles>
